<compile_context>
chip_gen: v7x
topology: tpu7x:2x2x1
jax: 0.10.2.dev20260603
libtpu: 0.0.44.dev20260713+nightly
codegen_flags: <defaults>
</compile_context>

<pallas_src>
import functools

import jax
import jax.numpy as jnp
from jax import lax
from jax.experimental import pallas as pl
from jax.experimental.pallas import tpu as pltpu
from jax.experimental.pallas import tpu_sc as plsc

N = 10000
D = 256
E = 160000
HALF = D // 2
NC = 2
NS = 16
NPAD = 10240
RPT = NPAD // NS

CH = 80
EPT = E // NS
EPTP = EPT
NCH = EPTP // CH
CHD = 128

EW = E // (NC * NS)
EWP = 5120
NCHD = EWP // CHD

BN = 512
GN = NPAD // BN

_mesh = plsc.VectorSubcoreMesh(core_axis_name="c", subcore_axis_name="s")


@functools.partial(
    pl.kernel,
    out_type=jax.ShapeDtypeStruct((NC * NPAD,), jnp.float32),
    mesh=_mesh,
    scratch_types=[
        pltpu.VMEM((NCHD, CHD), jnp.int32),
        pltpu.VMEM((CHD,), jnp.float32),
        pltpu.VMEM_SHARED((NPAD,), jnp.float32),
        [pltpu.SemaphoreType.DMA for _ in range(4)],
    ],
)
def _deg_kernel(dstdeg_hbm, zeros_hbm, ones_hbm, deg_hbm,
                idx_v, ones_v, deg_sh, sems):
    c = lax.axis_index("c")
    s = lax.axis_index("s")
    w = c * NS + s
    pltpu.sync_copy(zeros_hbm.at[pl.ds(s * RPT, RPT)], deg_sh.at[pl.ds(s * RPT, RPT)])
    pltpu.sync_copy(ones_hbm, ones_v)
    pltpu.sync_copy(dstdeg_hbm.at[pl.ds(w * NCHD, NCHD)], idx_v)
    plsc.subcore_barrier()

    for b in range(4):
        pltpu.async_copy(ones_v, deg_sh.at[idx_v.at[b]], sems[b], add=True)

    def body(g, carry):
        for b in range(4):
            k = g * 4 + b
            pltpu.make_async_copy(ones_v, deg_sh.at[idx_v.at[k]], sems[b]).wait()
            kn = k + 4

            @pl.when(kn < NCHD)
            def _():
                pltpu.async_copy(ones_v, deg_sh.at[idx_v.at[kn]], sems[b], add=True)

        return carry

    lax.fori_loop(0, NCHD // 4, body, 0)
    plsc.subcore_barrier()
    pltpu.sync_copy(deg_sh.at[pl.ds(s * RPT, RPT)],
                    deg_hbm.at[pl.ds(c * NPAD + s * RPT, RPT)])


def _matmul_body(x_ref, w_ref, b_ref, d0_ref, d1_ref, out_ref):
    h = jnp.dot(x_ref[...], w_ref[...], preferred_element_type=jnp.float32)
    h = h + b_ref[...]
    dinv = lax.rsqrt(d0_ref[...] + d1_ref[...] + 1.0)
    out_ref[...] = h * dinv


def _matmul_scale(x_p, w, b_row, deg0, deg1):
    return pl.pallas_call(
        _matmul_body,
        grid=(GN, NC),
        in_specs=[
            pl.BlockSpec((BN, D), lambda i, j: (i, 0)),
            pl.BlockSpec((D, HALF), lambda i, j: (0, j)),
            pl.BlockSpec((1, HALF), lambda i, j: (0, j)),
            pl.BlockSpec((BN, 1), lambda i, j: (i, 0)),
            pl.BlockSpec((BN, 1), lambda i, j: (i, 0)),
        ],
        out_specs=pl.BlockSpec((BN, HALF), lambda i, j: (j * GN + i, 0)),
        out_shape=jax.ShapeDtypeStruct((NC * NPAD, HALF), jnp.float32),
    )(x_p, w, b_row, deg0, deg1)


@functools.partial(
    pl.kernel,
    out_type=jax.ShapeDtypeStruct((NC * NPAD, HALF), jnp.float32),
    mesh=_mesh,
    scratch_types=[
        [pltpu.VMEM((CH,), jnp.int32) for _ in range(8)],
        pltpu.VMEM((8, CH), jnp.int32),
        [pltpu.VMEM((CH, HALF), jnp.float32) for _ in range(4)],
        pltpu.VMEM_SHARED((NPAD, HALF), jnp.float32),
        [pltpu.SemaphoreType.DMA for _ in range(8)],
        [pltpu.SemaphoreType.DMA for _ in range(8)],
        [pltpu.SemaphoreType.DMA for _ in range(4)],
        [pltpu.SemaphoreType.DMA for _ in range(4)],
    ],
)
def _scatter_kernel(hs_hbm, src2_hbm, dst_hbm, acc_hbm,
                    src_v, dst_v, rows_v, acc_sh, isems, dsems, gsems, ssems):
    c = lax.axis_index("c")
    s = lax.axis_index("s")
    rowbase = c * NPAD
    ebase = (c * NS + s) * EPTP
    dbase = s * EPTP

    def issue_idx(k, bi):
        pltpu.async_copy(src2_hbm.at[pl.ds(ebase + k * CH, CH)],
                         src_v[bi], isems[bi])
        pltpu.async_copy(dst_hbm.at[pl.ds(dbase + k * CH, CH)],
                         dst_v.at[bi], dsems[bi])

    def wait_idx_src(k, bi):
        pltpu.make_async_copy(src2_hbm.at[pl.ds(ebase + k * CH, CH)],
                              src_v[bi], isems[bi]).wait()

    def wait_idx_dst(k, bi):
        pltpu.make_async_copy(dst_hbm.at[pl.ds(dbase + k * CH, CH)],
                              dst_v.at[bi], dsems[bi]).wait()

    def issue_gather(bi, bg):
        pltpu.async_copy(hs_hbm.at[src_v[bi]], rows_v[bg], gsems[bg])

    def wait_gather(bi, bg):
        pltpu.make_async_copy(hs_hbm.at[src_v[bi]], rows_v[bg],
                              gsems[bg]).wait()

    def issue_scatter(bi, bg):
        pltpu.async_copy(rows_v[bg], acc_sh.at[dst_v.at[bi]], ssems[bg],
                         add=True)

    def wait_scatter(bi, bg):
        pltpu.make_async_copy(rows_v[bg], acc_sh.at[dst_v.at[bi]],
                              ssems[bg]).wait()

    for k in range(6):
        issue_idx(k, k)
    pltpu.sync_copy(hs_hbm.at[pl.ds(rowbase + s * RPT, RPT)],
                    acc_sh.at[pl.ds(s * RPT, RPT)])
    plsc.subcore_barrier()
    for k in range(2):
        wait_idx_src(k, k)
        issue_gather(k, k)

    def body(g, carry):
        for b in range(8):
            k = g * 8 + b
            b4 = b % 4

            @pl.when(k < NCH)
            def _():
                wait_gather(b, b4)
                wait_idx_dst(k, b)
                issue_scatter(b, b4)

                @pl.when(k >= 2)
                def _():
                    wait_scatter((b + 6) % 8, (b4 + 2) % 4)

                kn = k + 6

                @pl.when(kn < NCH)
                def _():
                    issue_idx(kn, (b + 6) % 8)

                kg = k + 2

                @pl.when(kg < NCH)
                def _():
                    wait_idx_src(kg, (b + 2) % 8)
                    issue_gather((b + 2) % 8, (b4 + 2) % 4)

        return carry

    lax.fori_loop(0, (NCH + 7) // 8, body, 0)
    for k in (NCH - 2, NCH - 1):
        wait_scatter(k % 8, k % 4)
    plsc.subcore_barrier()
    pltpu.sync_copy(acc_sh.at[pl.ds(s * RPT, RPT)],
                    acc_hbm.at[pl.ds(rowbase + s * RPT, RPT)])


def _finish_body(acc_ref, d0_ref, d1_ref, out_ref):
    dinv = lax.rsqrt(d0_ref[...] + d1_ref[...] + 1.0)
    out_ref[...] = jnp.maximum(acc_ref[...] * dinv, 0.0)


def _finish(acc, deg0, deg1):
    return pl.pallas_call(
        _finish_body,
        grid=(GN, NC),
        in_specs=[
            pl.BlockSpec((BN, HALF), lambda i, j: (j * GN + i, 0)),
            pl.BlockSpec((BN, 1), lambda i, j: (i, 0)),
            pl.BlockSpec((BN, 1), lambda i, j: (i, 0)),
        ],
        out_specs=pl.BlockSpec((BN, HALF), lambda i, j: (i, j)),
        out_shape=jax.ShapeDtypeStruct((N, D), jnp.float32),
    )(acc, deg0, deg1)


def kernel(x, edge_index, W, b):
    src = edge_index[0]
    dst = edge_index[1]
    spread = (N + jnp.arange(256, dtype=jnp.int32) % (NPAD - N))
    src2 = jnp.concatenate([src, src + NPAD])
    pad1 = jnp.broadcast_to(spread[: EWP - EW], (NC * NS, EWP - EW))
    dstdeg = jnp.concatenate(
        [dst.reshape(NC * NS, EW), pad1], axis=1
    ).reshape(NC * NS * NCHD, CHD)
    zeros_col = jnp.zeros((NPAD,), jnp.float32)
    ones_chunk = jnp.ones((CHD,), jnp.float32)
    b_row = b.reshape(1, D)

    deg2 = _deg_kernel(dstdeg, zeros_col, ones_chunk)
    deg0 = deg2[:NPAD].reshape(NPAD, 1)
    deg1 = deg2[NPAD:].reshape(NPAD, 1)
    hs = _matmul_scale(x, W, b_row, deg0, deg1)
    acc = _scatter_kernel(hs, src2, dst)
    return _finish(acc, deg0, deg1)

# --- scband reference (transcript-rebuilt; emitter-appended) ---
"""Pipeline reference for scband-graph-gcn-inter-54614804136603 (READ-ONLY COPY).

The authoritative reference and input builder live on the scoring server;
editing this copy changes nothing except your own understanding.
"""

import jax, jax.numpy as jnp
import numpy as np

N = 10000
E = 160000
D = 256

def setup_inputs(seed: int = 0) -> dict:
    key = jax.random.key(seed)
    k1, k2, k3 = jax.random.split(key, 3)
    x = jax.random.normal(k1, (N, D), dtype=jnp.float32)
    edge_index = jax.random.randint(k2, (2, E), 0, N, dtype=jnp.int32)
    W = jax.random.normal(k3, (D, D), dtype=jnp.float32) * (1.0 / np.sqrt(D))
    b = jnp.zeros((D,), dtype=jnp.float32)
    return {"x": x, "edge_index": edge_index, "W": W, "b": b}

def reference(x, edge_index, W, b):
    n = x.shape[0]
    src = edge_index[0]
    dst = edge_index[1]
    # add self-loops (standard GCN)
    loop = jnp.arange(n, dtype=edge_index.dtype)
    src = jnp.concatenate([src, loop])
    dst = jnp.concatenate([dst, loop])
    # linear transform
    h = x @ W + b
    # symmetric degree normalization deg^{-1/2}
    deg = jnp.zeros((n,), dtype=jnp.float32).at[dst].add(1.0)
    dinv = jnp.where(deg > 0, deg ** -0.5, 0.0)
    norm = dinv[src] * dinv[dst]
    # gather messages, scale, scatter-add to destination nodes
    msg = h[src] * norm[:, None]
    out = jnp.zeros((n, h.shape[1]), dtype=h.dtype).at[dst].add(msg)
    out = jax.nn.relu(out)
    return out

if __name__ == "__main__":
    import jax
    _d = setup_inputs()
    print(jax.jit(kernel)(*tuple(_d.values())))

</pallas_src>

<mosaic_0001>
#map = affine_map<(d0, d1) -> (0, 0)>
#map1 = affine_map<(d0, d1) -> (0)>
module attributes {stable_mosaic.version = 14 : i64} {
  func.func @_deg_kernel(%arg0: i32, %arg1: i32, %arg2: memref<1280x128xi32, #tpu.memory_space<hbm>>, %arg3: memref<10240xf32, #tpu.memory_space<hbm>>, %arg4: memref<128xf32, #tpu.memory_space<hbm>>, %arg5: memref<20480xf32, #tpu.memory_space<hbm>>, %arg6: memref<40x128xi32, #tpu.memory_space<vmem>>, %arg7: memref<128xf32, #tpu.memory_space<vmem>>, %arg8: memref<10240xf32, #tpu.memory_space<vmem_shared>>, %arg9: memref<!tpu.dma_semaphore, #tpu.memory_space<semaphore_mem>>, %arg10: memref<!tpu.dma_semaphore, #tpu.memory_space<semaphore_mem>>, %arg11: memref<!tpu.dma_semaphore, #tpu.memory_space<semaphore_mem>>, %arg12: memref<!tpu.dma_semaphore, #tpu.memory_space<semaphore_mem>>) attributes {dimension_semantics = [#tpu.dimension_semantics<core_parallel>, #tpu.dimension_semantics<subcore_parallel>], iteration_bounds = array<i64: 2, 16>, scalar_prefetch = 0 : i64, scratch_operands = 7 : i64, tpu.core_type = #tpu.core_type<sc_vector_subcore>, window_params = [{transform_indices = #map}, {transform_indices = #map1}, {transform_indices = #map1}, {transform_indices = #map1}]} {
    %mul3A = arith.constant 16 : i32
    %mul3A_0 = arith.muli %arg0, %mul3A : i32
    %add3A = arith.addi %mul3A_0, %arg1 : i32
    %mul3A_1 = arith.constant 640 : i32
    %mul3A_2 = arith.muli %arg1, %mul3A_1 : i32
    %mul3A_3 = arith.constant 640 : i32
    %mul3A_4 = arith.muli %arg1, %mul3A_3 : i32
    "tpu.region"() ({
      %run_scoped3A = tpu.sem_alloc : memref<!tpu.dma_semaphore, #tpu.memory_space<semaphore_mem>>
      %dma_start3A_43 = tpu.memref_slice %arg8[%mul3A_4] : memref<10240xf32, #tpu.memory_space<vmem_shared>> -> memref<640xf32, #tpu.memory_space<vmem_shared>>
      %dma_start3A_44 = tpu.memref_slice %arg3[%mul3A_2] : memref<10240xf32, #tpu.memory_space<hbm>> -> memref<640xf32, #tpu.memory_space<hbm>>
      tpu.enqueue_dma source(%dma_start3A_44 : memref<640xf32, #tpu.memory_space<hbm>>) target(%dma_start3A_43 : memref<640xf32, #tpu.memory_space<vmem_shared>>) target_semaphore(%run_scoped3A : memref<!tpu.dma_semaphore, #tpu.memory_space<semaphore_mem>>)
      %dma_wait3A = tpu.memref_slice %arg8[%mul3A_4] : memref<10240xf32, #tpu.memory_space<vmem_shared>> -> memref<640xf32, #tpu.memory_space<vmem_shared>>
      %dma_wait3A_45 = tpu.memref_slice %arg3[%mul3A_2] : memref<10240xf32, #tpu.memory_space<hbm>> -> memref<640xf32, #tpu.memory_space<hbm>>
      tpu.wait_dma2 semaphore(%run_scoped3A : memref<!tpu.dma_semaphore, #tpu.memory_space<semaphore_mem>>) src(%dma_wait3A_45 : memref<640xf32, #tpu.memory_space<hbm>>) dst(%dma_wait3A : memref<640xf32, #tpu.memory_space<vmem_shared>>)
      tpu.yield
    }) : () -> ()
    "tpu.region"() ({
      %run_scoped3A = tpu.sem_alloc : memref<!tpu.dma_semaphore, #tpu.memory_space<semaphore_mem>>
      tpu.enqueue_dma source(%arg4 : memref<128xf32, #tpu.memory_space<hbm>>) target(%arg7 : memref<128xf32, #tpu.memory_space<vmem>>) target_semaphore(%run_scoped3A : memref<!tpu.dma_semaphore, #tpu.memory_space<semaphore_mem>>)
      tpu.wait_dma2 semaphore(%run_scoped3A : memref<!tpu.dma_semaphore, #tpu.memory_space<semaphore_mem>>) src(%arg4 : memref<128xf32, #tpu.memory_space<hbm>>) dst(%arg7 : memref<128xf32, #tpu.memory_space<vmem>>)
      tpu.yield
    }) : () -> ()
    %mul3A_5 = arith.constant 40 : i32
    %mul3A_6 = arith.muli %add3A, %mul3A_5 : i32
    "tpu.region"() ({
      %run_scoped3A = tpu.sem_alloc : memref<!tpu.dma_semaphore, #tpu.memory_space<semaphore_mem>>
      %dma_start3A_43 = arith.constant 0 : i32
      %dma_start3A_44 = tpu.memref_slice %arg2[%mul3A_6, %dma_start3A_43] : memref<1280x128xi32, #tpu.memory_space<hbm>> -> memref<40x128xi32, #tpu.memory_space<hbm>>
      %dma_start3A_45 = arith.constant 0 : i32
      %dma_start3A_46 = tpu.memref_slice %arg2[%mul3A_6, %dma_start3A_45] : memref<1280x128xi32, #tpu.memory_space<hbm>> -> memref<40x128xi32, #tpu.memory_space<hbm>>
      tpu.enqueue_dma source(%dma_start3A_46 : memref<40x128xi32, #tpu.memory_space<hbm>>) target(%arg6 : memref<40x128xi32, #tpu.memory_space<vmem>>) target_semaphore(%run_scoped3A : memref<!tpu.dma_semaphore, #tpu.memory_space<semaphore_mem>>)
      %dma_wait3A = arith.constant 0 : i32
      %dma_wait3A_47 = tpu.memref_slice %arg2[%mul3A_6, %dma_wait3A] : memref<1280x128xi32, #tpu.memory_space<hbm>> -> memref<40x128xi32, #tpu.memory_space<hbm>>
      %dma_wait3A_48 = arith.constant 0 : i32
      %dma_wait3A_49 = tpu.memref_slice %arg2[%mul3A_6, %dma_wait3A_48] : memref<1280x128xi32, #tpu.memory_space<hbm>> -> memref<40x128xi32, #tpu.memory_space<hbm>>
      tpu.wait_dma2 semaphore(%run_scoped3A : memref<!tpu.dma_semaphore, #tpu.memory_space<semaphore_mem>>) src(%dma_wait3A_49 : memref<40x128xi32, #tpu.memory_space<hbm>>) dst(%arg6 : memref<40x128xi32, #tpu.memory_space<vmem>>)
      tpu.yield
    }) : () -> ()
    %barrier3A = arith.constant 0 : index
    tpu.barrier barrier_id(%barrier3A)
    %dma_start3A = arith.constant 0 : i32
    %dma_start3A_7 = arith.constant 0 : i32
    %dma_start3A_8 = tpu.memref_slice %arg6[%dma_start3A, %dma_start3A_7] : memref<40x128xi32, #tpu.memory_space<vmem>> -> memref<1x128xi32, #tpu.memory_space<vmem>>
    %dma_start3A_9 = tpu.memref_squeeze %dma_start3A_8 : memref<1x128xi32, #tpu.memory_space<vmem>> -> memref<128xi32, #tpu.memory_space<vmem>>
    %dma_start3A_10 = arith.constant 0 : i32
    %dma_start3A_11 = tpu.memref_slice %arg8[%dma_start3A_10] : memref<10240xf32, #tpu.memory_space<vmem_shared>> -> memref<10240xf32, #tpu.memory_space<vmem_shared>>
    tpu.enqueue_indirect_dma source(%arg7 : memref<128xf32, #tpu.memory_space<vmem>>) target(%dma_start3A_11 : memref<10240xf32, #tpu.memory_space<vmem_shared>>) offsets(%dma_start3A_9 : memref<128xi32, #tpu.memory_space<vmem>>) semaphore(%arg9 : memref<!tpu.dma_semaphore, #tpu.memory_space<semaphore_mem>>) {add = true}
    %dma_start3A_12 = arith.constant 1 : i32
    %dma_start3A_13 = arith.constant 0 : i32
    %dma_start3A_14 = tpu.memref_slice %arg6[%dma_start3A_12, %dma_start3A_13] : memref<40x128xi32, #tpu.memory_space<vmem>> -> memref<1x128xi32, #tpu.memory_space<vmem>>
    %dma_start3A_15 = tpu.memref_squeeze %dma_start3A_14 : memref<1x128xi32, #tpu.memory_space<vmem>> -> memref<128xi32, #tpu.memory_space<vmem>>
    %dma_start3A_16 = arith.constant 0 : i32
    %dma_start3A_17 = tpu.memref_slice %arg8[%dma_start3A_16] : memref<10240xf32, #tpu.memory_space<vmem_shared>> -> memref<10240xf32, #tpu.memory_space<vmem_shared>>
    tpu.enqueue_indirect_dma source(%arg7 : memref<128xf32, #tpu.memory_space<vmem>>) target(%dma_start3A_17 : memref<10240xf32, #tpu.memory_space<vmem_shared>>) offsets(%dma_start3A_15 : memref<128xi32, #tpu.memory_space<vmem>>) semaphore(%arg10 : memref<!tpu.dma_semaphore, #tpu.memory_space<semaphore_mem>>) {add = true}
    %dma_start3A_18 = arith.constant 2 : i32
    %dma_start3A_19 = arith.constant 0 : i32
    %dma_start3A_20 = tpu.memref_slice %arg6[%dma_start3A_18, %dma_start3A_19] : memref<40x128xi32, #tpu.memory_space<vmem>> -> memref<1x128xi32, #tpu.memory_space<vmem>>
    %dma_start3A_21 = tpu.memref_squeeze %dma_start3A_20 : memref<1x128xi32, #tpu.memory_space<vmem>> -> memref<128xi32, #tpu.memory_space<vmem>>
    %dma_start3A_22 = arith.constant 0 : i32
    %dma_start3A_23 = tpu.memref_slice %arg8[%dma_start3A_22] : memref<10240xf32, #tpu.memory_space<vmem_shared>> -> memref<10240xf32, #tpu.memory_space<vmem_shared>>
    tpu.enqueue_indirect_dma source(%arg7 : memref<128xf32, #tpu.memory_space<vmem>>) target(%dma_start3A_23 : memref<10240xf32, #tpu.memory_space<vmem_shared>>) offsets(%dma_start3A_21 : memref<128xi32, #tpu.memory_space<vmem>>) semaphore(%arg11 : memref<!tpu.dma_semaphore, #tpu.memory_space<semaphore_mem>>) {add = true}
    %dma_start3A_24 = arith.constant 3 : i32
    %dma_start3A_25 = arith.constant 0 : i32
    %dma_start3A_26 = tpu.memref_slice %arg6[%dma_start3A_24, %dma_start3A_25] : memref<40x128xi32, #tpu.memory_space<vmem>> -> memref<1x128xi32, #tpu.memory_space<vmem>>
    %dma_start3A_27 = tpu.memref_squeeze %dma_start3A_26 : memref<1x128xi32, #tpu.memory_space<vmem>> -> memref<128xi32, #tpu.memory_space<vmem>>
    %dma_start3A_28 = arith.constant 0 : i32
    %dma_start3A_29 = tpu.memref_slice %arg8[%dma_start3A_28] : memref<10240xf32, #tpu.memory_space<vmem_shared>> -> memref<10240xf32, #tpu.memory_space<vmem_shared>>
    tpu.enqueue_indirect_dma source(%arg7 : memref<128xf32, #tpu.memory_space<vmem>>) target(%dma_start3A_29 : memref<10240xf32, #tpu.memory_space<vmem_shared>>) offsets(%dma_start3A_27 : memref<128xi32, #tpu.memory_space<vmem>>) semaphore(%arg12 : memref<!tpu.dma_semaphore, #tpu.memory_space<semaphore_mem>>) {add = true}
    %scan3A = arith.constant 0 : i32
    %scan3A_30 = arith.constant 0 : i32
    %scan3A_31 = arith.constant 10 : i32
    %scan3A_32 = arith.addi %scan3A_30, %scan3A_31 : i32
    %scan3A_33 = arith.constant 1 : i32
    scf.for %scan3A_43 = %scan3A_30 to %scan3A_32 step %scan3A_33  : i32 {
      %mul3A_44 = arith.constant 4 : i32
      %mul3A_45 = arith.muli %scan3A_43, %mul3A_44 : i32
      %add3A_46 = arith.constant 0 : i32
      %add3A_47 = arith.addi %mul3A_45, %add3A_46 : i32
      %dma_wait3A = arith.constant 0 : i32
      %dma_wait3A_48 = tpu.memref_slice %arg6[%add3A_47, %dma_wait3A] : memref<40x128xi32, #tpu.memory_space<vmem>> -> memref<1x128xi32, #tpu.memory_space<vmem>>
      %dma_wait3A_49 = tpu.memref_squeeze %dma_wait3A_48 : memref<1x128xi32, #tpu.memory_space<vmem>> -> memref<128xi32, #tpu.memory_space<vmem>>
      %dma_wait3A_50 = arith.constant 0 : i32
      %dma_wait3A_51 = tpu.memref_slice %arg8[%dma_wait3A_50] : memref<10240xf32, #tpu.memory_space<vmem_shared>> -> memref<10240xf32, #tpu.memory_space<vmem_shared>>
      tpu.wait_indirect_dma semaphore(%arg9 : memref<!tpu.dma_semaphore, #tpu.memory_space<semaphore_mem>>) src(%arg7 : memref<128xf32, #tpu.memory_space<vmem>>) dst(%dma_wait3A_51 : memref<10240xf32, #tpu.memory_space<vmem_shared>>)
      %add3A_52 = arith.constant 4 : i32
      %add3A_53 = arith.addi %add3A_47, %add3A_52 : i32
      %lt3A = arith.constant 40 : i32
      %lt3A_54 = arith.cmpi slt, %add3A_53, %lt3A : i32
      %convert_element_type3A = arith.extui %lt3A_54 : i1 to i32
      %cond3A = arith.constant 0 : i32
      %cond3A_55 = arith.cmpi ne, %convert_element_type3A, %cond3A : i32
      scf.if %cond3A_55 {
        %dma_start3A_104 = arith.constant 0 : i32
        %dma_start3A_105 = tpu.memref_slice %arg6[%add3A_53, %dma_start3A_104] : memref<40x128xi32, #tpu.memory_space<vmem>> -> memref<1x128xi32, #tpu.memory_space<vmem>>
        %dma_start3A_106 = tpu.memref_squeeze %dma_start3A_105 : memref<1x128xi32, #tpu.memory_space<vmem>> -> memref<128xi32, #tpu.memory_space<vmem>>
        %dma_start3A_107 = arith.constant 0 : i32
        %dma_start3A_108 = tpu.memref_slice %arg8[%dma_start3A_107] : memref<10240xf32, #tpu.memory_space<vmem_shared>> -> memref<10240xf32, #tpu.memory_space<vmem_shared>>
        tpu.enqueue_indirect_dma source(%arg7 : memref<128xf32, #tpu.memory_space<vmem>>) target(%dma_start3A_108 : memref<10240xf32, #tpu.memory_space<vmem_shared>>) offsets(%dma_start3A_106 : memref<128xi32, #tpu.memory_space<vmem>>) semaphore(%arg9 : memref<!tpu.dma_semaphore, #tpu.memory_space<semaphore_mem>>) {add = true}
      } else {
      }
      %mul3A_56 = arith.constant 4 : i32
      %mul3A_57 = arith.muli %scan3A_43, %mul3A_56 : i32
      %add3A_58 = arith.constant 1 : i32
      %add3A_59 = arith.addi %mul3A_57, %add3A_58 : i32
      %dma_wait3A_60 = arith.constant 0 : i32
      %dma_wait3A_61 = tpu.memref_slice %arg6[%add3A_59, %dma_wait3A_60] : memref<40x128xi32, #tpu.memory_space<vmem>> -> memref<1x128xi32, #tpu.memory_space<vmem>>
      %dma_wait3A_62 = tpu.memref_squeeze %dma_wait3A_61 : memref<1x128xi32, #tpu.memory_space<vmem>> -> memref<128xi32, #tpu.memory_space<vmem>>
      %dma_wait3A_63 = arith.constant 0 : i32
      %dma_wait3A_64 = tpu.memref_slice %arg8[%dma_wait3A_63] : memref<10240xf32, #tpu.memory_space<vmem_shared>> -> memref<10240xf32, #tpu.memory_space<vmem_shared>>
      tpu.wait_indirect_dma semaphore(%arg10 : memref<!tpu.dma_semaphore, #tpu.memory_space<semaphore_mem>>) src(%arg7 : memref<128xf32, #tpu.memory_space<vmem>>) dst(%dma_wait3A_64 : memref<10240xf32, #tpu.memory_space<vmem_shared>>)
      %add3A_65 = arith.constant 4 : i32
      %add3A_66 = arith.addi %add3A_59, %add3A_65 : i32
      %lt3A_67 = arith.constant 40 : i32
      %lt3A_68 = arith.cmpi slt, %add3A_66, %lt3A_67 : i32
      %convert_element_type3A_69 = arith.extui %lt3A_68 : i1 to i32
      %cond3A_70 = arith.constant 0 : i32
      %cond3A_71 = arith.cmpi ne, %convert_element_type3A_69, %cond3A_70 : i32
      scf.if %cond3A_71 {
        %dma_start3A_104 = arith.constant 0 : i32
        %dma_start3A_105 = tpu.memref_slice %arg6[%add3A_66, %dma_start3A_104] : memref<40x128xi32, #tpu.memory_space<vmem>> -> memref<1x128xi32, #tpu.memory_space<vmem>>
        %dma_start3A_106 = tpu.memref_squeeze %dma_start3A_105 : memref<1x128xi32, #tpu.memory_space<vmem>> -> memref<128xi32, #tpu.memory_space<vmem>>
        %dma_start3A_107 = arith.constant 0 : i32
        %dma_start3A_108 = tpu.memref_slice %arg8[%dma_start3A_107] : memref<10240xf32, #tpu.memory_space<vmem_shared>> -> memref<10240xf32, #tpu.memory_space<vmem_shared>>
        tpu.enqueue_indirect_dma source(%arg7 : memref<128xf32, #tpu.memory_space<vmem>>) target(%dma_start3A_108 : memref<10240xf32, #tpu.memory_space<vmem_shared>>) offsets(%dma_start3A_106 : memref<128xi32, #tpu.memory_space<vmem>>) semaphore(%arg10 : memref<!tpu.dma_semaphore, #tpu.memory_space<semaphore_mem>>) {add = true}
      } else {
      }
      %mul3A_72 = arith.constant 4 : i32
      %mul3A_73 = arith.muli %scan3A_43, %mul3A_72 : i32
      %add3A_74 = arith.constant 2 : i32
      %add3A_75 = arith.addi %mul3A_73, %add3A_74 : i32
      %dma_wait3A_76 = arith.constant 0 : i32
      %dma_wait3A_77 = tpu.memref_slice %arg6[%add3A_75, %dma_wait3A_76] : memref<40x128xi32, #tpu.memory_space<vmem>> -> memref<1x128xi32, #tpu.memory_space<vmem>>
      %dma_wait3A_78 = tpu.memref_squeeze %dma_wait3A_77 : memref<1x128xi32, #tpu.memory_space<vmem>> -> memref<128xi32, #tpu.memory_space<vmem>>
      %dma_wait3A_79 = arith.constant 0 : i32
      %dma_wait3A_80 = tpu.memref_slice %arg8[%dma_wait3A_79] : memref<10240xf32, #tpu.memory_space<vmem_shared>> -> memref<10240xf32, #tpu.memory_space<vmem_shared>>
      tpu.wait_indirect_dma semaphore(%arg11 : memref<!tpu.dma_semaphore, #tpu.memory_space<semaphore_mem>>) src(%arg7 : memref<128xf32, #tpu.memory_space<vmem>>) dst(%dma_wait3A_80 : memref<10240xf32, #tpu.memory_space<vmem_shared>>)
      %add3A_81 = arith.constant 4 : i32
      %add3A_82 = arith.addi %add3A_75, %add3A_81 : i32
      %lt3A_83 = arith.constant 40 : i32
      %lt3A_84 = arith.cmpi slt, %add3A_82, %lt3A_83 : i32
      %convert_element_type3A_85 = arith.extui %lt3A_84 : i1 to i32
      %cond3A_86 = arith.constant 0 : i32
      %cond3A_87 = arith.cmpi ne, %convert_element_type3A_85, %cond3A_86 : i32
      scf.if %cond3A_87 {
        %dma_start3A_104 = arith.constant 0 : i32
        %dma_start3A_105 = tpu.memref_slice %arg6[%add3A_82, %dma_start3A_104] : memref<40x128xi32, #tpu.memory_space<vmem>> -> memref<1x128xi32, #tpu.memory_space<vmem>>
        %dma_start3A_106 = tpu.memref_squeeze %dma_start3A_105 : memref<1x128xi32, #tpu.memory_space<vmem>> -> memref<128xi32, #tpu.memory_space<vmem>>
        %dma_start3A_107 = arith.constant 0 : i32
        %dma_start3A_108 = tpu.memref_slice %arg8[%dma_start3A_107] : memref<10240xf32, #tpu.memory_space<vmem_shared>> -> memref<10240xf32, #tpu.memory_space<vmem_shared>>
        tpu.enqueue_indirect_dma source(%arg7 : memref<128xf32, #tpu.memory_space<vmem>>) target(%dma_start3A_108 : memref<10240xf32, #tpu.memory_space<vmem_shared>>) offsets(%dma_start3A_106 : memref<128xi32, #tpu.memory_space<vmem>>) semaphore(%arg11 : memref<!tpu.dma_semaphore, #tpu.memory_space<semaphore_mem>>) {add = true}
      } else {
      }
      %mul3A_88 = arith.constant 4 : i32
      %mul3A_89 = arith.muli %scan3A_43, %mul3A_88 : i32
      %add3A_90 = arith.constant 3 : i32
      %add3A_91 = arith.addi %mul3A_89, %add3A_90 : i32
      %dma_wait3A_92 = arith.constant 0 : i32
      %dma_wait3A_93 = tpu.memref_slice %arg6[%add3A_91, %dma_wait3A_92] : memref<40x128xi32, #tpu.memory_space<vmem>> -> memref<1x128xi32, #tpu.memory_space<vmem>>
      %dma_wait3A_94 = tpu.memref_squeeze %dma_wait3A_93 : memref<1x128xi32, #tpu.memory_space<vmem>> -> memref<128xi32, #tpu.memory_space<vmem>>
      %dma_wait3A_95 = arith.constant 0 : i32
      %dma_wait3A_96 = tpu.memref_slice %arg8[%dma_wait3A_95] : memref<10240xf32, #tpu.memory_space<vmem_shared>> -> memref<10240xf32, #tpu.memory_space<vmem_shared>>
      tpu.wait_indirect_dma semaphore(%arg12 : memref<!tpu.dma_semaphore, #tpu.memory_space<semaphore_mem>>) src(%arg7 : memref<128xf32, #tpu.memory_space<vmem>>) dst(%dma_wait3A_96 : memref<10240xf32, #tpu.memory_space<vmem_shared>>)
      %add3A_97 = arith.constant 4 : i32
      %add3A_98 = arith.addi %add3A_91, %add3A_97 : i32
      %lt3A_99 = arith.constant 40 : i32
      %lt3A_100 = arith.cmpi slt, %add3A_98, %lt3A_99 : i32
      %convert_element_type3A_101 = arith.extui %lt3A_100 : i1 to i32
      %cond3A_102 = arith.constant 0 : i32
      %cond3A_103 = arith.cmpi ne, %convert_element_type3A_101, %cond3A_102 : i32
      scf.if %cond3A_103 {
        %dma_start3A_104 = arith.constant 0 : i32
        %dma_start3A_105 = tpu.memref_slice %arg6[%add3A_98, %dma_start3A_104] : memref<40x128xi32, #tpu.memory_space<vmem>> -> memref<1x128xi32, #tpu.memory_space<vmem>>
        %dma_start3A_106 = tpu.memref_squeeze %dma_start3A_105 : memref<1x128xi32, #tpu.memory_space<vmem>> -> memref<128xi32, #tpu.memory_space<vmem>>
        %dma_start3A_107 = arith.constant 0 : i32
        %dma_start3A_108 = tpu.memref_slice %arg8[%dma_start3A_107] : memref<10240xf32, #tpu.memory_space<vmem_shared>> -> memref<10240xf32, #tpu.memory_space<vmem_shared>>
        tpu.enqueue_indirect_dma source(%arg7 : memref<128xf32, #tpu.memory_space<vmem>>) target(%dma_start3A_108 : memref<10240xf32, #tpu.memory_space<vmem_shared>>) offsets(%dma_start3A_106 : memref<128xi32, #tpu.memory_space<vmem>>) semaphore(%arg12 : memref<!tpu.dma_semaphore, #tpu.memory_space<semaphore_mem>>) {add = true}
      } else {
      }
    }
    %scan3A_34 = arith.constant 10 : i32
    %barrier3A_35 = arith.constant 0 : index
    tpu.barrier barrier_id(%barrier3A_35)
    %mul3A_36 = arith.constant 640 : i32
    %mul3A_37 = arith.muli %arg1, %mul3A_36 : i32
    %mul3A_38 = arith.constant 10240 : i32
    %mul3A_39 = arith.muli %arg0, %mul3A_38 : i32
    %mul3A_40 = arith.constant 640 : i32
    %mul3A_41 = arith.muli %arg1, %mul3A_40 : i32
    %add3A_42 = arith.addi %mul3A_39, %mul3A_41 : i32
    "tpu.region"() ({
      %run_scoped3A = tpu.sem_alloc : memref<!tpu.dma_semaphore, #tpu.memory_space<semaphore_mem>>
      %dma_start3A_43 = tpu.memref_slice %arg5[%add3A_42] : memref<20480xf32, #tpu.memory_space<hbm>> -> memref<640xf32, #tpu.memory_space<hbm>>
      %dma_start3A_44 = tpu.memref_slice %arg8[%mul3A_37] : memref<10240xf32, #tpu.memory_space<vmem_shared>> -> memref<640xf32, #tpu.memory_space<vmem_shared>>
      tpu.enqueue_dma source(%dma_start3A_44 : memref<640xf32, #tpu.memory_space<vmem_shared>>) target(%dma_start3A_43 : memref<640xf32, #tpu.memory_space<hbm>>) target_semaphore(%run_scoped3A : memref<!tpu.dma_semaphore, #tpu.memory_space<semaphore_mem>>)
      %dma_wait3A = tpu.memref_slice %arg5[%add3A_42] : memref<20480xf32, #tpu.memory_space<hbm>> -> memref<640xf32, #tpu.memory_space<hbm>>
      %dma_wait3A_45 = tpu.memref_slice %arg8[%mul3A_37] : memref<10240xf32, #tpu.memory_space<vmem_shared>> -> memref<640xf32, #tpu.memory_space<vmem_shared>>
      tpu.wait_dma2 semaphore(%run_scoped3A : memref<!tpu.dma_semaphore, #tpu.memory_space<semaphore_mem>>) src(%dma_wait3A_45 : memref<640xf32, #tpu.memory_space<vmem_shared>>) dst(%dma_wait3A : memref<640xf32, #tpu.memory_space<hbm>>)
      tpu.yield
    }) : () -> ()
    return
  }
}

#map = affine_map<(d0, d1) -> (0, 0)>
#map1 = affine_map<(d0, d1) -> (0)>
module attributes {stable_mosaic.version = 14 : i64} {
  func.func @_scatter_kernel(%arg0: i32, %arg1: i32, %arg2: memref<20480x128xf32, #tpu.memory_space<hbm>>, %arg3: memref<320000xi32, #tpu.memory_space<hbm>>, %arg4: memref<160000xi32, #tpu.memory_space<hbm>>, %arg5: memref<20480x128xf32, #tpu.memory_space<hbm>>, %arg6: memref<80xi32, #tpu.memory_space<vmem>>, %arg7: memref<80xi32, #tpu.memory_space<vmem>>, %arg8: memref<80xi32, #tpu.memory_space<vmem>>, %arg9: memref<80xi32, #tpu.memory_space<vmem>>, %arg10: memref<80xi32, #tpu.memory_space<vmem>>, %arg11: memref<80xi32, #tpu.memory_space<vmem>>, %arg12: memref<80xi32, #tpu.memory_space<vmem>>, %arg13: memref<80xi32, #tpu.memory_space<vmem>>, %arg14: memref<8x80xi32, #tpu.memory_space<vmem>>, %arg15: memref<80x128xf32, #tpu.memory_space<vmem>>, %arg16: memref<80x128xf32, #tpu.memory_space<vmem>>, %arg17: memref<80x128xf32, #tpu.memory_space<vmem>>, %arg18: memref<80x128xf32, #tpu.memory_space<vmem>>, %arg19: memref<10240x128xf32, #tpu.memory_space<vmem_shared>>, %arg20: memref<!tpu.dma_semaphore, #tpu.memory_space<semaphore_mem>>, %arg21: memref<!tpu.dma_semaphore, #tpu.memory_space<semaphore_mem>>, %arg22: memref<!tpu.dma_semaphore, #tpu.memory_space<semaphore_mem>>, %arg23: memref<!tpu.dma_semaphore, #tpu.memory_space<semaphore_mem>>, %arg24: memref<!tpu.dma_semaphore, #tpu.memory_space<semaphore_mem>>, %arg25: memref<!tpu.dma_semaphore, #tpu.memory_space<semaphore_mem>>, %arg26: memref<!tpu.dma_semaphore, #tpu.memory_space<semaphore_mem>>, %arg27: memref<!tpu.dma_semaphore, #tpu.memory_space<semaphore_mem>>, %arg28: memref<!tpu.dma_semaphore, #tpu.memory_space<semaphore_mem>>, %arg29: memref<!tpu.dma_semaphore, #tpu.memory_space<semaphore_mem>>, %arg30: memref<!tpu.dma_semaphore, #tpu.memory_space<semaphore_mem>>, %arg31: memref<!tpu.dma_semaphore, #tpu.memory_space<semaphore_mem>>, %arg32: memref<!tpu.dma_semaphore, #tpu.memory_space<semaphore_mem>>, %arg33: memref<!tpu.dma_semaphore, #tpu.memory_space<semaphore_mem>>, %arg34: memref<!tpu.dma_semaphore, #tpu.memory_space<semaphore_mem>>, %arg35: memref<!tpu.dma_semaphore, #tpu.memory_space<semaphore_mem>>, %arg36: memref<!tpu.dma_semaphore, #tpu.memory_space<semaphore_mem>>, %arg37: memref<!tpu.dma_semaphore, #tpu.memory_space<semaphore_mem>>, %arg38: memref<!tpu.dma_semaphore, #tpu.memory_space<semaphore_mem>>, %arg39: memref<!tpu.dma_semaphore, #tpu.memory_space<semaphore_mem>>, %arg40: memref<!tpu.dma_semaphore, #tpu.memory_space<semaphore_mem>>, %arg41: memref<!tpu.dma_semaphore, #tpu.memory_space<semaphore_mem>>, %arg42: memref<!tpu.dma_semaphore, #tpu.memory_space<semaphore_mem>>, %arg43: memref<!tpu.dma_semaphore, #tpu.memory_space<semaphore_mem>>) attributes {dimension_semantics = [#tpu.dimension_semantics<core_parallel>, #tpu.dimension_semantics<subcore_parallel>], iteration_bounds = array<i64: 2, 16>, scalar_prefetch = 0 : i64, scratch_operands = 38 : i64, tpu.core_type = #tpu.core_type<sc_vector_subcore>, window_params = [{transform_indices = #map}, {transform_indices = #map1}, {transform_indices = #map1}, {transform_indices = #map}]} {
    %mul3A = arith.constant 10240 : i32
    %mul3A_0 = arith.muli %arg0, %mul3A : i32
    %mul3A_1 = arith.constant 16 : i32
    %mul3A_2 = arith.muli %arg0, %mul3A_1 : i32
    %add3A = arith.addi %mul3A_2, %arg1 : i32
    %mul3A_3 = arith.constant 10000 : i32
    %mul3A_4 = arith.muli %add3A, %mul3A_3 : i32
    %mul3A_5 = arith.constant 10000 : i32
    %mul3A_6 = arith.muli %arg1, %mul3A_5 : i32
    %add3A_7 = arith.constant 0 : i32
    %add3A_8 = arith.addi %mul3A_4, %add3A_7 : i32
    %dma_start3A = tpu.memref_slice %arg3[%add3A_8] : memref<320000xi32, #tpu.memory_space<hbm>> -> memref<80xi32, #tpu.memory_space<hbm>>
    %dma_start3A_9 = tpu.memref_slice %arg3[%add3A_8] : memref<320000xi32, #tpu.memory_space<hbm>> -> memref<80xi32, #tpu.memory_space<hbm>>
    tpu.enqueue_dma source(%dma_start3A_9 : memref<80xi32, #tpu.memory_space<hbm>>) target(%arg6 : memref<80xi32, #tpu.memory_space<vmem>>) target_semaphore(%arg20 : memref<!tpu.dma_semaphore, #tpu.memory_space<semaphore_mem>>)
    %add3A_10 = arith.constant 0 : i32
    %add3A_11 = arith.addi %mul3A_6, %add3A_10 : i32
    %dma_start3A_12 = arith.constant 0 : i32
    %dma_start3A_13 = arith.constant 0 : i32
    %dma_start3A_14 = tpu.memref_slice %arg14[%dma_start3A_12, %dma_start3A_13] : memref<8x80xi32, #tpu.memory_space<vmem>> -> memref<1x80xi32, #tpu.memory_space<vmem>>
    %dma_start3A_15 = tpu.memref_squeeze %dma_start3A_14 : memref<1x80xi32, #tpu.memory_space<vmem>> -> memref<80xi32, #tpu.memory_space<vmem>>
    %dma_start3A_16 = tpu.memref_slice %arg4[%add3A_11] : memref<160000xi32, #tpu.memory_space<hbm>> -> memref<80xi32, #tpu.memory_space<hbm>>
    %dma_start3A_17 = arith.constant 0 : i32
    %dma_start3A_18 = tpu.memref_slice %arg14[%dma_start3A_12, %dma_start3A_17] : memref<8x80xi32, #tpu.memory_space<vmem>> -> memref<1x80xi32, #tpu.memory_space<vmem>>
    %dma_start3A_19 = tpu.memref_squeeze %dma_start3A_18 : memref<1x80xi32, #tpu.memory_space<vmem>> -> memref<80xi32, #tpu.memory_space<vmem>>
    %dma_start3A_20 = tpu.memref_slice %arg4[%add3A_11] : memref<160000xi32, #tpu.memory_space<hbm>> -> memref<80xi32, #tpu.memory_space<hbm>>
    tpu.enqueue_dma source(%dma_start3A_20 : memref<80xi32, #tpu.memory_space<hbm>>) target(%dma_start3A_19 : memref<80xi32, #tpu.memory_space<vmem>>) target_semaphore(%arg28 : memref<!tpu.dma_semaphore, #tpu.memory_space<semaphore_mem>>)
    %add3A_21 = arith.constant 80 : i32
    %add3A_22 = arith.addi %mul3A_4, %add3A_21 : i32
    %dma_start3A_23 = tpu.memref_slice %arg3[%add3A_22] : memref<320000xi32, #tpu.memory_space<hbm>> -> memref<80xi32, #tpu.memory_space<hbm>>
    %dma_start3A_24 = tpu.memref_slice %arg3[%add3A_22] : memref<320000xi32, #tpu.memory_space<hbm>> -> memref<80xi32, #tpu.memory_space<hbm>>
    tpu.enqueue_dma source(%dma_start3A_24 : memref<80xi32, #tpu.memory_space<hbm>>) target(%arg7 : memref<80xi32, #tpu.memory_space<vmem>>) target_semaphore(%arg21 : memref<!tpu.dma_semaphore, #tpu.memory_space<semaphore_mem>>)
    %add3A_25 = arith.constant 80 : i32
    %add3A_26 = arith.addi %mul3A_6, %add3A_25 : i32
    %dma_start3A_27 = arith.constant 1 : i32
    %dma_start3A_28 = arith.constant 0 : i32
    %dma_start3A_29 = tpu.memref_slice %arg14[%dma_start3A_27, %dma_start3A_28] : memref<8x80xi32, #tpu.memory_space<vmem>> -> memref<1x80xi32, #tpu.memory_space<vmem>>
    %dma_start3A_30 = tpu.memref_squeeze %dma_start3A_29 : memref<1x80xi32, #tpu.memory_space<vmem>> -> memref<80xi32, #tpu.memory_space<vmem>>
    %dma_start3A_31 = tpu.memref_slice %arg4[%add3A_26] : memref<160000xi32, #tpu.memory_space<hbm>> -> memref<80xi32, #tpu.memory_space<hbm>>
    %dma_start3A_32 = arith.constant 0 : i32
    %dma_start3A_33 = tpu.memref_slice %arg14[%dma_start3A_27, %dma_start3A_32] : memref<8x80xi32, #tpu.memory_space<vmem>> -> memref<1x80xi32, #tpu.memory_space<vmem>>
    %dma_start3A_34 = tpu.memref_squeeze %dma_start3A_33 : memref<1x80xi32, #tpu.memory_space<vmem>> -> memref<80xi32, #tpu.memory_space<vmem>>
    %dma_start3A_35 = tpu.memref_slice %arg4[%add3A_26] : memref<160000xi32, #tpu.memory_space<hbm>> -> memref<80xi32, #tpu.memory_space<hbm>>
    tpu.enqueue_dma source(%dma_start3A_35 : memref<80xi32, #tpu.memory_space<hbm>>) target(%dma_start3A_34 : memref<80xi32, #tpu.memory_space<vmem>>) target_semaphore(%arg29 : memref<!tpu.dma_semaphore, #tpu.memory_space<semaphore_mem>>)
    %add3A_36 = arith.constant 160 : i32
    %add3A_37 = arith.addi %mul3A_4, %add3A_36 : i32
    %dma_start3A_38 = tpu.memref_slice %arg3[%add3A_37] : memref<320000xi32, #tpu.memory_space<hbm>> -> memref<80xi32, #tpu.memory_space<hbm>>
    %dma_start3A_39 = tpu.memref_slice %arg3[%add3A_37] : memref<320000xi32, #tpu.memory_space<hbm>> -> memref<80xi32, #tpu.memory_space<hbm>>
    tpu.enqueue_dma source(%dma_start3A_39 : memref<80xi32, #tpu.memory_space<hbm>>) target(%arg8 : memref<80xi32, #tpu.memory_space<vmem>>) target_semaphore(%arg22 : memref<!tpu.dma_semaphore, #tpu.memory_space<semaphore_mem>>)
    %add3A_40 = arith.constant 160 : i32
    %add3A_41 = arith.addi %mul3A_6, %add3A_40 : i32
    %dma_start3A_42 = arith.constant 2 : i32
    %dma_start3A_43 = arith.constant 0 : i32
    %dma_start3A_44 = tpu.memref_slice %arg14[%dma_start3A_42, %dma_start3A_43] : memref<8x80xi32, #tpu.memory_space<vmem>> -> memref<1x80xi32, #tpu.memory_space<vmem>>
    %dma_start3A_45 = tpu.memref_squeeze %dma_start3A_44 : memref<1x80xi32, #tpu.memory_space<vmem>> -> memref<80xi32, #tpu.memory_space<vmem>>
    %dma_start3A_46 = tpu.memref_slice %arg4[%add3A_41] : memref<160000xi32, #tpu.memory_space<hbm>> -> memref<80xi32, #tpu.memory_space<hbm>>
    %dma_start3A_47 = arith.constant 0 : i32
    %dma_start3A_48 = tpu.memref_slice %arg14[%dma_start3A_42, %dma_start3A_47] : memref<8x80xi32, #tpu.memory_space<vmem>> -> memref<1x80xi32, #tpu.memory_space<vmem>>
    %dma_start3A_49 = tpu.memref_squeeze %dma_start3A_48 : memref<1x80xi32, #tpu.memory_space<vmem>> -> memref<80xi32, #tpu.memory_space<vmem>>
    %dma_start3A_50 = tpu.memref_slice %arg4[%add3A_41] : memref<160000xi32, #tpu.memory_space<hbm>> -> memref<80xi32, #tpu.memory_space<hbm>>
    tpu.enqueue_dma source(%dma_start3A_50 : memref<80xi32, #tpu.memory_space<hbm>>) target(%dma_start3A_49 : memref<80xi32, #tpu.memory_space<vmem>>) target_semaphore(%arg30 : memref<!tpu.dma_semaphore, #tpu.memory_space<semaphore_mem>>)
    %add3A_51 = arith.constant 240 : i32
    %add3A_52 = arith.addi %mul3A_4, %add3A_51 : i32
    %dma_start3A_53 = tpu.memref_slice %arg3[%add3A_52] : memref<320000xi32, #tpu.memory_space<hbm>> -> memref<80xi32, #tpu.memory_space<hbm>>
    %dma_start3A_54 = tpu.memref_slice %arg3[%add3A_52] : memref<320000xi32, #tpu.memory_space<hbm>> -> memref<80xi32, #tpu.memory_space<hbm>>
    tpu.enqueue_dma source(%dma_start3A_54 : memref<80xi32, #tpu.memory_space<hbm>>) target(%arg9 : memref<80xi32, #tpu.memory_space<vmem>>) target_semaphore(%arg23 : memref<!tpu.dma_semaphore, #tpu.memory_space<semaphore_mem>>)
    %add3A_55 = arith.constant 240 : i32
    %add3A_56 = arith.addi %mul3A_6, %add3A_55 : i32
    %dma_start3A_57 = arith.constant 3 : i32
    %dma_start3A_58 = arith.constant 0 : i32
    %dma_start3A_59 = tpu.memref_slice %arg14[%dma_start3A_57, %dma_start3A_58] : memref<8x80xi32, #tpu.memory_space<vmem>> -> memref<1x80xi32, #tpu.memory_space<vmem>>
    %dma_start3A_60 = tpu.memref_squeeze %dma_start3A_59 : memref<1x80xi32, #tpu.memory_space<vmem>> -> memref<80xi32, #tpu.memory_space<vmem>>
    %dma_start3A_61 = tpu.memref_slice %arg4[%add3A_56] : memref<160000xi32, #tpu.memory_space<hbm>> -> memref<80xi32, #tpu.memory_space<hbm>>
    %dma_start3A_62 = arith.constant 0 : i32
    %dma_start3A_63 = tpu.memref_slice %arg14[%dma_start3A_57, %dma_start3A_62] : memref<8x80xi32, #tpu.memory_space<vmem>> -> memref<1x80xi32, #tpu.memory_space<vmem>>
    %dma_start3A_64 = tpu.memref_squeeze %dma_start3A_63 : memref<1x80xi32, #tpu.memory_space<vmem>> -> memref<80xi32, #tpu.memory_space<vmem>>
    %dma_start3A_65 = tpu.memref_slice %arg4[%add3A_56] : memref<160000xi32, #tpu.memory_space<hbm>> -> memref<80xi32, #tpu.memory_space<hbm>>
    tpu.enqueue_dma source(%dma_start3A_65 : memref<80xi32, #tpu.memory_space<hbm>>) target(%dma_start3A_64 : memref<80xi32, #tpu.memory_space<vmem>>) target_semaphore(%arg31 : memref<!tpu.dma_semaphore, #tpu.memory_space<semaphore_mem>>)
    %add3A_66 = arith.constant 320 : i32
    %add3A_67 = arith.addi %mul3A_4, %add3A_66 : i32
    %dma_start3A_68 = tpu.memref_slice %arg3[%add3A_67] : memref<320000xi32, #tpu.memory_space<hbm>> -> memref<80xi32, #tpu.memory_space<hbm>>
    %dma_start3A_69 = tpu.memref_slice %arg3[%add3A_67] : memref<320000xi32, #tpu.memory_space<hbm>> -> memref<80xi32, #tpu.memory_space<hbm>>
    tpu.enqueue_dma source(%dma_start3A_69 : memref<80xi32, #tpu.memory_space<hbm>>) target(%arg10 : memref<80xi32, #tpu.memory_space<vmem>>) target_semaphore(%arg24 : memref<!tpu.dma_semaphore, #tpu.memory_space<semaphore_mem>>)
    %add3A_70 = arith.constant 320 : i32
    %add3A_71 = arith.addi %mul3A_6, %add3A_70 : i32
    %dma_start3A_72 = arith.constant 4 : i32
    %dma_start3A_73 = arith.constant 0 : i32
    %dma_start3A_74 = tpu.memref_slice %arg14[%dma_start3A_72, %dma_start3A_73] : memref<8x80xi32, #tpu.memory_space<vmem>> -> memref<1x80xi32, #tpu.memory_space<vmem>>
    %dma_start3A_75 = tpu.memref_squeeze %dma_start3A_74 : memref<1x80xi32, #tpu.memory_space<vmem>> -> memref<80xi32, #tpu.memory_space<vmem>>
    %dma_start3A_76 = tpu.memref_slice %arg4[%add3A_71] : memref<160000xi32, #tpu.memory_space<hbm>> -> memref<80xi32, #tpu.memory_space<hbm>>
    %dma_start3A_77 = arith.constant 0 : i32
    %dma_start3A_78 = tpu.memref_slice %arg14[%dma_start3A_72, %dma_start3A_77] : memref<8x80xi32, #tpu.memory_space<vmem>> -> memref<1x80xi32, #tpu.memory_space<vmem>>
    %dma_start3A_79 = tpu.memref_squeeze %dma_start3A_78 : memref<1x80xi32, #tpu.memory_space<vmem>> -> memref<80xi32, #tpu.memory_space<vmem>>
    %dma_start3A_80 = tpu.memref_slice %arg4[%add3A_71] : memref<160000xi32, #tpu.memory_space<hbm>> -> memref<80xi32, #tpu.memory_space<hbm>>
    tpu.enqueue_dma source(%dma_start3A_80 : memref<80xi32, #tpu.memory_space<hbm>>) target(%dma_start3A_79 : memref<80xi32, #tpu.memory_space<vmem>>) target_semaphore(%arg32 : memref<!tpu.dma_semaphore, #tpu.memory_space<semaphore_mem>>)
    %add3A_81 = arith.constant 400 : i32
    %add3A_82 = arith.addi %mul3A_4, %add3A_81 : i32
    %dma_start3A_83 = tpu.memref_slice %arg3[%add3A_82] : memref<320000xi32, #tpu.memory_space<hbm>> -> memref<80xi32, #tpu.memory_space<hbm>>
    %dma_start3A_84 = tpu.memref_slice %arg3[%add3A_82] : memref<320000xi32, #tpu.memory_space<hbm>> -> memref<80xi32, #tpu.memory_space<hbm>>
    tpu.enqueue_dma source(%dma_start3A_84 : memref<80xi32, #tpu.memory_space<hbm>>) target(%arg11 : memref<80xi32, #tpu.memory_space<vmem>>) target_semaphore(%arg25 : memref<!tpu.dma_semaphore, #tpu.memory_space<semaphore_mem>>)
    %add3A_85 = arith.constant 400 : i32
    %add3A_86 = arith.addi %mul3A_6, %add3A_85 : i32
    %dma_start3A_87 = arith.constant 5 : i32
    %dma_start3A_88 = arith.constant 0 : i32
    %dma_start3A_89 = tpu.memref_slice %arg14[%dma_start3A_87, %dma_start3A_88] : memref<8x80xi32, #tpu.memory_space<vmem>> -> memref<1x80xi32, #tpu.memory_space<vmem>>
    %dma_start3A_90 = tpu.memref_squeeze %dma_start3A_89 : memref<1x80xi32, #tpu.memory_space<vmem>> -> memref<80xi32, #tpu.memory_space<vmem>>
    %dma_start3A_91 = tpu.memref_slice %arg4[%add3A_86] : memref<160000xi32, #tpu.memory_space<hbm>> -> memref<80xi32, #tpu.memory_space<hbm>>
    %dma_start3A_92 = arith.constant 0 : i32
    %dma_start3A_93 = tpu.memref_slice %arg14[%dma_start3A_87, %dma_start3A_92] : memref<8x80xi32, #tpu.memory_space<vmem>> -> memref<1x80xi32, #tpu.memory_space<vmem>>
    %dma_start3A_94 = tpu.memref_squeeze %dma_start3A_93 : memref<1x80xi32, #tpu.memory_space<vmem>> -> memref<80xi32, #tpu.memory_space<vmem>>
    %dma_start3A_95 = tpu.memref_slice %arg4[%add3A_86] : memref<160000xi32, #tpu.memory_space<hbm>> -> memref<80xi32, #tpu.memory_space<hbm>>
    tpu.enqueue_dma source(%dma_start3A_95 : memref<80xi32, #tpu.memory_space<hbm>>) target(%dma_start3A_94 : memref<80xi32, #tpu.memory_space<vmem>>) target_semaphore(%arg33 : memref<!tpu.dma_semaphore, #tpu.memory_space<semaphore_mem>>)
    %mul3A_96 = arith.constant 640 : i32
    %mul3A_97 = arith.muli %arg1, %mul3A_96 : i32
    %add3A_98 = arith.addi %mul3A_0, %mul3A_97 : i32
    %mul3A_99 = arith.constant 640 : i32
    %mul3A_100 = arith.muli %arg1, %mul3A_99 : i32
    "tpu.region"() ({
      %run_scoped3A = tpu.sem_alloc : memref<!tpu.dma_semaphore, #tpu.memory_space<semaphore_mem>>
      %dma_start3A_139 = arith.constant 0 : i32
      %dma_start3A_140 = tpu.memref_slice %arg19[%mul3A_100, %dma_start3A_139] : memref<10240x128xf32, #tpu.memory_space<vmem_shared>> -> memref<640x128xf32, #tpu.memory_space<vmem_shared>>
      %dma_start3A_141 = arith.constant 0 : i32
      %dma_start3A_142 = tpu.memref_slice %arg2[%add3A_98, %dma_start3A_141] : memref<20480x128xf32, #tpu.memory_space<hbm>> -> memref<640x128xf32, #tpu.memory_space<hbm>>
      tpu.enqueue_dma source(%dma_start3A_142 : memref<640x128xf32, #tpu.memory_space<hbm>>) target(%dma_start3A_140 : memref<640x128xf32, #tpu.memory_space<vmem_shared>>) target_semaphore(%run_scoped3A : memref<!tpu.dma_semaphore, #tpu.memory_space<semaphore_mem>>)
      %dma_wait3A_143 = arith.constant 0 : i32
      %dma_wait3A_144 = tpu.memref_slice %arg19[%mul3A_100, %dma_wait3A_143] : memref<10240x128xf32, #tpu.memory_space<vmem_shared>> -> memref<640x128xf32, #tpu.memory_space<vmem_shared>>
      %dma_wait3A_145 = arith.constant 0 : i32
      %dma_wait3A_146 = tpu.memref_slice %arg2[%add3A_98, %dma_wait3A_145] : memref<20480x128xf32, #tpu.memory_space<hbm>> -> memref<640x128xf32, #tpu.memory_space<hbm>>
      tpu.wait_dma2 semaphore(%run_scoped3A : memref<!tpu.dma_semaphore, #tpu.memory_space<semaphore_mem>>) src(%dma_wait3A_146 : memref<640x128xf32, #tpu.memory_space<hbm>>) dst(%dma_wait3A_144 : memref<640x128xf32, #tpu.memory_space<vmem_shared>>)
      tpu.yield
    }) : () -> ()
    %barrier3A = arith.constant 0 : index
    tpu.barrier barrier_id(%barrier3A)
    %add3A_101 = arith.constant 0 : i32
    %add3A_102 = arith.addi %mul3A_4, %add3A_101 : i32
    %dma_wait3A = tpu.memref_slice %arg3[%add3A_102] : memref<320000xi32, #tpu.memory_space<hbm>> -> memref<80xi32, #tpu.memory_space<hbm>>
    %dma_wait3A_103 = tpu.memref_slice %arg3[%add3A_102] : memref<320000xi32, #tpu.memory_space<hbm>> -> memref<80xi32, #tpu.memory_space<hbm>>
    tpu.wait_dma2 semaphore(%arg20 : memref<!tpu.dma_semaphore, #tpu.memory_space<semaphore_mem>>) src(%dma_wait3A_103 : memref<80xi32, #tpu.memory_space<hbm>>) dst(%arg6 : memref<80xi32, #tpu.memory_space<vmem>>)
    %dma_start3A_104 = arith.constant 0 : i32
    %dma_start3A_105 = arith.constant 0 : i32
    %dma_start3A_106 = tpu.memref_slice %arg2[%dma_start3A_104, %dma_start3A_105] : memref<20480x128xf32, #tpu.memory_space<hbm>> -> memref<20480x128xf32, #tpu.memory_space<hbm>>
    tpu.enqueue_indirect_dma source(%dma_start3A_106 : memref<20480x128xf32, #tpu.memory_space<hbm>>) target(%arg15 : memref<80x128xf32, #tpu.memory_space<vmem>>) offsets(%arg6 : memref<80xi32, #tpu.memory_space<vmem>>) semaphore(%arg36 : memref<!tpu.dma_semaphore, #tpu.memory_space<semaphore_mem>>)
    %add3A_107 = arith.constant 80 : i32
    %add3A_108 = arith.addi %mul3A_4, %add3A_107 : i32
    %dma_wait3A_109 = tpu.memref_slice %arg3[%add3A_108] : memref<320000xi32, #tpu.memory_space<hbm>> -> memref<80xi32, #tpu.memory_space<hbm>>
    %dma_wait3A_110 = tpu.memref_slice %arg3[%add3A_108] : memref<320000xi32, #tpu.memory_space<hbm>> -> memref<80xi32, #tpu.memory_space<hbm>>
    tpu.wait_dma2 semaphore(%arg21 : memref<!tpu.dma_semaphore, #tpu.memory_space<semaphore_mem>>) src(%dma_wait3A_110 : memref<80xi32, #tpu.memory_space<hbm>>) dst(%arg7 : memref<80xi32, #tpu.memory_space<vmem>>)
    %dma_start3A_111 = arith.constant 0 : i32
    %dma_start3A_112 = arith.constant 0 : i32
    %dma_start3A_113 = tpu.memref_slice %arg2[%dma_start3A_111, %dma_start3A_112] : memref<20480x128xf32, #tpu.memory_space<hbm>> -> memref<20480x128xf32, #tpu.memory_space<hbm>>
    tpu.enqueue_indirect_dma source(%dma_start3A_113 : memref<20480x128xf32, #tpu.memory_space<hbm>>) target(%arg16 : memref<80x128xf32, #tpu.memory_space<vmem>>) offsets(%arg7 : memref<80xi32, #tpu.memory_space<vmem>>) semaphore(%arg37 : memref<!tpu.dma_semaphore, #tpu.memory_space<semaphore_mem>>)
    %scan3A = arith.constant 0 : i32
    %scan3A_114 = arith.constant 0 : i32
    %scan3A_115 = arith.constant 16 : i32
    %scan3A_116 = arith.addi %scan3A_114, %scan3A_115 : i32
    %scan3A_117 = arith.constant 1 : i32
    scf.for %scan3A_139 = %scan3A_114 to %scan3A_116 step %scan3A_117  : i32 {
      %mul3A_140 = arith.constant 8 : i32
      %mul3A_141 = arith.muli %scan3A_139, %mul3A_140 : i32
      %add3A_142 = arith.constant 0 : i32
      %add3A_143 = arith.addi %mul3A_141, %add3A_142 : i32
      %lt3A = arith.constant 125 : i32
      %lt3A_144 = arith.cmpi slt, %add3A_143, %lt3A : i32
      %convert_element_type3A = arith.extui %lt3A_144 : i1 to i32
      %cond3A = arith.constant 0 : i32
      %cond3A_145 = arith.cmpi ne, %convert_element_type3A, %cond3A : i32
      scf.if %cond3A_145 {
        %dma_wait3A_209 = arith.constant 0 : i32
        %dma_wait3A_210 = arith.constant 0 : i32
        %dma_wait3A_211 = tpu.memref_slice %arg2[%dma_wait3A_209, %dma_wait3A_210] : memref<20480x128xf32, #tpu.memory_space<hbm>> -> memref<20480x128xf32, #tpu.memory_space<hbm>>
        tpu.wait_indirect_dma semaphore(%arg36 : memref<!tpu.dma_semaphore, #tpu.memory_space<semaphore_mem>>) src(%dma_wait3A_211 : memref<20480x128xf32, #tpu.memory_space<hbm>>) dst(%arg15 : memref<80x128xf32, #tpu.memory_space<vmem>>)
        %mul3A_212 = arith.constant 80 : i32
        %mul3A_213 = arith.muli %add3A_143, %mul3A_212 : i32
        %add3A_214 = arith.addi %mul3A_6, %mul3A_213 : i32
        %dma_wait3A_215 = arith.constant 0 : i32
        %dma_wait3A_216 = arith.constant 0 : i32
        %dma_wait3A_217 = tpu.memref_slice %arg14[%dma_wait3A_215, %dma_wait3A_216] : memref<8x80xi32, #tpu.memory_space<vmem>> -> memref<1x80xi32, #tpu.memory_space<vmem>>
        %dma_wait3A_218 = tpu.memref_squeeze %dma_wait3A_217 : memref<1x80xi32, #tpu.memory_space<vmem>> -> memref<80xi32, #tpu.memory_space<vmem>>
        %dma_wait3A_219 = tpu.memref_slice %arg4[%add3A_214] : memref<160000xi32, #tpu.memory_space<hbm>> -> memref<80xi32, #tpu.memory_space<hbm>>
        %dma_wait3A_220 = arith.constant 0 : i32
        %dma_wait3A_221 = tpu.memref_slice %arg14[%dma_wait3A_215, %dma_wait3A_220] : memref<8x80xi32, #tpu.memory_space<vmem>> -> memref<1x80xi32, #tpu.memory_space<vmem>>
        %dma_wait3A_222 = tpu.memref_squeeze %dma_wait3A_221 : memref<1x80xi32, #tpu.memory_space<vmem>> -> memref<80xi32, #tpu.memory_space<vmem>>
        %dma_wait3A_223 = tpu.memref_slice %arg4[%add3A_214] : memref<160000xi32, #tpu.memory_space<hbm>> -> memref<80xi32, #tpu.memory_space<hbm>>
        tpu.wait_dma2 semaphore(%arg28 : memref<!tpu.dma_semaphore, #tpu.memory_space<semaphore_mem>>) src(%dma_wait3A_223 : memref<80xi32, #tpu.memory_space<hbm>>) dst(%dma_wait3A_222 : memref<80xi32, #tpu.memory_space<vmem>>)
        %dma_start3A_224 = arith.constant 0 : i32
        %dma_start3A_225 = arith.constant 0 : i32
        %dma_start3A_226 = tpu.memref_slice %arg14[%dma_start3A_224, %dma_start3A_225] : memref<8x80xi32, #tpu.memory_space<vmem>> -> memref<1x80xi32, #tpu.memory_space<vmem>>
        %dma_start3A_227 = tpu.memref_squeeze %dma_start3A_226 : memref<1x80xi32, #tpu.memory_space<vmem>> -> memref<80xi32, #tpu.memory_space<vmem>>
        %dma_start3A_228 = arith.constant 0 : i32
        %dma_start3A_229 = arith.constant 0 : i32
        %dma_start3A_230 = tpu.memref_slice %arg19[%dma_start3A_228, %dma_start3A_229] : memref<10240x128xf32, #tpu.memory_space<vmem_shared>> -> memref<10240x128xf32, #tpu.memory_space<vmem_shared>>
        tpu.enqueue_indirect_dma source(%arg15 : memref<80x128xf32, #tpu.memory_space<vmem>>) target(%dma_start3A_230 : memref<10240x128xf32, #tpu.memory_space<vmem_shared>>) offsets(%dma_start3A_227 : memref<80xi32, #tpu.memory_space<vmem>>) semaphore(%arg40 : memref<!tpu.dma_semaphore, #tpu.memory_space<semaphore_mem>>) {add = true}
        %ge3A = arith.constant 2 : i32
        %ge3A_231 = arith.cmpi sge, %add3A_143, %ge3A : i32
        %convert_element_type3A_232 = arith.extui %ge3A_231 : i1 to i32
        %cond3A_233 = arith.constant 0 : i32
        %cond3A_234 = arith.cmpi ne, %convert_element_type3A_232, %cond3A_233 : i32
        scf.if %cond3A_234 {
          %dma_wait3A_249 = arith.constant 6 : i32
          %dma_wait3A_250 = arith.constant 0 : i32
          %dma_wait3A_251 = tpu.memref_slice %arg14[%dma_wait3A_249, %dma_wait3A_250] : memref<8x80xi32, #tpu.memory_space<vmem>> -> memref<1x80xi32, #tpu.memory_space<vmem>>
          %dma_wait3A_252 = tpu.memref_squeeze %dma_wait3A_251 : memref<1x80xi32, #tpu.memory_space<vmem>> -> memref<80xi32, #tpu.memory_space<vmem>>
          %dma_wait3A_253 = arith.constant 0 : i32
          %dma_wait3A_254 = arith.constant 0 : i32
          %dma_wait3A_255 = tpu.memref_slice %arg19[%dma_wait3A_253, %dma_wait3A_254] : memref<10240x128xf32, #tpu.memory_space<vmem_shared>> -> memref<10240x128xf32, #tpu.memory_space<vmem_shared>>
          tpu.wait_indirect_dma semaphore(%arg42 : memref<!tpu.dma_semaphore, #tpu.memory_space<semaphore_mem>>) src(%arg17 : memref<80x128xf32, #tpu.memory_space<vmem>>) dst(%dma_wait3A_255 : memref<10240x128xf32, #tpu.memory_space<vmem_shared>>)
        } else {
        }
        %add3A_235 = arith.constant 6 : i32
        %add3A_236 = arith.addi %add3A_143, %add3A_235 : i32
        %lt3A_237 = arith.constant 125 : i32
        %lt3A_238 = arith.cmpi slt, %add3A_236, %lt3A_237 : i32
        %convert_element_type3A_239 = arith.extui %lt3A_238 : i1 to i32
        %cond3A_240 = arith.constant 0 : i32
        %cond3A_241 = arith.cmpi ne, %convert_element_type3A_239, %cond3A_240 : i32
        scf.if %cond3A_241 {
          %mul3A_249 = arith.constant 80 : i32
          %mul3A_250 = arith.muli %add3A_236, %mul3A_249 : i32
          %add3A_251 = arith.addi %mul3A_4, %mul3A_250 : i32
          %dma_start3A_252 = tpu.memref_slice %arg3[%add3A_251] : memref<320000xi32, #tpu.memory_space<hbm>> -> memref<80xi32, #tpu.memory_space<hbm>>
          %dma_start3A_253 = tpu.memref_slice %arg3[%add3A_251] : memref<320000xi32, #tpu.memory_space<hbm>> -> memref<80xi32, #tpu.memory_space<hbm>>
          tpu.enqueue_dma source(%dma_start3A_253 : memref<80xi32, #tpu.memory_space<hbm>>) target(%arg12 : memref<80xi32, #tpu.memory_space<vmem>>) target_semaphore(%arg26 : memref<!tpu.dma_semaphore, #tpu.memory_space<semaphore_mem>>)
          %mul3A_254 = arith.constant 80 : i32
          %mul3A_255 = arith.muli %add3A_236, %mul3A_254 : i32
          %add3A_256 = arith.addi %mul3A_6, %mul3A_255 : i32
          %dma_start3A_257 = arith.constant 6 : i32
          %dma_start3A_258 = arith.constant 0 : i32
          %dma_start3A_259 = tpu.memref_slice %arg14[%dma_start3A_257, %dma_start3A_258] : memref<8x80xi32, #tpu.memory_space<vmem>> -> memref<1x80xi32, #tpu.memory_space<vmem>>
          %dma_start3A_260 = tpu.memref_squeeze %dma_start3A_259 : memref<1x80xi32, #tpu.memory_space<vmem>> -> memref<80xi32, #tpu.memory_space<vmem>>
          %dma_start3A_261 = tpu.memref_slice %arg4[%add3A_256] : memref<160000xi32, #tpu.memory_space<hbm>> -> memref<80xi32, #tpu.memory_space<hbm>>
          %dma_start3A_262 = arith.constant 0 : i32
          %dma_start3A_263 = tpu.memref_slice %arg14[%dma_start3A_257, %dma_start3A_262] : memref<8x80xi32, #tpu.memory_space<vmem>> -> memref<1x80xi32, #tpu.memory_space<vmem>>
          %dma_start3A_264 = tpu.memref_squeeze %dma_start3A_263 : memref<1x80xi32, #tpu.memory_space<vmem>> -> memref<80xi32, #tpu.memory_space<vmem>>
          %dma_start3A_265 = tpu.memref_slice %arg4[%add3A_256] : memref<160000xi32, #tpu.memory_space<hbm>> -> memref<80xi32, #tpu.memory_space<hbm>>
          tpu.enqueue_dma source(%dma_start3A_265 : memref<80xi32, #tpu.memory_space<hbm>>) target(%dma_start3A_264 : memref<80xi32, #tpu.memory_space<vmem>>) target_semaphore(%arg34 : memref<!tpu.dma_semaphore, #tpu.memory_space<semaphore_mem>>)
        } else {
        }
        %add3A_242 = arith.constant 2 : i32
        %add3A_243 = arith.addi %add3A_143, %add3A_242 : i32
        %lt3A_244 = arith.constant 125 : i32
        %lt3A_245 = arith.cmpi slt, %add3A_243, %lt3A_244 : i32
        %convert_element_type3A_246 = arith.extui %lt3A_245 : i1 to i32
        %cond3A_247 = arith.constant 0 : i32
        %cond3A_248 = arith.cmpi ne, %convert_element_type3A_246, %cond3A_247 : i32
        scf.if %cond3A_248 {
          %mul3A_249 = arith.constant 80 : i32
          %mul3A_250 = arith.muli %add3A_243, %mul3A_249 : i32
          %add3A_251 = arith.addi %mul3A_4, %mul3A_250 : i32
          %dma_wait3A_252 = tpu.memref_slice %arg3[%add3A_251] : memref<320000xi32, #tpu.memory_space<hbm>> -> memref<80xi32, #tpu.memory_space<hbm>>
          %dma_wait3A_253 = tpu.memref_slice %arg3[%add3A_251] : memref<320000xi32, #tpu.memory_space<hbm>> -> memref<80xi32, #tpu.memory_space<hbm>>
          tpu.wait_dma2 semaphore(%arg22 : memref<!tpu.dma_semaphore, #tpu.memory_space<semaphore_mem>>) src(%dma_wait3A_253 : memref<80xi32, #tpu.memory_space<hbm>>) dst(%arg8 : memref<80xi32, #tpu.memory_space<vmem>>)
          %dma_start3A_254 = arith.constant 0 : i32
          %dma_start3A_255 = arith.constant 0 : i32
          %dma_start3A_256 = tpu.memref_slice %arg2[%dma_start3A_254, %dma_start3A_255] : memref<20480x128xf32, #tpu.memory_space<hbm>> -> memref<20480x128xf32, #tpu.memory_space<hbm>>
          tpu.enqueue_indirect_dma source(%dma_start3A_256 : memref<20480x128xf32, #tpu.memory_space<hbm>>) target(%arg17 : memref<80x128xf32, #tpu.memory_space<vmem>>) offsets(%arg8 : memref<80xi32, #tpu.memory_space<vmem>>) semaphore(%arg38 : memref<!tpu.dma_semaphore, #tpu.memory_space<semaphore_mem>>)
        } else {
        }
      } else {
      }
      %mul3A_146 = arith.constant 8 : i32
      %mul3A_147 = arith.muli %scan3A_139, %mul3A_146 : i32
      %add3A_148 = arith.constant 1 : i32
      %add3A_149 = arith.addi %mul3A_147, %add3A_148 : i32
      %lt3A_150 = arith.constant 125 : i32
      %lt3A_151 = arith.cmpi slt, %add3A_149, %lt3A_150 : i32
      %convert_element_type3A_152 = arith.extui %lt3A_151 : i1 to i32
      %cond3A_153 = arith.constant 0 : i32
      %cond3A_154 = arith.cmpi ne, %convert_element_type3A_152, %cond3A_153 : i32
      scf.if %cond3A_154 {
        %dma_wait3A_209 = arith.constant 0 : i32
        %dma_wait3A_210 = arith.constant 0 : i32
        %dma_wait3A_211 = tpu.memref_slice %arg2[%dma_wait3A_209, %dma_wait3A_210] : memref<20480x128xf32, #tpu.memory_space<hbm>> -> memref<20480x128xf32, #tpu.memory_space<hbm>>
        tpu.wait_indirect_dma semaphore(%arg37 : memref<!tpu.dma_semaphore, #tpu.memory_space<semaphore_mem>>) src(%dma_wait3A_211 : memref<20480x128xf32, #tpu.memory_space<hbm>>) dst(%arg16 : memref<80x128xf32, #tpu.memory_space<vmem>>)
        %mul3A_212 = arith.constant 80 : i32
        %mul3A_213 = arith.muli %add3A_149, %mul3A_212 : i32
        %add3A_214 = arith.addi %mul3A_6, %mul3A_213 : i32
        %dma_wait3A_215 = arith.constant 1 : i32
        %dma_wait3A_216 = arith.constant 0 : i32
        %dma_wait3A_217 = tpu.memref_slice %arg14[%dma_wait3A_215, %dma_wait3A_216] : memref<8x80xi32, #tpu.memory_space<vmem>> -> memref<1x80xi32, #tpu.memory_space<vmem>>
        %dma_wait3A_218 = tpu.memref_squeeze %dma_wait3A_217 : memref<1x80xi32, #tpu.memory_space<vmem>> -> memref<80xi32, #tpu.memory_space<vmem>>
        %dma_wait3A_219 = tpu.memref_slice %arg4[%add3A_214] : memref<160000xi32, #tpu.memory_space<hbm>> -> memref<80xi32, #tpu.memory_space<hbm>>
        %dma_wait3A_220 = arith.constant 0 : i32
        %dma_wait3A_221 = tpu.memref_slice %arg14[%dma_wait3A_215, %dma_wait3A_220] : memref<8x80xi32, #tpu.memory_space<vmem>> -> memref<1x80xi32, #tpu.memory_space<vmem>>
        %dma_wait3A_222 = tpu.memref_squeeze %dma_wait3A_221 : memref<1x80xi32, #tpu.memory_space<vmem>> -> memref<80xi32, #tpu.memory_space<vmem>>
        %dma_wait3A_223 = tpu.memref_slice %arg4[%add3A_214] : memref<160000xi32, #tpu.memory_space<hbm>> -> memref<80xi32, #tpu.memory_space<hbm>>
        tpu.wait_dma2 semaphore(%arg29 : memref<!tpu.dma_semaphore, #tpu.memory_space<semaphore_mem>>) src(%dma_wait3A_223 : memref<80xi32, #tpu.memory_space<hbm>>) dst(%dma_wait3A_222 : memref<80xi32, #tpu.memory_space<vmem>>)
        %dma_start3A_224 = arith.constant 1 : i32
        %dma_start3A_225 = arith.constant 0 : i32
        %dma_start3A_226 = tpu.memref_slice %arg14[%dma_start3A_224, %dma_start3A_225] : memref<8x80xi32, #tpu.memory_space<vmem>> -> memref<1x80xi32, #tpu.memory_space<vmem>>
        %dma_start3A_227 = tpu.memref_squeeze %dma_start3A_226 : memref<1x80xi32, #tpu.memory_space<vmem>> -> memref<80xi32, #tpu.memory_space<vmem>>
        %dma_start3A_228 = arith.constant 0 : i32
        %dma_start3A_229 = arith.constant 0 : i32
        %dma_start3A_230 = tpu.memref_slice %arg19[%dma_start3A_228, %dma_start3A_229] : memref<10240x128xf32, #tpu.memory_space<vmem_shared>> -> memref<10240x128xf32, #tpu.memory_space<vmem_shared>>
        tpu.enqueue_indirect_dma source(%arg16 : memref<80x128xf32, #tpu.memory_space<vmem>>) target(%dma_start3A_230 : memref<10240x128xf32, #tpu.memory_space<vmem_shared>>) offsets(%dma_start3A_227 : memref<80xi32, #tpu.memory_space<vmem>>) semaphore(%arg41 : memref<!tpu.dma_semaphore, #tpu.memory_space<semaphore_mem>>) {add = true}
        %ge3A = arith.constant 2 : i32
        %ge3A_231 = arith.cmpi sge, %add3A_149, %ge3A : i32
        %convert_element_type3A_232 = arith.extui %ge3A_231 : i1 to i32
        %cond3A_233 = arith.constant 0 : i32
        %cond3A_234 = arith.cmpi ne, %convert_element_type3A_232, %cond3A_233 : i32
        scf.if %cond3A_234 {
          %dma_wait3A_249 = arith.constant 7 : i32
          %dma_wait3A_250 = arith.constant 0 : i32
          %dma_wait3A_251 = tpu.memref_slice %arg14[%dma_wait3A_249, %dma_wait3A_250] : memref<8x80xi32, #tpu.memory_space<vmem>> -> memref<1x80xi32, #tpu.memory_space<vmem>>
          %dma_wait3A_252 = tpu.memref_squeeze %dma_wait3A_251 : memref<1x80xi32, #tpu.memory_space<vmem>> -> memref<80xi32, #tpu.memory_space<vmem>>
          %dma_wait3A_253 = arith.constant 0 : i32
          %dma_wait3A_254 = arith.constant 0 : i32
          %dma_wait3A_255 = tpu.memref_slice %arg19[%dma_wait3A_253, %dma_wait3A_254] : memref<10240x128xf32, #tpu.memory_space<vmem_shared>> -> memref<10240x128xf32, #tpu.memory_space<vmem_shared>>
          tpu.wait_indirect_dma semaphore(%arg43 : memref<!tpu.dma_semaphore, #tpu.memory_space<semaphore_mem>>) src(%arg18 : memref<80x128xf32, #tpu.memory_space<vmem>>) dst(%dma_wait3A_255 : memref<10240x128xf32, #tpu.memory_space<vmem_shared>>)
        } else {
        }
        %add3A_235 = arith.constant 6 : i32
        %add3A_236 = arith.addi %add3A_149, %add3A_235 : i32
        %lt3A_237 = arith.constant 125 : i32
        %lt3A_238 = arith.cmpi slt, %add3A_236, %lt3A_237 : i32
        %convert_element_type3A_239 = arith.extui %lt3A_238 : i1 to i32
        %cond3A_240 = arith.constant 0 : i32
        %cond3A_241 = arith.cmpi ne, %convert_element_type3A_239, %cond3A_240 : i32
        scf.if %cond3A_241 {
          %mul3A_249 = arith.constant 80 : i32
          %mul3A_250 = arith.muli %add3A_236, %mul3A_249 : i32
          %add3A_251 = arith.addi %mul3A_4, %mul3A_250 : i32
          %dma_start3A_252 = tpu.memref_slice %arg3[%add3A_251] : memref<320000xi32, #tpu.memory_space<hbm>> -> memref<80xi32, #tpu.memory_space<hbm>>
          %dma_start3A_253 = tpu.memref_slice %arg3[%add3A_251] : memref<320000xi32, #tpu.memory_space<hbm>> -> memref<80xi32, #tpu.memory_space<hbm>>
          tpu.enqueue_dma source(%dma_start3A_253 : memref<80xi32, #tpu.memory_space<hbm>>) target(%arg13 : memref<80xi32, #tpu.memory_space<vmem>>) target_semaphore(%arg27 : memref<!tpu.dma_semaphore, #tpu.memory_space<semaphore_mem>>)
          %mul3A_254 = arith.constant 80 : i32
          %mul3A_255 = arith.muli %add3A_236, %mul3A_254 : i32
          %add3A_256 = arith.addi %mul3A_6, %mul3A_255 : i32
          %dma_start3A_257 = arith.constant 7 : i32
          %dma_start3A_258 = arith.constant 0 : i32
          %dma_start3A_259 = tpu.memref_slice %arg14[%dma_start3A_257, %dma_start3A_258] : memref<8x80xi32, #tpu.memory_space<vmem>> -> memref<1x80xi32, #tpu.memory_space<vmem>>
          %dma_start3A_260 = tpu.memref_squeeze %dma_start3A_259 : memref<1x80xi32, #tpu.memory_space<vmem>> -> memref<80xi32, #tpu.memory_space<vmem>>
          %dma_start3A_261 = tpu.memref_slice %arg4[%add3A_256] : memref<160000xi32, #tpu.memory_space<hbm>> -> memref<80xi32, #tpu.memory_space<hbm>>
          %dma_start3A_262 = arith.constant 0 : i32
          %dma_start3A_263 = tpu.memref_slice %arg14[%dma_start3A_257, %dma_start3A_262] : memref<8x80xi32, #tpu.memory_space<vmem>> -> memref<1x80xi32, #tpu.memory_space<vmem>>
          %dma_start3A_264 = tpu.memref_squeeze %dma_start3A_263 : memref<1x80xi32, #tpu.memory_space<vmem>> -> memref<80xi32, #tpu.memory_space<vmem>>
          %dma_start3A_265 = tpu.memref_slice %arg4[%add3A_256] : memref<160000xi32, #tpu.memory_space<hbm>> -> memref<80xi32, #tpu.memory_space<hbm>>
          tpu.enqueue_dma source(%dma_start3A_265 : memref<80xi32, #tpu.memory_space<hbm>>) target(%dma_start3A_264 : memref<80xi32, #tpu.memory_space<vmem>>) target_semaphore(%arg35 : memref<!tpu.dma_semaphore, #tpu.memory_space<semaphore_mem>>)
        } else {
        }
        %add3A_242 = arith.constant 2 : i32
        %add3A_243 = arith.addi %add3A_149, %add3A_242 : i32
        %lt3A_244 = arith.constant 125 : i32
        %lt3A_245 = arith.cmpi slt, %add3A_243, %lt3A_244 : i32
        %convert_element_type3A_246 = arith.extui %lt3A_245 : i1 to i32
        %cond3A_247 = arith.constant 0 : i32
        %cond3A_248 = arith.cmpi ne, %convert_element_type3A_246, %cond3A_247 : i32
        scf.if %cond3A_248 {
          %mul3A_249 = arith.constant 80 : i32
          %mul3A_250 = arith.muli %add3A_243, %mul3A_249 : i32
          %add3A_251 = arith.addi %mul3A_4, %mul3A_250 : i32
          %dma_wait3A_252 = tpu.memref_slice %arg3[%add3A_251] : memref<320000xi32, #tpu.memory_space<hbm>> -> memref<80xi32, #tpu.memory_space<hbm>>
          %dma_wait3A_253 = tpu.memref_slice %arg3[%add3A_251] : memref<320000xi32, #tpu.memory_space<hbm>> -> memref<80xi32, #tpu.memory_space<hbm>>
          tpu.wait_dma2 semaphore(%arg23 : memref<!tpu.dma_semaphore, #tpu.memory_space<semaphore_mem>>) src(%dma_wait3A_253 : memref<80xi32, #tpu.memory_space<hbm>>) dst(%arg9 : memref<80xi32, #tpu.memory_space<vmem>>)
          %dma_start3A_254 = arith.constant 0 : i32
          %dma_start3A_255 = arith.constant 0 : i32
          %dma_start3A_256 = tpu.memref_slice %arg2[%dma_start3A_254, %dma_start3A_255] : memref<20480x128xf32, #tpu.memory_space<hbm>> -> memref<20480x128xf32, #tpu.memory_space<hbm>>
          tpu.enqueue_indirect_dma source(%dma_start3A_256 : memref<20480x128xf32, #tpu.memory_space<hbm>>) target(%arg18 : memref<80x128xf32, #tpu.memory_space<vmem>>) offsets(%arg9 : memref<80xi32, #tpu.memory_space<vmem>>) semaphore(%arg39 : memref<!tpu.dma_semaphore, #tpu.memory_space<semaphore_mem>>)
        } else {
        }
      } else {
      }
      %mul3A_155 = arith.constant 8 : i32
      %mul3A_156 = arith.muli %scan3A_139, %mul3A_155 : i32
      %add3A_157 = arith.constant 2 : i32
      %add3A_158 = arith.addi %mul3A_156, %add3A_157 : i32
      %lt3A_159 = arith.constant 125 : i32
      %lt3A_160 = arith.cmpi slt, %add3A_158, %lt3A_159 : i32
      %convert_element_type3A_161 = arith.extui %lt3A_160 : i1 to i32
      %cond3A_162 = arith.constant 0 : i32
      %cond3A_163 = arith.cmpi ne, %convert_element_type3A_161, %cond3A_162 : i32
      scf.if %cond3A_163 {
        %dma_wait3A_209 = arith.constant 0 : i32
        %dma_wait3A_210 = arith.constant 0 : i32
        %dma_wait3A_211 = tpu.memref_slice %arg2[%dma_wait3A_209, %dma_wait3A_210] : memref<20480x128xf32, #tpu.memory_space<hbm>> -> memref<20480x128xf32, #tpu.memory_space<hbm>>
        tpu.wait_indirect_dma semaphore(%arg38 : memref<!tpu.dma_semaphore, #tpu.memory_space<semaphore_mem>>) src(%dma_wait3A_211 : memref<20480x128xf32, #tpu.memory_space<hbm>>) dst(%arg17 : memref<80x128xf32, #tpu.memory_space<vmem>>)
        %mul3A_212 = arith.constant 80 : i32
        %mul3A_213 = arith.muli %add3A_158, %mul3A_212 : i32
        %add3A_214 = arith.addi %mul3A_6, %mul3A_213 : i32
        %dma_wait3A_215 = arith.constant 2 : i32
        %dma_wait3A_216 = arith.constant 0 : i32
        %dma_wait3A_217 = tpu.memref_slice %arg14[%dma_wait3A_215, %dma_wait3A_216] : memref<8x80xi32, #tpu.memory_space<vmem>> -> memref<1x80xi32, #tpu.memory_space<vmem>>
        %dma_wait3A_218 = tpu.memref_squeeze %dma_wait3A_217 : memref<1x80xi32, #tpu.memory_space<vmem>> -> memref<80xi32, #tpu.memory_space<vmem>>
        %dma_wait3A_219 = tpu.memref_slice %arg4[%add3A_214] : memref<160000xi32, #tpu.memory_space<hbm>> -> memref<80xi32, #tpu.memory_space<hbm>>
        %dma_wait3A_220 = arith.constant 0 : i32
        %dma_wait3A_221 = tpu.memref_slice %arg14[%dma_wait3A_215, %dma_wait3A_220] : memref<8x80xi32, #tpu.memory_space<vmem>> -> memref<1x80xi32, #tpu.memory_space<vmem>>
        %dma_wait3A_222 = tpu.memref_squeeze %dma_wait3A_221 : memref<1x80xi32, #tpu.memory_space<vmem>> -> memref<80xi32, #tpu.memory_space<vmem>>
        %dma_wait3A_223 = tpu.memref_slice %arg4[%add3A_214] : memref<160000xi32, #tpu.memory_space<hbm>> -> memref<80xi32, #tpu.memory_space<hbm>>
        tpu.wait_dma2 semaphore(%arg30 : memref<!tpu.dma_semaphore, #tpu.memory_space<semaphore_mem>>) src(%dma_wait3A_223 : memref<80xi32, #tpu.memory_space<hbm>>) dst(%dma_wait3A_222 : memref<80xi32, #tpu.memory_space<vmem>>)
        %dma_start3A_224 = arith.constant 2 : i32
        %dma_start3A_225 = arith.constant 0 : i32
        %dma_start3A_226 = tpu.memref_slice %arg14[%dma_start3A_224, %dma_start3A_225] : memref<8x80xi32, #tpu.memory_space<vmem>> -> memref<1x80xi32, #tpu.memory_space<vmem>>
        %dma_start3A_227 = tpu.memref_squeeze %dma_start3A_226 : memref<1x80xi32, #tpu.memory_space<vmem>> -> memref<80xi32, #tpu.memory_space<vmem>>
        %dma_start3A_228 = arith.constant 0 : i32
        %dma_start3A_229 = arith.constant 0 : i32
        %dma_start3A_230 = tpu.memref_slice %arg19[%dma_start3A_228, %dma_start3A_229] : memref<10240x128xf32, #tpu.memory_space<vmem_shared>> -> memref<10240x128xf32, #tpu.memory_space<vmem_shared>>
        tpu.enqueue_indirect_dma source(%arg17 : memref<80x128xf32, #tpu.memory_space<vmem>>) target(%dma_start3A_230 : memref<10240x128xf32, #tpu.memory_space<vmem_shared>>) offsets(%dma_start3A_227 : memref<80xi32, #tpu.memory_space<vmem>>) semaphore(%arg42 : memref<!tpu.dma_semaphore, #tpu.memory_space<semaphore_mem>>) {add = true}
        %ge3A = arith.constant 2 : i32
        %ge3A_231 = arith.cmpi sge, %add3A_158, %ge3A : i32
        %convert_element_type3A_232 = arith.extui %ge3A_231 : i1 to i32
        %cond3A_233 = arith.constant 0 : i32
        %cond3A_234 = arith.cmpi ne, %convert_element_type3A_232, %cond3A_233 : i32
        scf.if %cond3A_234 {
          %dma_wait3A_249 = arith.constant 0 : i32
          %dma_wait3A_250 = arith.constant 0 : i32
          %dma_wait3A_251 = tpu.memref_slice %arg14[%dma_wait3A_249, %dma_wait3A_250] : memref<8x80xi32, #tpu.memory_space<vmem>> -> memref<1x80xi32, #tpu.memory_space<vmem>>
          %dma_wait3A_252 = tpu.memref_squeeze %dma_wait3A_251 : memref<1x80xi32, #tpu.memory_space<vmem>> -> memref<80xi32, #tpu.memory_space<vmem>>
          %dma_wait3A_253 = arith.constant 0 : i32
          %dma_wait3A_254 = arith.constant 0 : i32
          %dma_wait3A_255 = tpu.memref_slice %arg19[%dma_wait3A_253, %dma_wait3A_254] : memref<10240x128xf32, #tpu.memory_space<vmem_shared>> -> memref<10240x128xf32, #tpu.memory_space<vmem_shared>>
          tpu.wait_indirect_dma semaphore(%arg40 : memref<!tpu.dma_semaphore, #tpu.memory_space<semaphore_mem>>) src(%arg15 : memref<80x128xf32, #tpu.memory_space<vmem>>) dst(%dma_wait3A_255 : memref<10240x128xf32, #tpu.memory_space<vmem_shared>>)
        } else {
        }
        %add3A_235 = arith.constant 6 : i32
        %add3A_236 = arith.addi %add3A_158, %add3A_235 : i32
        %lt3A_237 = arith.constant 125 : i32
        %lt3A_238 = arith.cmpi slt, %add3A_236, %lt3A_237 : i32
        %convert_element_type3A_239 = arith.extui %lt3A_238 : i1 to i32
        %cond3A_240 = arith.constant 0 : i32
        %cond3A_241 = arith.cmpi ne, %convert_element_type3A_239, %cond3A_240 : i32
        scf.if %cond3A_241 {
          %mul3A_249 = arith.constant 80 : i32
          %mul3A_250 = arith.muli %add3A_236, %mul3A_249 : i32
          %add3A_251 = arith.addi %mul3A_4, %mul3A_250 : i32
          %dma_start3A_252 = tpu.memref_slice %arg3[%add3A_251] : memref<320000xi32, #tpu.memory_space<hbm>> -> memref<80xi32, #tpu.memory_space<hbm>>
          %dma_start3A_253 = tpu.memref_slice %arg3[%add3A_251] : memref<320000xi32, #tpu.memory_space<hbm>> -> memref<80xi32, #tpu.memory_space<hbm>>
          tpu.enqueue_dma source(%dma_start3A_253 : memref<80xi32, #tpu.memory_space<hbm>>) target(%arg6 : memref<80xi32, #tpu.memory_space<vmem>>) target_semaphore(%arg20 : memref<!tpu.dma_semaphore, #tpu.memory_space<semaphore_mem>>)
          %mul3A_254 = arith.constant 80 : i32
          %mul3A_255 = arith.muli %add3A_236, %mul3A_254 : i32
          %add3A_256 = arith.addi %mul3A_6, %mul3A_255 : i32
          %dma_start3A_257 = arith.constant 0 : i32
          %dma_start3A_258 = arith.constant 0 : i32
          %dma_start3A_259 = tpu.memref_slice %arg14[%dma_start3A_257, %dma_start3A_258] : memref<8x80xi32, #tpu.memory_space<vmem>> -> memref<1x80xi32, #tpu.memory_space<vmem>>
          %dma_start3A_260 = tpu.memref_squeeze %dma_start3A_259 : memref<1x80xi32, #tpu.memory_space<vmem>> -> memref<80xi32, #tpu.memory_space<vmem>>
          %dma_start3A_261 = tpu.memref_slice %arg4[%add3A_256] : memref<160000xi32, #tpu.memory_space<hbm>> -> memref<80xi32, #tpu.memory_space<hbm>>
          %dma_start3A_262 = arith.constant 0 : i32
          %dma_start3A_263 = tpu.memref_slice %arg14[%dma_start3A_257, %dma_start3A_262] : memref<8x80xi32, #tpu.memory_space<vmem>> -> memref<1x80xi32, #tpu.memory_space<vmem>>
          %dma_start3A_264 = tpu.memref_squeeze %dma_start3A_263 : memref<1x80xi32, #tpu.memory_space<vmem>> -> memref<80xi32, #tpu.memory_space<vmem>>
          %dma_start3A_265 = tpu.memref_slice %arg4[%add3A_256] : memref<160000xi32, #tpu.memory_space<hbm>> -> memref<80xi32, #tpu.memory_space<hbm>>
          tpu.enqueue_dma source(%dma_start3A_265 : memref<80xi32, #tpu.memory_space<hbm>>) target(%dma_start3A_264 : memref<80xi32, #tpu.memory_space<vmem>>) target_semaphore(%arg28 : memref<!tpu.dma_semaphore, #tpu.memory_space<semaphore_mem>>)
        } else {
        }
        %add3A_242 = arith.constant 2 : i32
        %add3A_243 = arith.addi %add3A_158, %add3A_242 : i32
        %lt3A_244 = arith.constant 125 : i32
        %lt3A_245 = arith.cmpi slt, %add3A_243, %lt3A_244 : i32
        %convert_element_type3A_246 = arith.extui %lt3A_245 : i1 to i32
        %cond3A_247 = arith.constant 0 : i32
        %cond3A_248 = arith.cmpi ne, %convert_element_type3A_246, %cond3A_247 : i32
        scf.if %cond3A_248 {
          %mul3A_249 = arith.constant 80 : i32
          %mul3A_250 = arith.muli %add3A_243, %mul3A_249 : i32
          %add3A_251 = arith.addi %mul3A_4, %mul3A_250 : i32
          %dma_wait3A_252 = tpu.memref_slice %arg3[%add3A_251] : memref<320000xi32, #tpu.memory_space<hbm>> -> memref<80xi32, #tpu.memory_space<hbm>>
          %dma_wait3A_253 = tpu.memref_slice %arg3[%add3A_251] : memref<320000xi32, #tpu.memory_space<hbm>> -> memref<80xi32, #tpu.memory_space<hbm>>
          tpu.wait_dma2 semaphore(%arg24 : memref<!tpu.dma_semaphore, #tpu.memory_space<semaphore_mem>>) src(%dma_wait3A_253 : memref<80xi32, #tpu.memory_space<hbm>>) dst(%arg10 : memref<80xi32, #tpu.memory_space<vmem>>)
          %dma_start3A_254 = arith.constant 0 : i32
          %dma_start3A_255 = arith.constant 0 : i32
          %dma_start3A_256 = tpu.memref_slice %arg2[%dma_start3A_254, %dma_start3A_255] : memref<20480x128xf32, #tpu.memory_space<hbm>> -> memref<20480x128xf32, #tpu.memory_space<hbm>>
          tpu.enqueue_indirect_dma source(%dma_start3A_256 : memref<20480x128xf32, #tpu.memory_space<hbm>>) target(%arg15 : memref<80x128xf32, #tpu.memory_space<vmem>>) offsets(%arg10 : memref<80xi32, #tpu.memory_space<vmem>>) semaphore(%arg36 : memref<!tpu.dma_semaphore, #tpu.memory_space<semaphore_mem>>)
        } else {
        }
      } else {
      }
      %mul3A_164 = arith.constant 8 : i32
      %mul3A_165 = arith.muli %scan3A_139, %mul3A_164 : i32
      %add3A_166 = arith.constant 3 : i32
      %add3A_167 = arith.addi %mul3A_165, %add3A_166 : i32
      %lt3A_168 = arith.constant 125 : i32
      %lt3A_169 = arith.cmpi slt, %add3A_167, %lt3A_168 : i32
      %convert_element_type3A_170 = arith.extui %lt3A_169 : i1 to i32
      %cond3A_171 = arith.constant 0 : i32
      %cond3A_172 = arith.cmpi ne, %convert_element_type3A_170, %cond3A_171 : i32
      scf.if %cond3A_172 {
        %dma_wait3A_209 = arith.constant 0 : i32
        %dma_wait3A_210 = arith.constant 0 : i32
        %dma_wait3A_211 = tpu.memref_slice %arg2[%dma_wait3A_209, %dma_wait3A_210] : memref<20480x128xf32, #tpu.memory_space<hbm>> -> memref<20480x128xf32, #tpu.memory_space<hbm>>
        tpu.wait_indirect_dma semaphore(%arg39 : memref<!tpu.dma_semaphore, #tpu.memory_space<semaphore_mem>>) src(%dma_wait3A_211 : memref<20480x128xf32, #tpu.memory_space<hbm>>) dst(%arg18 : memref<80x128xf32, #tpu.memory_space<vmem>>)
        %mul3A_212 = arith.constant 80 : i32
        %mul3A_213 = arith.muli %add3A_167, %mul3A_212 : i32
        %add3A_214 = arith.addi %mul3A_6, %mul3A_213 : i32
        %dma_wait3A_215 = arith.constant 3 : i32
        %dma_wait3A_216 = arith.constant 0 : i32
        %dma_wait3A_217 = tpu.memref_slice %arg14[%dma_wait3A_215, %dma_wait3A_216] : memref<8x80xi32, #tpu.memory_space<vmem>> -> memref<1x80xi32, #tpu.memory_space<vmem>>
        %dma_wait3A_218 = tpu.memref_squeeze %dma_wait3A_217 : memref<1x80xi32, #tpu.memory_space<vmem>> -> memref<80xi32, #tpu.memory_space<vmem>>
        %dma_wait3A_219 = tpu.memref_slice %arg4[%add3A_214] : memref<160000xi32, #tpu.memory_space<hbm>> -> memref<80xi32, #tpu.memory_space<hbm>>
        %dma_wait3A_220 = arith.constant 0 : i32
        %dma_wait3A_221 = tpu.memref_slice %arg14[%dma_wait3A_215, %dma_wait3A_220] : memref<8x80xi32, #tpu.memory_space<vmem>> -> memref<1x80xi32, #tpu.memory_space<vmem>>
        %dma_wait3A_222 = tpu.memref_squeeze %dma_wait3A_221 : memref<1x80xi32, #tpu.memory_space<vmem>> -> memref<80xi32, #tpu.memory_space<vmem>>
        %dma_wait3A_223 = tpu.memref_slice %arg4[%add3A_214] : memref<160000xi32, #tpu.memory_space<hbm>> -> memref<80xi32, #tpu.memory_space<hbm>>
        tpu.wait_dma2 semaphore(%arg31 : memref<!tpu.dma_semaphore, #tpu.memory_space<semaphore_mem>>) src(%dma_wait3A_223 : memref<80xi32, #tpu.memory_space<hbm>>) dst(%dma_wait3A_222 : memref<80xi32, #tpu.memory_space<vmem>>)
        %dma_start3A_224 = arith.constant 3 : i32
        %dma_start3A_225 = arith.constant 0 : i32
        %dma_start3A_226 = tpu.memref_slice %arg14[%dma_start3A_224, %dma_start3A_225] : memref<8x80xi32, #tpu.memory_space<vmem>> -> memref<1x80xi32, #tpu.memory_space<vmem>>
        %dma_start3A_227 = tpu.memref_squeeze %dma_start3A_226 : memref<1x80xi32, #tpu.memory_space<vmem>> -> memref<80xi32, #tpu.memory_space<vmem>>
        %dma_start3A_228 = arith.constant 0 : i32
        %dma_start3A_229 = arith.constant 0 : i32
        %dma_start3A_230 = tpu.memref_slice %arg19[%dma_start3A_228, %dma_start3A_229] : memref<10240x128xf32, #tpu.memory_space<vmem_shared>> -> memref<10240x128xf32, #tpu.memory_space<vmem_shared>>
        tpu.enqueue_indirect_dma source(%arg18 : memref<80x128xf32, #tpu.memory_space<vmem>>) target(%dma_start3A_230 : memref<10240x128xf32, #tpu.memory_space<vmem_shared>>) offsets(%dma_start3A_227 : memref<80xi32, #tpu.memory_space<vmem>>) semaphore(%arg43 : memref<!tpu.dma_semaphore, #tpu.memory_space<semaphore_mem>>) {add = true}
        %ge3A = arith.constant 2 : i32
        %ge3A_231 = arith.cmpi sge, %add3A_167, %ge3A : i32
        %convert_element_type3A_232 = arith.extui %ge3A_231 : i1 to i32
        %cond3A_233 = arith.constant 0 : i32
        %cond3A_234 = arith.cmpi ne, %convert_element_type3A_232, %cond3A_233 : i32
        scf.if %cond3A_234 {
          %dma_wait3A_249 = arith.constant 1 : i32
          %dma_wait3A_250 = arith.constant 0 : i32
          %dma_wait3A_251 = tpu.memref_slice %arg14[%dma_wait3A_249, %dma_wait3A_250] : memref<8x80xi32, #tpu.memory_space<vmem>> -> memref<1x80xi32, #tpu.memory_space<vmem>>
          %dma_wait3A_252 = tpu.memref_squeeze %dma_wait3A_251 : memref<1x80xi32, #tpu.memory_space<vmem>> -> memref<80xi32, #tpu.memory_space<vmem>>
          %dma_wait3A_253 = arith.constant 0 : i32
          %dma_wait3A_254 = arith.constant 0 : i32
          %dma_wait3A_255 = tpu.memref_slice %arg19[%dma_wait3A_253, %dma_wait3A_254] : memref<10240x128xf32, #tpu.memory_space<vmem_shared>> -> memref<10240x128xf32, #tpu.memory_space<vmem_shared>>
          tpu.wait_indirect_dma semaphore(%arg41 : memref<!tpu.dma_semaphore, #tpu.memory_space<semaphore_mem>>) src(%arg16 : memref<80x128xf32, #tpu.memory_space<vmem>>) dst(%dma_wait3A_255 : memref<10240x128xf32, #tpu.memory_space<vmem_shared>>)
        } else {
        }
        %add3A_235 = arith.constant 6 : i32
        %add3A_236 = arith.addi %add3A_167, %add3A_235 : i32
        %lt3A_237 = arith.constant 125 : i32
        %lt3A_238 = arith.cmpi slt, %add3A_236, %lt3A_237 : i32
        %convert_element_type3A_239 = arith.extui %lt3A_238 : i1 to i32
        %cond3A_240 = arith.constant 0 : i32
        %cond3A_241 = arith.cmpi ne, %convert_element_type3A_239, %cond3A_240 : i32
        scf.if %cond3A_241 {
          %mul3A_249 = arith.constant 80 : i32
          %mul3A_250 = arith.muli %add3A_236, %mul3A_249 : i32
          %add3A_251 = arith.addi %mul3A_4, %mul3A_250 : i32
          %dma_start3A_252 = tpu.memref_slice %arg3[%add3A_251] : memref<320000xi32, #tpu.memory_space<hbm>> -> memref<80xi32, #tpu.memory_space<hbm>>
          %dma_start3A_253 = tpu.memref_slice %arg3[%add3A_251] : memref<320000xi32, #tpu.memory_space<hbm>> -> memref<80xi32, #tpu.memory_space<hbm>>
          tpu.enqueue_dma source(%dma_start3A_253 : memref<80xi32, #tpu.memory_space<hbm>>) target(%arg7 : memref<80xi32, #tpu.memory_space<vmem>>) target_semaphore(%arg21 : memref<!tpu.dma_semaphore, #tpu.memory_space<semaphore_mem>>)
          %mul3A_254 = arith.constant 80 : i32
          %mul3A_255 = arith.muli %add3A_236, %mul3A_254 : i32
          %add3A_256 = arith.addi %mul3A_6, %mul3A_255 : i32
          %dma_start3A_257 = arith.constant 1 : i32
          %dma_start3A_258 = arith.constant 0 : i32
          %dma_start3A_259 = tpu.memref_slice %arg14[%dma_start3A_257, %dma_start3A_258] : memref<8x80xi32, #tpu.memory_space<vmem>> -> memref<1x80xi32, #tpu.memory_space<vmem>>
          %dma_start3A_260 = tpu.memref_squeeze %dma_start3A_259 : memref<1x80xi32, #tpu.memory_space<vmem>> -> memref<80xi32, #tpu.memory_space<vmem>>
          %dma_start3A_261 = tpu.memref_slice %arg4[%add3A_256] : memref<160000xi32, #tpu.memory_space<hbm>> -> memref<80xi32, #tpu.memory_space<hbm>>
          %dma_start3A_262 = arith.constant 0 : i32
          %dma_start3A_263 = tpu.memref_slice %arg14[%dma_start3A_257, %dma_start3A_262] : memref<8x80xi32, #tpu.memory_space<vmem>> -> memref<1x80xi32, #tpu.memory_space<vmem>>
          %dma_start3A_264 = tpu.memref_squeeze %dma_start3A_263 : memref<1x80xi32, #tpu.memory_space<vmem>> -> memref<80xi32, #tpu.memory_space<vmem>>
          %dma_start3A_265 = tpu.memref_slice %arg4[%add3A_256] : memref<160000xi32, #tpu.memory_space<hbm>> -> memref<80xi32, #tpu.memory_space<hbm>>
          tpu.enqueue_dma source(%dma_start3A_265 : memref<80xi32, #tpu.memory_space<hbm>>) target(%dma_start3A_264 : memref<80xi32, #tpu.memory_space<vmem>>) target_semaphore(%arg29 : memref<!tpu.dma_semaphore, #tpu.memory_space<semaphore_mem>>)
        } else {
        }
        %add3A_242 = arith.constant 2 : i32
        %add3A_243 = arith.addi %add3A_167, %add3A_242 : i32
        %lt3A_244 = arith.constant 125 : i32
        %lt3A_245 = arith.cmpi slt, %add3A_243, %lt3A_244 : i32
        %convert_element_type3A_246 = arith.extui %lt3A_245 : i1 to i32
        %cond3A_247 = arith.constant 0 : i32
        %cond3A_248 = arith.cmpi ne, %convert_element_type3A_246, %cond3A_247 : i32
        scf.if %cond3A_248 {
          %mul3A_249 = arith.constant 80 : i32
          %mul3A_250 = arith.muli %add3A_243, %mul3A_249 : i32
          %add3A_251 = arith.addi %mul3A_4, %mul3A_250 : i32
          %dma_wait3A_252 = tpu.memref_slice %arg3[%add3A_251] : memref<320000xi32, #tpu.memory_space<hbm>> -> memref<80xi32, #tpu.memory_space<hbm>>
          %dma_wait3A_253 = tpu.memref_slice %arg3[%add3A_251] : memref<320000xi32, #tpu.memory_space<hbm>> -> memref<80xi32, #tpu.memory_space<hbm>>
          tpu.wait_dma2 semaphore(%arg25 : memref<!tpu.dma_semaphore, #tpu.memory_space<semaphore_mem>>) src(%dma_wait3A_253 : memref<80xi32, #tpu.memory_space<hbm>>) dst(%arg11 : memref<80xi32, #tpu.memory_space<vmem>>)
          %dma_start3A_254 = arith.constant 0 : i32
          %dma_start3A_255 = arith.constant 0 : i32
          %dma_start3A_256 = tpu.memref_slice %arg2[%dma_start3A_254, %dma_start3A_255] : memref<20480x128xf32, #tpu.memory_space<hbm>> -> memref<20480x128xf32, #tpu.memory_space<hbm>>
          tpu.enqueue_indirect_dma source(%dma_start3A_256 : memref<20480x128xf32, #tpu.memory_space<hbm>>) target(%arg16 : memref<80x128xf32, #tpu.memory_space<vmem>>) offsets(%arg11 : memref<80xi32, #tpu.memory_space<vmem>>) semaphore(%arg37 : memref<!tpu.dma_semaphore, #tpu.memory_space<semaphore_mem>>)
        } else {
        }
      } else {
      }
      %mul3A_173 = arith.constant 8 : i32
      %mul3A_174 = arith.muli %scan3A_139, %mul3A_173 : i32
      %add3A_175 = arith.constant 4 : i32
      %add3A_176 = arith.addi %mul3A_174, %add3A_175 : i32
      %lt3A_177 = arith.constant 125 : i32
      %lt3A_178 = arith.cmpi slt, %add3A_176, %lt3A_177 : i32
      %convert_element_type3A_179 = arith.extui %lt3A_178 : i1 to i32
      %cond3A_180 = arith.constant 0 : i32
      %cond3A_181 = arith.cmpi ne, %convert_element_type3A_179, %cond3A_180 : i32
      scf.if %cond3A_181 {
        %dma_wait3A_209 = arith.constant 0 : i32
        %dma_wait3A_210 = arith.constant 0 : i32
        %dma_wait3A_211 = tpu.memref_slice %arg2[%dma_wait3A_209, %dma_wait3A_210] : memref<20480x128xf32, #tpu.memory_space<hbm>> -> memref<20480x128xf32, #tpu.memory_space<hbm>>
        tpu.wait_indirect_dma semaphore(%arg36 : memref<!tpu.dma_semaphore, #tpu.memory_space<semaphore_mem>>) src(%dma_wait3A_211 : memref<20480x128xf32, #tpu.memory_space<hbm>>) dst(%arg15 : memref<80x128xf32, #tpu.memory_space<vmem>>)
        %mul3A_212 = arith.constant 80 : i32
        %mul3A_213 = arith.muli %add3A_176, %mul3A_212 : i32
        %add3A_214 = arith.addi %mul3A_6, %mul3A_213 : i32
        %dma_wait3A_215 = arith.constant 4 : i32
        %dma_wait3A_216 = arith.constant 0 : i32
        %dma_wait3A_217 = tpu.memref_slice %arg14[%dma_wait3A_215, %dma_wait3A_216] : memref<8x80xi32, #tpu.memory_space<vmem>> -> memref<1x80xi32, #tpu.memory_space<vmem>>
        %dma_wait3A_218 = tpu.memref_squeeze %dma_wait3A_217 : memref<1x80xi32, #tpu.memory_space<vmem>> -> memref<80xi32, #tpu.memory_space<vmem>>
        %dma_wait3A_219 = tpu.memref_slice %arg4[%add3A_214] : memref<160000xi32, #tpu.memory_space<hbm>> -> memref<80xi32, #tpu.memory_space<hbm>>
        %dma_wait3A_220 = arith.constant 0 : i32
        %dma_wait3A_221 = tpu.memref_slice %arg14[%dma_wait3A_215, %dma_wait3A_220] : memref<8x80xi32, #tpu.memory_space<vmem>> -> memref<1x80xi32, #tpu.memory_space<vmem>>
        %dma_wait3A_222 = tpu.memref_squeeze %dma_wait3A_221 : memref<1x80xi32, #tpu.memory_space<vmem>> -> memref<80xi32, #tpu.memory_space<vmem>>
        %dma_wait3A_223 = tpu.memref_slice %arg4[%add3A_214] : memref<160000xi32, #tpu.memory_space<hbm>> -> memref<80xi32, #tpu.memory_space<hbm>>
        tpu.wait_dma2 semaphore(%arg32 : memref<!tpu.dma_semaphore, #tpu.memory_space<semaphore_mem>>) src(%dma_wait3A_223 : memref<80xi32, #tpu.memory_space<hbm>>) dst(%dma_wait3A_222 : memref<80xi32, #tpu.memory_space<vmem>>)
        %dma_start3A_224 = arith.constant 4 : i32
        %dma_start3A_225 = arith.constant 0 : i32
        %dma_start3A_226 = tpu.memref_slice %arg14[%dma_start3A_224, %dma_start3A_225] : memref<8x80xi32, #tpu.memory_space<vmem>> -> memref<1x80xi32, #tpu.memory_space<vmem>>
        %dma_start3A_227 = tpu.memref_squeeze %dma_start3A_226 : memref<1x80xi32, #tpu.memory_space<vmem>> -> memref<80xi32, #tpu.memory_space<vmem>>
        %dma_start3A_228 = arith.constant 0 : i32
        %dma_start3A_229 = arith.constant 0 : i32
        %dma_start3A_230 = tpu.memref_slice %arg19[%dma_start3A_228, %dma_start3A_229] : memref<10240x128xf32, #tpu.memory_space<vmem_shared>> -> memref<10240x128xf32, #tpu.memory_space<vmem_shared>>
        tpu.enqueue_indirect_dma source(%arg15 : memref<80x128xf32, #tpu.memory_space<vmem>>) target(%dma_start3A_230 : memref<10240x128xf32, #tpu.memory_space<vmem_shared>>) offsets(%dma_start3A_227 : memref<80xi32, #tpu.memory_space<vmem>>) semaphore(%arg40 : memref<!tpu.dma_semaphore, #tpu.memory_space<semaphore_mem>>) {add = true}
        %ge3A = arith.constant 2 : i32
        %ge3A_231 = arith.cmpi sge, %add3A_176, %ge3A : i32
        %convert_element_type3A_232 = arith.extui %ge3A_231 : i1 to i32
        %cond3A_233 = arith.constant 0 : i32
        %cond3A_234 = arith.cmpi ne, %convert_element_type3A_232, %cond3A_233 : i32
        scf.if %cond3A_234 {
          %dma_wait3A_249 = arith.constant 2 : i32
          %dma_wait3A_250 = arith.constant 0 : i32
          %dma_wait3A_251 = tpu.memref_slice %arg14[%dma_wait3A_249, %dma_wait3A_250] : memref<8x80xi32, #tpu.memory_space<vmem>> -> memref<1x80xi32, #tpu.memory_space<vmem>>
          %dma_wait3A_252 = tpu.memref_squeeze %dma_wait3A_251 : memref<1x80xi32, #tpu.memory_space<vmem>> -> memref<80xi32, #tpu.memory_space<vmem>>
          %dma_wait3A_253 = arith.constant 0 : i32
          %dma_wait3A_254 = arith.constant 0 : i32
          %dma_wait3A_255 = tpu.memref_slice %arg19[%dma_wait3A_253, %dma_wait3A_254] : memref<10240x128xf32, #tpu.memory_space<vmem_shared>> -> memref<10240x128xf32, #tpu.memory_space<vmem_shared>>
          tpu.wait_indirect_dma semaphore(%arg42 : memref<!tpu.dma_semaphore, #tpu.memory_space<semaphore_mem>>) src(%arg17 : memref<80x128xf32, #tpu.memory_space<vmem>>) dst(%dma_wait3A_255 : memref<10240x128xf32, #tpu.memory_space<vmem_shared>>)
        } else {
        }
        %add3A_235 = arith.constant 6 : i32
        %add3A_236 = arith.addi %add3A_176, %add3A_235 : i32
        %lt3A_237 = arith.constant 125 : i32
        %lt3A_238 = arith.cmpi slt, %add3A_236, %lt3A_237 : i32
        %convert_element_type3A_239 = arith.extui %lt3A_238 : i1 to i32
        %cond3A_240 = arith.constant 0 : i32
        %cond3A_241 = arith.cmpi ne, %convert_element_type3A_239, %cond3A_240 : i32
        scf.if %cond3A_241 {
          %mul3A_249 = arith.constant 80 : i32
          %mul3A_250 = arith.muli %add3A_236, %mul3A_249 : i32
          %add3A_251 = arith.addi %mul3A_4, %mul3A_250 : i32
          %dma_start3A_252 = tpu.memref_slice %arg3[%add3A_251] : memref<320000xi32, #tpu.memory_space<hbm>> -> memref<80xi32, #tpu.memory_space<hbm>>
          %dma_start3A_253 = tpu.memref_slice %arg3[%add3A_251] : memref<320000xi32, #tpu.memory_space<hbm>> -> memref<80xi32, #tpu.memory_space<hbm>>
          tpu.enqueue_dma source(%dma_start3A_253 : memref<80xi32, #tpu.memory_space<hbm>>) target(%arg8 : memref<80xi32, #tpu.memory_space<vmem>>) target_semaphore(%arg22 : memref<!tpu.dma_semaphore, #tpu.memory_space<semaphore_mem>>)
          %mul3A_254 = arith.constant 80 : i32
          %mul3A_255 = arith.muli %add3A_236, %mul3A_254 : i32
          %add3A_256 = arith.addi %mul3A_6, %mul3A_255 : i32
          %dma_start3A_257 = arith.constant 2 : i32
          %dma_start3A_258 = arith.constant 0 : i32
          %dma_start3A_259 = tpu.memref_slice %arg14[%dma_start3A_257, %dma_start3A_258] : memref<8x80xi32, #tpu.memory_space<vmem>> -> memref<1x80xi32, #tpu.memory_space<vmem>>
          %dma_start3A_260 = tpu.memref_squeeze %dma_start3A_259 : memref<1x80xi32, #tpu.memory_space<vmem>> -> memref<80xi32, #tpu.memory_space<vmem>>
          %dma_start3A_261 = tpu.memref_slice %arg4[%add3A_256] : memref<160000xi32, #tpu.memory_space<hbm>> -> memref<80xi32, #tpu.memory_space<hbm>>
          %dma_start3A_262 = arith.constant 0 : i32
          %dma_start3A_263 = tpu.memref_slice %arg14[%dma_start3A_257, %dma_start3A_262] : memref<8x80xi32, #tpu.memory_space<vmem>> -> memref<1x80xi32, #tpu.memory_space<vmem>>
          %dma_start3A_264 = tpu.memref_squeeze %dma_start3A_263 : memref<1x80xi32, #tpu.memory_space<vmem>> -> memref<80xi32, #tpu.memory_space<vmem>>
          %dma_start3A_265 = tpu.memref_slice %arg4[%add3A_256] : memref<160000xi32, #tpu.memory_space<hbm>> -> memref<80xi32, #tpu.memory_space<hbm>>
          tpu.enqueue_dma source(%dma_start3A_265 : memref<80xi32, #tpu.memory_space<hbm>>) target(%dma_start3A_264 : memref<80xi32, #tpu.memory_space<vmem>>) target_semaphore(%arg30 : memref<!tpu.dma_semaphore, #tpu.memory_space<semaphore_mem>>)
        } else {
        }
        %add3A_242 = arith.constant 2 : i32
        %add3A_243 = arith.addi %add3A_176, %add3A_242 : i32
        %lt3A_244 = arith.constant 125 : i32
        %lt3A_245 = arith.cmpi slt, %add3A_243, %lt3A_244 : i32
        %convert_element_type3A_246 = arith.extui %lt3A_245 : i1 to i32
        %cond3A_247 = arith.constant 0 : i32
        %cond3A_248 = arith.cmpi ne, %convert_element_type3A_246, %cond3A_247 : i32
        scf.if %cond3A_248 {
          %mul3A_249 = arith.constant 80 : i32
          %mul3A_250 = arith.muli %add3A_243, %mul3A_249 : i32
          %add3A_251 = arith.addi %mul3A_4, %mul3A_250 : i32
          %dma_wait3A_252 = tpu.memref_slice %arg3[%add3A_251] : memref<320000xi32, #tpu.memory_space<hbm>> -> memref<80xi32, #tpu.memory_space<hbm>>
          %dma_wait3A_253 = tpu.memref_slice %arg3[%add3A_251] : memref<320000xi32, #tpu.memory_space<hbm>> -> memref<80xi32, #tpu.memory_space<hbm>>
          tpu.wait_dma2 semaphore(%arg26 : memref<!tpu.dma_semaphore, #tpu.memory_space<semaphore_mem>>) src(%dma_wait3A_253 : memref<80xi32, #tpu.memory_space<hbm>>) dst(%arg12 : memref<80xi32, #tpu.memory_space<vmem>>)
          %dma_start3A_254 = arith.constant 0 : i32
          %dma_start3A_255 = arith.constant 0 : i32
          %dma_start3A_256 = tpu.memref_slice %arg2[%dma_start3A_254, %dma_start3A_255] : memref<20480x128xf32, #tpu.memory_space<hbm>> -> memref<20480x128xf32, #tpu.memory_space<hbm>>
          tpu.enqueue_indirect_dma source(%dma_start3A_256 : memref<20480x128xf32, #tpu.memory_space<hbm>>) target(%arg17 : memref<80x128xf32, #tpu.memory_space<vmem>>) offsets(%arg12 : memref<80xi32, #tpu.memory_space<vmem>>) semaphore(%arg38 : memref<!tpu.dma_semaphore, #tpu.memory_space<semaphore_mem>>)
        } else {
        }
      } else {
      }
      %mul3A_182 = arith.constant 8 : i32
      %mul3A_183 = arith.muli %scan3A_139, %mul3A_182 : i32
      %add3A_184 = arith.constant 5 : i32
      %add3A_185 = arith.addi %mul3A_183, %add3A_184 : i32
      %lt3A_186 = arith.constant 125 : i32
      %lt3A_187 = arith.cmpi slt, %add3A_185, %lt3A_186 : i32
      %convert_element_type3A_188 = arith.extui %lt3A_187 : i1 to i32
      %cond3A_189 = arith.constant 0 : i32
      %cond3A_190 = arith.cmpi ne, %convert_element_type3A_188, %cond3A_189 : i32
      scf.if %cond3A_190 {
        %dma_wait3A_209 = arith.constant 0 : i32
        %dma_wait3A_210 = arith.constant 0 : i32
        %dma_wait3A_211 = tpu.memref_slice %arg2[%dma_wait3A_209, %dma_wait3A_210] : memref<20480x128xf32, #tpu.memory_space<hbm>> -> memref<20480x128xf32, #tpu.memory_space<hbm>>
        tpu.wait_indirect_dma semaphore(%arg37 : memref<!tpu.dma_semaphore, #tpu.memory_space<semaphore_mem>>) src(%dma_wait3A_211 : memref<20480x128xf32, #tpu.memory_space<hbm>>) dst(%arg16 : memref<80x128xf32, #tpu.memory_space<vmem>>)
        %mul3A_212 = arith.constant 80 : i32
        %mul3A_213 = arith.muli %add3A_185, %mul3A_212 : i32
        %add3A_214 = arith.addi %mul3A_6, %mul3A_213 : i32
        %dma_wait3A_215 = arith.constant 5 : i32
        %dma_wait3A_216 = arith.constant 0 : i32
        %dma_wait3A_217 = tpu.memref_slice %arg14[%dma_wait3A_215, %dma_wait3A_216] : memref<8x80xi32, #tpu.memory_space<vmem>> -> memref<1x80xi32, #tpu.memory_space<vmem>>
        %dma_wait3A_218 = tpu.memref_squeeze %dma_wait3A_217 : memref<1x80xi32, #tpu.memory_space<vmem>> -> memref<80xi32, #tpu.memory_space<vmem>>
        %dma_wait3A_219 = tpu.memref_slice %arg4[%add3A_214] : memref<160000xi32, #tpu.memory_space<hbm>> -> memref<80xi32, #tpu.memory_space<hbm>>
        %dma_wait3A_220 = arith.constant 0 : i32
        %dma_wait3A_221 = tpu.memref_slice %arg14[%dma_wait3A_215, %dma_wait3A_220] : memref<8x80xi32, #tpu.memory_space<vmem>> -> memref<1x80xi32, #tpu.memory_space<vmem>>
        %dma_wait3A_222 = tpu.memref_squeeze %dma_wait3A_221 : memref<1x80xi32, #tpu.memory_space<vmem>> -> memref<80xi32, #tpu.memory_space<vmem>>
        %dma_wait3A_223 = tpu.memref_slice %arg4[%add3A_214] : memref<160000xi32, #tpu.memory_space<hbm>> -> memref<80xi32, #tpu.memory_space<hbm>>
        tpu.wait_dma2 semaphore(%arg33 : memref<!tpu.dma_semaphore, #tpu.memory_space<semaphore_mem>>) src(%dma_wait3A_223 : memref<80xi32, #tpu.memory_space<hbm>>) dst(%dma_wait3A_222 : memref<80xi32, #tpu.memory_space<vmem>>)
        %dma_start3A_224 = arith.constant 5 : i32
        %dma_start3A_225 = arith.constant 0 : i32
        %dma_start3A_226 = tpu.memref_slice %arg14[%dma_start3A_224, %dma_start3A_225] : memref<8x80xi32, #tpu.memory_space<vmem>> -> memref<1x80xi32, #tpu.memory_space<vmem>>
        %dma_start3A_227 = tpu.memref_squeeze %dma_start3A_226 : memref<1x80xi32, #tpu.memory_space<vmem>> -> memref<80xi32, #tpu.memory_space<vmem>>
        %dma_start3A_228 = arith.constant 0 : i32
        %dma_start3A_229 = arith.constant 0 : i32
        %dma_start3A_230 = tpu.memref_slice %arg19[%dma_start3A_228, %dma_start3A_229] : memref<10240x128xf32, #tpu.memory_space<vmem_shared>> -> memref<10240x128xf32, #tpu.memory_space<vmem_shared>>
        tpu.enqueue_indirect_dma source(%arg16 : memref<80x128xf32, #tpu.memory_space<vmem>>) target(%dma_start3A_230 : memref<10240x128xf32, #tpu.memory_space<vmem_shared>>) offsets(%dma_start3A_227 : memref<80xi32, #tpu.memory_space<vmem>>) semaphore(%arg41 : memref<!tpu.dma_semaphore, #tpu.memory_space<semaphore_mem>>) {add = true}
        %ge3A = arith.constant 2 : i32
        %ge3A_231 = arith.cmpi sge, %add3A_185, %ge3A : i32
        %convert_element_type3A_232 = arith.extui %ge3A_231 : i1 to i32
        %cond3A_233 = arith.constant 0 : i32
        %cond3A_234 = arith.cmpi ne, %convert_element_type3A_232, %cond3A_233 : i32
        scf.if %cond3A_234 {
          %dma_wait3A_249 = arith.constant 3 : i32
          %dma_wait3A_250 = arith.constant 0 : i32
          %dma_wait3A_251 = tpu.memref_slice %arg14[%dma_wait3A_249, %dma_wait3A_250] : memref<8x80xi32, #tpu.memory_space<vmem>> -> memref<1x80xi32, #tpu.memory_space<vmem>>
          %dma_wait3A_252 = tpu.memref_squeeze %dma_wait3A_251 : memref<1x80xi32, #tpu.memory_space<vmem>> -> memref<80xi32, #tpu.memory_space<vmem>>
          %dma_wait3A_253 = arith.constant 0 : i32
          %dma_wait3A_254 = arith.constant 0 : i32
          %dma_wait3A_255 = tpu.memref_slice %arg19[%dma_wait3A_253, %dma_wait3A_254] : memref<10240x128xf32, #tpu.memory_space<vmem_shared>> -> memref<10240x128xf32, #tpu.memory_space<vmem_shared>>
          tpu.wait_indirect_dma semaphore(%arg43 : memref<!tpu.dma_semaphore, #tpu.memory_space<semaphore_mem>>) src(%arg18 : memref<80x128xf32, #tpu.memory_space<vmem>>) dst(%dma_wait3A_255 : memref<10240x128xf32, #tpu.memory_space<vmem_shared>>)
        } else {
        }
        %add3A_235 = arith.constant 6 : i32
        %add3A_236 = arith.addi %add3A_185, %add3A_235 : i32
        %lt3A_237 = arith.constant 125 : i32
        %lt3A_238 = arith.cmpi slt, %add3A_236, %lt3A_237 : i32
        %convert_element_type3A_239 = arith.extui %lt3A_238 : i1 to i32
        %cond3A_240 = arith.constant 0 : i32
        %cond3A_241 = arith.cmpi ne, %convert_element_type3A_239, %cond3A_240 : i32
        scf.if %cond3A_241 {
          %mul3A_249 = arith.constant 80 : i32
          %mul3A_250 = arith.muli %add3A_236, %mul3A_249 : i32
          %add3A_251 = arith.addi %mul3A_4, %mul3A_250 : i32
          %dma_start3A_252 = tpu.memref_slice %arg3[%add3A_251] : memref<320000xi32, #tpu.memory_space<hbm>> -> memref<80xi32, #tpu.memory_space<hbm>>
          %dma_start3A_253 = tpu.memref_slice %arg3[%add3A_251] : memref<320000xi32, #tpu.memory_space<hbm>> -> memref<80xi32, #tpu.memory_space<hbm>>
          tpu.enqueue_dma source(%dma_start3A_253 : memref<80xi32, #tpu.memory_space<hbm>>) target(%arg9 : memref<80xi32, #tpu.memory_space<vmem>>) target_semaphore(%arg23 : memref<!tpu.dma_semaphore, #tpu.memory_space<semaphore_mem>>)
          %mul3A_254 = arith.constant 80 : i32
          %mul3A_255 = arith.muli %add3A_236, %mul3A_254 : i32
          %add3A_256 = arith.addi %mul3A_6, %mul3A_255 : i32
          %dma_start3A_257 = arith.constant 3 : i32
          %dma_start3A_258 = arith.constant 0 : i32
          %dma_start3A_259 = tpu.memref_slice %arg14[%dma_start3A_257, %dma_start3A_258] : memref<8x80xi32, #tpu.memory_space<vmem>> -> memref<1x80xi32, #tpu.memory_space<vmem>>
          %dma_start3A_260 = tpu.memref_squeeze %dma_start3A_259 : memref<1x80xi32, #tpu.memory_space<vmem>> -> memref<80xi32, #tpu.memory_space<vmem>>
          %dma_start3A_261 = tpu.memref_slice %arg4[%add3A_256] : memref<160000xi32, #tpu.memory_space<hbm>> -> memref<80xi32, #tpu.memory_space<hbm>>
          %dma_start3A_262 = arith.constant 0 : i32
          %dma_start3A_263 = tpu.memref_slice %arg14[%dma_start3A_257, %dma_start3A_262] : memref<8x80xi32, #tpu.memory_space<vmem>> -> memref<1x80xi32, #tpu.memory_space<vmem>>
          %dma_start3A_264 = tpu.memref_squeeze %dma_start3A_263 : memref<1x80xi32, #tpu.memory_space<vmem>> -> memref<80xi32, #tpu.memory_space<vmem>>
          %dma_start3A_265 = tpu.memref_slice %arg4[%add3A_256] : memref<160000xi32, #tpu.memory_space<hbm>> -> memref<80xi32, #tpu.memory_space<hbm>>
          tpu.enqueue_dma source(%dma_start3A_265 : memref<80xi32, #tpu.memory_space<hbm>>) target(%dma_start3A_264 : memref<80xi32, #tpu.memory_space<vmem>>) target_semaphore(%arg31 : memref<!tpu.dma_semaphore, #tpu.memory_space<semaphore_mem>>)
        } else {
        }
        %add3A_242 = arith.constant 2 : i32
        %add3A_243 = arith.addi %add3A_185, %add3A_242 : i32
        %lt3A_244 = arith.constant 125 : i32
        %lt3A_245 = arith.cmpi slt, %add3A_243, %lt3A_244 : i32
        %convert_element_type3A_246 = arith.extui %lt3A_245 : i1 to i32
        %cond3A_247 = arith.constant 0 : i32
        %cond3A_248 = arith.cmpi ne, %convert_element_type3A_246, %cond3A_247 : i32
        scf.if %cond3A_248 {
          %mul3A_249 = arith.constant 80 : i32
          %mul3A_250 = arith.muli %add3A_243, %mul3A_249 : i32
          %add3A_251 = arith.addi %mul3A_4, %mul3A_250 : i32
          %dma_wait3A_252 = tpu.memref_slice %arg3[%add3A_251] : memref<320000xi32, #tpu.memory_space<hbm>> -> memref<80xi32, #tpu.memory_space<hbm>>
          %dma_wait3A_253 = tpu.memref_slice %arg3[%add3A_251] : memref<320000xi32, #tpu.memory_space<hbm>> -> memref<80xi32, #tpu.memory_space<hbm>>
          tpu.wait_dma2 semaphore(%arg27 : memref<!tpu.dma_semaphore, #tpu.memory_space<semaphore_mem>>) src(%dma_wait3A_253 : memref<80xi32, #tpu.memory_space<hbm>>) dst(%arg13 : memref<80xi32, #tpu.memory_space<vmem>>)
          %dma_start3A_254 = arith.constant 0 : i32
          %dma_start3A_255 = arith.constant 0 : i32
          %dma_start3A_256 = tpu.memref_slice %arg2[%dma_start3A_254, %dma_start3A_255] : memref<20480x128xf32, #tpu.memory_space<hbm>> -> memref<20480x128xf32, #tpu.memory_space<hbm>>
          tpu.enqueue_indirect_dma source(%dma_start3A_256 : memref<20480x128xf32, #tpu.memory_space<hbm>>) target(%arg18 : memref<80x128xf32, #tpu.memory_space<vmem>>) offsets(%arg13 : memref<80xi32, #tpu.memory_space<vmem>>) semaphore(%arg39 : memref<!tpu.dma_semaphore, #tpu.memory_space<semaphore_mem>>)
        } else {
        }
      } else {
      }
      %mul3A_191 = arith.constant 8 : i32
      %mul3A_192 = arith.muli %scan3A_139, %mul3A_191 : i32
      %add3A_193 = arith.constant 6 : i32
      %add3A_194 = arith.addi %mul3A_192, %add3A_193 : i32
      %lt3A_195 = arith.constant 125 : i32
      %lt3A_196 = arith.cmpi slt, %add3A_194, %lt3A_195 : i32
      %convert_element_type3A_197 = arith.extui %lt3A_196 : i1 to i32
      %cond3A_198 = arith.constant 0 : i32
      %cond3A_199 = arith.cmpi ne, %convert_element_type3A_197, %cond3A_198 : i32
      scf.if %cond3A_199 {
        %dma_wait3A_209 = arith.constant 0 : i32
        %dma_wait3A_210 = arith.constant 0 : i32
        %dma_wait3A_211 = tpu.memref_slice %arg2[%dma_wait3A_209, %dma_wait3A_210] : memref<20480x128xf32, #tpu.memory_space<hbm>> -> memref<20480x128xf32, #tpu.memory_space<hbm>>
        tpu.wait_indirect_dma semaphore(%arg38 : memref<!tpu.dma_semaphore, #tpu.memory_space<semaphore_mem>>) src(%dma_wait3A_211 : memref<20480x128xf32, #tpu.memory_space<hbm>>) dst(%arg17 : memref<80x128xf32, #tpu.memory_space<vmem>>)
        %mul3A_212 = arith.constant 80 : i32
        %mul3A_213 = arith.muli %add3A_194, %mul3A_212 : i32
        %add3A_214 = arith.addi %mul3A_6, %mul3A_213 : i32
        %dma_wait3A_215 = arith.constant 6 : i32
        %dma_wait3A_216 = arith.constant 0 : i32
        %dma_wait3A_217 = tpu.memref_slice %arg14[%dma_wait3A_215, %dma_wait3A_216] : memref<8x80xi32, #tpu.memory_space<vmem>> -> memref<1x80xi32, #tpu.memory_space<vmem>>
        %dma_wait3A_218 = tpu.memref_squeeze %dma_wait3A_217 : memref<1x80xi32, #tpu.memory_space<vmem>> -> memref<80xi32, #tpu.memory_space<vmem>>
        %dma_wait3A_219 = tpu.memref_slice %arg4[%add3A_214] : memref<160000xi32, #tpu.memory_space<hbm>> -> memref<80xi32, #tpu.memory_space<hbm>>
        %dma_wait3A_220 = arith.constant 0 : i32
        %dma_wait3A_221 = tpu.memref_slice %arg14[%dma_wait3A_215, %dma_wait3A_220] : memref<8x80xi32, #tpu.memory_space<vmem>> -> memref<1x80xi32, #tpu.memory_space<vmem>>
        %dma_wait3A_222 = tpu.memref_squeeze %dma_wait3A_221 : memref<1x80xi32, #tpu.memory_space<vmem>> -> memref<80xi32, #tpu.memory_space<vmem>>
        %dma_wait3A_223 = tpu.memref_slice %arg4[%add3A_214] : memref<160000xi32, #tpu.memory_space<hbm>> -> memref<80xi32, #tpu.memory_space<hbm>>
        tpu.wait_dma2 semaphore(%arg34 : memref<!tpu.dma_semaphore, #tpu.memory_space<semaphore_mem>>) src(%dma_wait3A_223 : memref<80xi32, #tpu.memory_space<hbm>>) dst(%dma_wait3A_222 : memref<80xi32, #tpu.memory_space<vmem>>)
        %dma_start3A_224 = arith.constant 6 : i32
        %dma_start3A_225 = arith.constant 0 : i32
        %dma_start3A_226 = tpu.memref_slice %arg14[%dma_start3A_224, %dma_start3A_225] : memref<8x80xi32, #tpu.memory_space<vmem>> -> memref<1x80xi32, #tpu.memory_space<vmem>>
        %dma_start3A_227 = tpu.memref_squeeze %dma_start3A_226 : memref<1x80xi32, #tpu.memory_space<vmem>> -> memref<80xi32, #tpu.memory_space<vmem>>
        %dma_start3A_228 = arith.constant 0 : i32
        %dma_start3A_229 = arith.constant 0 : i32
        %dma_start3A_230 = tpu.memref_slice %arg19[%dma_start3A_228, %dma_start3A_229] : memref<10240x128xf32, #tpu.memory_space<vmem_shared>> -> memref<10240x128xf32, #tpu.memory_space<vmem_shared>>
        tpu.enqueue_indirect_dma source(%arg17 : memref<80x128xf32, #tpu.memory_space<vmem>>) target(%dma_start3A_230 : memref<10240x128xf32, #tpu.memory_space<vmem_shared>>) offsets(%dma_start3A_227 : memref<80xi32, #tpu.memory_space<vmem>>) semaphore(%arg42 : memref<!tpu.dma_semaphore, #tpu.memory_space<semaphore_mem>>) {add = true}
        %ge3A = arith.constant 2 : i32
        %ge3A_231 = arith.cmpi sge, %add3A_194, %ge3A : i32
        %convert_element_type3A_232 = arith.extui %ge3A_231 : i1 to i32
        %cond3A_233 = arith.constant 0 : i32
        %cond3A_234 = arith.cmpi ne, %convert_element_type3A_232, %cond3A_233 : i32
        scf.if %cond3A_234 {
          %dma_wait3A_249 = arith.constant 4 : i32
          %dma_wait3A_250 = arith.constant 0 : i32
          %dma_wait3A_251 = tpu.memref_slice %arg14[%dma_wait3A_249, %dma_wait3A_250] : memref<8x80xi32, #tpu.memory_space<vmem>> -> memref<1x80xi32, #tpu.memory_space<vmem>>
          %dma_wait3A_252 = tpu.memref_squeeze %dma_wait3A_251 : memref<1x80xi32, #tpu.memory_space<vmem>> -> memref<80xi32, #tpu.memory_space<vmem>>
          %dma_wait3A_253 = arith.constant 0 : i32
          %dma_wait3A_254 = arith.constant 0 : i32
          %dma_wait3A_255 = tpu.memref_slice %arg19[%dma_wait3A_253, %dma_wait3A_254] : memref<10240x128xf32, #tpu.memory_space<vmem_shared>> -> memref<10240x128xf32, #tpu.memory_space<vmem_shared>>
          tpu.wait_indirect_dma semaphore(%arg40 : memref<!tpu.dma_semaphore, #tpu.memory_space<semaphore_mem>>) src(%arg15 : memref<80x128xf32, #tpu.memory_space<vmem>>) dst(%dma_wait3A_255 : memref<10240x128xf32, #tpu.memory_space<vmem_shared>>)
        } else {
        }
        %add3A_235 = arith.constant 6 : i32
        %add3A_236 = arith.addi %add3A_194, %add3A_235 : i32
        %lt3A_237 = arith.constant 125 : i32
        %lt3A_238 = arith.cmpi slt, %add3A_236, %lt3A_237 : i32
        %convert_element_type3A_239 = arith.extui %lt3A_238 : i1 to i32
        %cond3A_240 = arith.constant 0 : i32
        %cond3A_241 = arith.cmpi ne, %convert_element_type3A_239, %cond3A_240 : i32
        scf.if %cond3A_241 {
          %mul3A_249 = arith.constant 80 : i32
          %mul3A_250 = arith.muli %add3A_236, %mul3A_249 : i32
          %add3A_251 = arith.addi %mul3A_4, %mul3A_250 : i32
          %dma_start3A_252 = tpu.memref_slice %arg3[%add3A_251] : memref<320000xi32, #tpu.memory_space<hbm>> -> memref<80xi32, #tpu.memory_space<hbm>>
          %dma_start3A_253 = tpu.memref_slice %arg3[%add3A_251] : memref<320000xi32, #tpu.memory_space<hbm>> -> memref<80xi32, #tpu.memory_space<hbm>>
          tpu.enqueue_dma source(%dma_start3A_253 : memref<80xi32, #tpu.memory_space<hbm>>) target(%arg10 : memref<80xi32, #tpu.memory_space<vmem>>) target_semaphore(%arg24 : memref<!tpu.dma_semaphore, #tpu.memory_space<semaphore_mem>>)
          %mul3A_254 = arith.constant 80 : i32
          %mul3A_255 = arith.muli %add3A_236, %mul3A_254 : i32
          %add3A_256 = arith.addi %mul3A_6, %mul3A_255 : i32
          %dma_start3A_257 = arith.constant 4 : i32
          %dma_start3A_258 = arith.constant 0 : i32
          %dma_start3A_259 = tpu.memref_slice %arg14[%dma_start3A_257, %dma_start3A_258] : memref<8x80xi32, #tpu.memory_space<vmem>> -> memref<1x80xi32, #tpu.memory_space<vmem>>
          %dma_start3A_260 = tpu.memref_squeeze %dma_start3A_259 : memref<1x80xi32, #tpu.memory_space<vmem>> -> memref<80xi32, #tpu.memory_space<vmem>>
          %dma_start3A_261 = tpu.memref_slice %arg4[%add3A_256] : memref<160000xi32, #tpu.memory_space<hbm>> -> memref<80xi32, #tpu.memory_space<hbm>>
          %dma_start3A_262 = arith.constant 0 : i32
          %dma_start3A_263 = tpu.memref_slice %arg14[%dma_start3A_257, %dma_start3A_262] : memref<8x80xi32, #tpu.memory_space<vmem>> -> memref<1x80xi32, #tpu.memory_space<vmem>>
          %dma_start3A_264 = tpu.memref_squeeze %dma_start3A_263 : memref<1x80xi32, #tpu.memory_space<vmem>> -> memref<80xi32, #tpu.memory_space<vmem>>
          %dma_start3A_265 = tpu.memref_slice %arg4[%add3A_256] : memref<160000xi32, #tpu.memory_space<hbm>> -> memref<80xi32, #tpu.memory_space<hbm>>
          tpu.enqueue_dma source(%dma_start3A_265 : memref<80xi32, #tpu.memory_space<hbm>>) target(%dma_start3A_264 : memref<80xi32, #tpu.memory_space<vmem>>) target_semaphore(%arg32 : memref<!tpu.dma_semaphore, #tpu.memory_space<semaphore_mem>>)
        } else {
        }
        %add3A_242 = arith.constant 2 : i32
        %add3A_243 = arith.addi %add3A_194, %add3A_242 : i32
        %lt3A_244 = arith.constant 125 : i32
        %lt3A_245 = arith.cmpi slt, %add3A_243, %lt3A_244 : i32
        %convert_element_type3A_246 = arith.extui %lt3A_245 : i1 to i32
        %cond3A_247 = arith.constant 0 : i32
        %cond3A_248 = arith.cmpi ne, %convert_element_type3A_246, %cond3A_247 : i32
        scf.if %cond3A_248 {
          %mul3A_249 = arith.constant 80 : i32
          %mul3A_250 = arith.muli %add3A_243, %mul3A_249 : i32
          %add3A_251 = arith.addi %mul3A_4, %mul3A_250 : i32
          %dma_wait3A_252 = tpu.memref_slice %arg3[%add3A_251] : memref<320000xi32, #tpu.memory_space<hbm>> -> memref<80xi32, #tpu.memory_space<hbm>>
          %dma_wait3A_253 = tpu.memref_slice %arg3[%add3A_251] : memref<320000xi32, #tpu.memory_space<hbm>> -> memref<80xi32, #tpu.memory_space<hbm>>
          tpu.wait_dma2 semaphore(%arg20 : memref<!tpu.dma_semaphore, #tpu.memory_space<semaphore_mem>>) src(%dma_wait3A_253 : memref<80xi32, #tpu.memory_space<hbm>>) dst(%arg6 : memref<80xi32, #tpu.memory_space<vmem>>)
          %dma_start3A_254 = arith.constant 0 : i32
          %dma_start3A_255 = arith.constant 0 : i32
          %dma_start3A_256 = tpu.memref_slice %arg2[%dma_start3A_254, %dma_start3A_255] : memref<20480x128xf32, #tpu.memory_space<hbm>> -> memref<20480x128xf32, #tpu.memory_space<hbm>>
          tpu.enqueue_indirect_dma source(%dma_start3A_256 : memref<20480x128xf32, #tpu.memory_space<hbm>>) target(%arg15 : memref<80x128xf32, #tpu.memory_space<vmem>>) offsets(%arg6 : memref<80xi32, #tpu.memory_space<vmem>>) semaphore(%arg36 : memref<!tpu.dma_semaphore, #tpu.memory_space<semaphore_mem>>)
        } else {
        }
      } else {
      }
      %mul3A_200 = arith.constant 8 : i32
      %mul3A_201 = arith.muli %scan3A_139, %mul3A_200 : i32
      %add3A_202 = arith.constant 7 : i32
      %add3A_203 = arith.addi %mul3A_201, %add3A_202 : i32
      %lt3A_204 = arith.constant 125 : i32
      %lt3A_205 = arith.cmpi slt, %add3A_203, %lt3A_204 : i32
      %convert_element_type3A_206 = arith.extui %lt3A_205 : i1 to i32
      %cond3A_207 = arith.constant 0 : i32
      %cond3A_208 = arith.cmpi ne, %convert_element_type3A_206, %cond3A_207 : i32
      scf.if %cond3A_208 {
        %dma_wait3A_209 = arith.constant 0 : i32
        %dma_wait3A_210 = arith.constant 0 : i32
        %dma_wait3A_211 = tpu.memref_slice %arg2[%dma_wait3A_209, %dma_wait3A_210] : memref<20480x128xf32, #tpu.memory_space<hbm>> -> memref<20480x128xf32, #tpu.memory_space<hbm>>
        tpu.wait_indirect_dma semaphore(%arg39 : memref<!tpu.dma_semaphore, #tpu.memory_space<semaphore_mem>>) src(%dma_wait3A_211 : memref<20480x128xf32, #tpu.memory_space<hbm>>) dst(%arg18 : memref<80x128xf32, #tpu.memory_space<vmem>>)
        %mul3A_212 = arith.constant 80 : i32
        %mul3A_213 = arith.muli %add3A_203, %mul3A_212 : i32
        %add3A_214 = arith.addi %mul3A_6, %mul3A_213 : i32
        %dma_wait3A_215 = arith.constant 7 : i32
        %dma_wait3A_216 = arith.constant 0 : i32
        %dma_wait3A_217 = tpu.memref_slice %arg14[%dma_wait3A_215, %dma_wait3A_216] : memref<8x80xi32, #tpu.memory_space<vmem>> -> memref<1x80xi32, #tpu.memory_space<vmem>>
        %dma_wait3A_218 = tpu.memref_squeeze %dma_wait3A_217 : memref<1x80xi32, #tpu.memory_space<vmem>> -> memref<80xi32, #tpu.memory_space<vmem>>
        %dma_wait3A_219 = tpu.memref_slice %arg4[%add3A_214] : memref<160000xi32, #tpu.memory_space<hbm>> -> memref<80xi32, #tpu.memory_space<hbm>>
        %dma_wait3A_220 = arith.constant 0 : i32
        %dma_wait3A_221 = tpu.memref_slice %arg14[%dma_wait3A_215, %dma_wait3A_220] : memref<8x80xi32, #tpu.memory_space<vmem>> -> memref<1x80xi32, #tpu.memory_space<vmem>>
        %dma_wait3A_222 = tpu.memref_squeeze %dma_wait3A_221 : memref<1x80xi32, #tpu.memory_space<vmem>> -> memref<80xi32, #tpu.memory_space<vmem>>
        %dma_wait3A_223 = tpu.memref_slice %arg4[%add3A_214] : memref<160000xi32, #tpu.memory_space<hbm>> -> memref<80xi32, #tpu.memory_space<hbm>>
        tpu.wait_dma2 semaphore(%arg35 : memref<!tpu.dma_semaphore, #tpu.memory_space<semaphore_mem>>) src(%dma_wait3A_223 : memref<80xi32, #tpu.memory_space<hbm>>) dst(%dma_wait3A_222 : memref<80xi32, #tpu.memory_space<vmem>>)
        %dma_start3A_224 = arith.constant 7 : i32
        %dma_start3A_225 = arith.constant 0 : i32
        %dma_start3A_226 = tpu.memref_slice %arg14[%dma_start3A_224, %dma_start3A_225] : memref<8x80xi32, #tpu.memory_space<vmem>> -> memref<1x80xi32, #tpu.memory_space<vmem>>
        %dma_start3A_227 = tpu.memref_squeeze %dma_start3A_226 : memref<1x80xi32, #tpu.memory_space<vmem>> -> memref<80xi32, #tpu.memory_space<vmem>>
        %dma_start3A_228 = arith.constant 0 : i32
        %dma_start3A_229 = arith.constant 0 : i32
        %dma_start3A_230 = tpu.memref_slice %arg19[%dma_start3A_228, %dma_start3A_229] : memref<10240x128xf32, #tpu.memory_space<vmem_shared>> -> memref<10240x128xf32, #tpu.memory_space<vmem_shared>>
        tpu.enqueue_indirect_dma source(%arg18 : memref<80x128xf32, #tpu.memory_space<vmem>>) target(%dma_start3A_230 : memref<10240x128xf32, #tpu.memory_space<vmem_shared>>) offsets(%dma_start3A_227 : memref<80xi32, #tpu.memory_space<vmem>>) semaphore(%arg43 : memref<!tpu.dma_semaphore, #tpu.memory_space<semaphore_mem>>) {add = true}
        %ge3A = arith.constant 2 : i32
        %ge3A_231 = arith.cmpi sge, %add3A_203, %ge3A : i32
        %convert_element_type3A_232 = arith.extui %ge3A_231 : i1 to i32
        %cond3A_233 = arith.constant 0 : i32
        %cond3A_234 = arith.cmpi ne, %convert_element_type3A_232, %cond3A_233 : i32
        scf.if %cond3A_234 {
          %dma_wait3A_249 = arith.constant 5 : i32
          %dma_wait3A_250 = arith.constant 0 : i32
          %dma_wait3A_251 = tpu.memref_slice %arg14[%dma_wait3A_249, %dma_wait3A_250] : memref<8x80xi32, #tpu.memory_space<vmem>> -> memref<1x80xi32, #tpu.memory_space<vmem>>
          %dma_wait3A_252 = tpu.memref_squeeze %dma_wait3A_251 : memref<1x80xi32, #tpu.memory_space<vmem>> -> memref<80xi32, #tpu.memory_space<vmem>>
          %dma_wait3A_253 = arith.constant 0 : i32
          %dma_wait3A_254 = arith.constant 0 : i32
          %dma_wait3A_255 = tpu.memref_slice %arg19[%dma_wait3A_253, %dma_wait3A_254] : memref<10240x128xf32, #tpu.memory_space<vmem_shared>> -> memref<10240x128xf32, #tpu.memory_space<vmem_shared>>
          tpu.wait_indirect_dma semaphore(%arg41 : memref<!tpu.dma_semaphore, #tpu.memory_space<semaphore_mem>>) src(%arg16 : memref<80x128xf32, #tpu.memory_space<vmem>>) dst(%dma_wait3A_255 : memref<10240x128xf32, #tpu.memory_space<vmem_shared>>)
        } else {
        }
        %add3A_235 = arith.constant 6 : i32
        %add3A_236 = arith.addi %add3A_203, %add3A_235 : i32
        %lt3A_237 = arith.constant 125 : i32
        %lt3A_238 = arith.cmpi slt, %add3A_236, %lt3A_237 : i32
        %convert_element_type3A_239 = arith.extui %lt3A_238 : i1 to i32
        %cond3A_240 = arith.constant 0 : i32
        %cond3A_241 = arith.cmpi ne, %convert_element_type3A_239, %cond3A_240 : i32
        scf.if %cond3A_241 {
          %mul3A_249 = arith.constant 80 : i32
          %mul3A_250 = arith.muli %add3A_236, %mul3A_249 : i32
          %add3A_251 = arith.addi %mul3A_4, %mul3A_250 : i32
          %dma_start3A_252 = tpu.memref_slice %arg3[%add3A_251] : memref<320000xi32, #tpu.memory_space<hbm>> -> memref<80xi32, #tpu.memory_space<hbm>>
          %dma_start3A_253 = tpu.memref_slice %arg3[%add3A_251] : memref<320000xi32, #tpu.memory_space<hbm>> -> memref<80xi32, #tpu.memory_space<hbm>>
          tpu.enqueue_dma source(%dma_start3A_253 : memref<80xi32, #tpu.memory_space<hbm>>) target(%arg11 : memref<80xi32, #tpu.memory_space<vmem>>) target_semaphore(%arg25 : memref<!tpu.dma_semaphore, #tpu.memory_space<semaphore_mem>>)
          %mul3A_254 = arith.constant 80 : i32
          %mul3A_255 = arith.muli %add3A_236, %mul3A_254 : i32
          %add3A_256 = arith.addi %mul3A_6, %mul3A_255 : i32
          %dma_start3A_257 = arith.constant 5 : i32
          %dma_start3A_258 = arith.constant 0 : i32
          %dma_start3A_259 = tpu.memref_slice %arg14[%dma_start3A_257, %dma_start3A_258] : memref<8x80xi32, #tpu.memory_space<vmem>> -> memref<1x80xi32, #tpu.memory_space<vmem>>
          %dma_start3A_260 = tpu.memref_squeeze %dma_start3A_259 : memref<1x80xi32, #tpu.memory_space<vmem>> -> memref<80xi32, #tpu.memory_space<vmem>>
          %dma_start3A_261 = tpu.memref_slice %arg4[%add3A_256] : memref<160000xi32, #tpu.memory_space<hbm>> -> memref<80xi32, #tpu.memory_space<hbm>>
          %dma_start3A_262 = arith.constant 0 : i32
          %dma_start3A_263 = tpu.memref_slice %arg14[%dma_start3A_257, %dma_start3A_262] : memref<8x80xi32, #tpu.memory_space<vmem>> -> memref<1x80xi32, #tpu.memory_space<vmem>>
          %dma_start3A_264 = tpu.memref_squeeze %dma_start3A_263 : memref<1x80xi32, #tpu.memory_space<vmem>> -> memref<80xi32, #tpu.memory_space<vmem>>
          %dma_start3A_265 = tpu.memref_slice %arg4[%add3A_256] : memref<160000xi32, #tpu.memory_space<hbm>> -> memref<80xi32, #tpu.memory_space<hbm>>
          tpu.enqueue_dma source(%dma_start3A_265 : memref<80xi32, #tpu.memory_space<hbm>>) target(%dma_start3A_264 : memref<80xi32, #tpu.memory_space<vmem>>) target_semaphore(%arg33 : memref<!tpu.dma_semaphore, #tpu.memory_space<semaphore_mem>>)
        } else {
        }
        %add3A_242 = arith.constant 2 : i32
        %add3A_243 = arith.addi %add3A_203, %add3A_242 : i32
        %lt3A_244 = arith.constant 125 : i32
        %lt3A_245 = arith.cmpi slt, %add3A_243, %lt3A_244 : i32
        %convert_element_type3A_246 = arith.extui %lt3A_245 : i1 to i32
        %cond3A_247 = arith.constant 0 : i32
        %cond3A_248 = arith.cmpi ne, %convert_element_type3A_246, %cond3A_247 : i32
        scf.if %cond3A_248 {
          %mul3A_249 = arith.constant 80 : i32
          %mul3A_250 = arith.muli %add3A_243, %mul3A_249 : i32
          %add3A_251 = arith.addi %mul3A_4, %mul3A_250 : i32
          %dma_wait3A_252 = tpu.memref_slice %arg3[%add3A_251] : memref<320000xi32, #tpu.memory_space<hbm>> -> memref<80xi32, #tpu.memory_space<hbm>>
          %dma_wait3A_253 = tpu.memref_slice %arg3[%add3A_251] : memref<320000xi32, #tpu.memory_space<hbm>> -> memref<80xi32, #tpu.memory_space<hbm>>
          tpu.wait_dma2 semaphore(%arg21 : memref<!tpu.dma_semaphore, #tpu.memory_space<semaphore_mem>>) src(%dma_wait3A_253 : memref<80xi32, #tpu.memory_space<hbm>>) dst(%arg7 : memref<80xi32, #tpu.memory_space<vmem>>)
          %dma_start3A_254 = arith.constant 0 : i32
          %dma_start3A_255 = arith.constant 0 : i32
          %dma_start3A_256 = tpu.memref_slice %arg2[%dma_start3A_254, %dma_start3A_255] : memref<20480x128xf32, #tpu.memory_space<hbm>> -> memref<20480x128xf32, #tpu.memory_space<hbm>>
          tpu.enqueue_indirect_dma source(%dma_start3A_256 : memref<20480x128xf32, #tpu.memory_space<hbm>>) target(%arg16 : memref<80x128xf32, #tpu.memory_space<vmem>>) offsets(%arg7 : memref<80xi32, #tpu.memory_space<vmem>>) semaphore(%arg37 : memref<!tpu.dma_semaphore, #tpu.memory_space<semaphore_mem>>)
        } else {
        }
      } else {
      }
    }
    %scan3A_118 = arith.constant 16 : i32
    %dma_wait3A_119 = arith.constant 3 : i32
    %dma_wait3A_120 = arith.constant 0 : i32
    %dma_wait3A_121 = tpu.memref_slice %arg14[%dma_wait3A_119, %dma_wait3A_120] : memref<8x80xi32, #tpu.memory_space<vmem>> -> memref<1x80xi32, #tpu.memory_space<vmem>>
    %dma_wait3A_122 = tpu.memref_squeeze %dma_wait3A_121 : memref<1x80xi32, #tpu.memory_space<vmem>> -> memref<80xi32, #tpu.memory_space<vmem>>
    %dma_wait3A_123 = arith.constant 0 : i32
    %dma_wait3A_124 = arith.constant 0 : i32
    %dma_wait3A_125 = tpu.memref_slice %arg19[%dma_wait3A_123, %dma_wait3A_124] : memref<10240x128xf32, #tpu.memory_space<vmem_shared>> -> memref<10240x128xf32, #tpu.memory_space<vmem_shared>>
    tpu.wait_indirect_dma semaphore(%arg43 : memref<!tpu.dma_semaphore, #tpu.memory_space<semaphore_mem>>) src(%arg18 : memref<80x128xf32, #tpu.memory_space<vmem>>) dst(%dma_wait3A_125 : memref<10240x128xf32, #tpu.memory_space<vmem_shared>>)
    %dma_wait3A_126 = arith.constant 4 : i32
    %dma_wait3A_127 = arith.constant 0 : i32
    %dma_wait3A_128 = tpu.memref_slice %arg14[%dma_wait3A_126, %dma_wait3A_127] : memref<8x80xi32, #tpu.memory_space<vmem>> -> memref<1x80xi32, #tpu.memory_space<vmem>>
    %dma_wait3A_129 = tpu.memref_squeeze %dma_wait3A_128 : memref<1x80xi32, #tpu.memory_space<vmem>> -> memref<80xi32, #tpu.memory_space<vmem>>
    %dma_wait3A_130 = arith.constant 0 : i32
    %dma_wait3A_131 = arith.constant 0 : i32
    %dma_wait3A_132 = tpu.memref_slice %arg19[%dma_wait3A_130, %dma_wait3A_131] : memref<10240x128xf32, #tpu.memory_space<vmem_shared>> -> memref<10240x128xf32, #tpu.memory_space<vmem_shared>>
    tpu.wait_indirect_dma semaphore(%arg40 : memref<!tpu.dma_semaphore, #tpu.memory_space<semaphore_mem>>) src(%arg15 : memref<80x128xf32, #tpu.memory_space<vmem>>) dst(%dma_wait3A_132 : memref<10240x128xf32, #tpu.memory_space<vmem_shared>>)
    %barrier3A_133 = arith.constant 0 : index
    tpu.barrier barrier_id(%barrier3A_133)
    %mul3A_134 = arith.constant 640 : i32
    %mul3A_135 = arith.muli %arg1, %mul3A_134 : i32
    %mul3A_136 = arith.constant 640 : i32
    %mul3A_137 = arith.muli %arg1, %mul3A_136 : i32
    %add3A_138 = arith.addi %mul3A_0, %mul3A_137 : i32
    "tpu.region"() ({
      %run_scoped3A = tpu.sem_alloc : memref<!tpu.dma_semaphore, #tpu.memory_space<semaphore_mem>>
      %dma_start3A_139 = arith.constant 0 : i32
      %dma_start3A_140 = tpu.memref_slice %arg5[%add3A_138, %dma_start3A_139] : memref<20480x128xf32, #tpu.memory_space<hbm>> -> memref<640x128xf32, #tpu.memory_space<hbm>>
      %dma_start3A_141 = arith.constant 0 : i32
      %dma_start3A_142 = tpu.memref_slice %arg19[%mul3A_135, %dma_start3A_141] : memref<10240x128xf32, #tpu.memory_space<vmem_shared>> -> memref<640x128xf32, #tpu.memory_space<vmem_shared>>
      tpu.enqueue_dma source(%dma_start3A_142 : memref<640x128xf32, #tpu.memory_space<vmem_shared>>) target(%dma_start3A_140 : memref<640x128xf32, #tpu.memory_space<hbm>>) target_semaphore(%run_scoped3A : memref<!tpu.dma_semaphore, #tpu.memory_space<semaphore_mem>>)
      %dma_wait3A_143 = arith.constant 0 : i32
      %dma_wait3A_144 = tpu.memref_slice %arg5[%add3A_138, %dma_wait3A_143] : memref<20480x128xf32, #tpu.memory_space<hbm>> -> memref<640x128xf32, #tpu.memory_space<hbm>>
      %dma_wait3A_145 = arith.constant 0 : i32
      %dma_wait3A_146 = tpu.memref_slice %arg19[%mul3A_135, %dma_wait3A_145] : memref<10240x128xf32, #tpu.memory_space<vmem_shared>> -> memref<640x128xf32, #tpu.memory_space<vmem_shared>>
      tpu.wait_dma2 semaphore(%run_scoped3A : memref<!tpu.dma_semaphore, #tpu.memory_space<semaphore_mem>>) src(%dma_wait3A_146 : memref<640x128xf32, #tpu.memory_space<vmem_shared>>) dst(%dma_wait3A_144 : memref<640x128xf32, #tpu.memory_space<hbm>>)
      tpu.yield
    }) : () -> ()
    return
  }
}

module attributes {stable_mosaic.version = 14 : i64} {
  func.func @_matmul_body(%arg0: i32, %arg1: i32, %arg2: memref<512x256xf32, #tpu.memory_space<vmem>>, %arg3: memref<256x128xf32, #tpu.memory_space<vmem>>, %arg4: memref<1x128xf32, #tpu.memory_space<vmem>>, %arg5: memref<512x1xf32, #tpu.memory_space<vmem>>, %arg6: memref<512x1xf32, #tpu.memory_space<vmem>>, %arg7: memref<512x128xf32, #tpu.memory_space<vmem>>) attributes {dimension_semantics = [#tpu.dimension_semantics<arbitrary>, #tpu.dimension_semantics<arbitrary>], iteration_bounds = array<i64: 20, 2>, scalar_prefetch = 0 : i64, scratch_operands = 0 : i64, tpu.core_type = #tpu.core_type<tc>, window_params = [{transform_indices = @transform_0, window_bounds = array<i64: 512, 256>}, {transform_indices = @transform_1, window_bounds = array<i64: 256, 128>}, {transform_indices = @transform_2, window_bounds = array<i64: 1, 128>}, {transform_indices = @transform_3, window_bounds = array<i64: 512, 1>}, {transform_indices = @transform_4, window_bounds = array<i64: 512, 1>}, {transform_indices = @transform_5, window_bounds = array<i64: 512, 128>}]} {
    %get3A = arith.constant 0 : index
    %get3A_0 = arith.constant 0 : index
    %get3A_1 = vector.load %arg2[%get3A, %get3A_0] : memref<512x256xf32, #tpu.memory_space<vmem>>, vector<512x256xf32>
    %get3A_2 = arith.constant 0 : index
    %get3A_3 = arith.constant 0 : index
    %get3A_4 = vector.load %arg3[%get3A_2, %get3A_3] : memref<256x128xf32, #tpu.memory_space<vmem>>, vector<256x128xf32>
    %dot_general3A = arith.constant dense<0.000000e+00> : vector<512x128xf32>
    %dot_general3A_5 = tpu.matmul %get3A_1, %get3A_4, %dot_general3A {dimension_numbers = #tpu.dot_dimension_numbers<[1], [0], [0], [1], [0, 0, 1, 1], [], []>, transpose_lhs_hint = false} : vector<512x256xf32>, vector<256x128xf32>, vector<512x128xf32> -> vector<512x128xf32>
    %get3A_6 = arith.constant 0 : index
    %get3A_7 = arith.constant 0 : index
    %get3A_8 = vector.load %arg4[%get3A_6, %get3A_7] : memref<1x128xf32, #tpu.memory_space<vmem>>, vector<1x128xf32>
    %add3A = vector.broadcast %get3A_8 : vector<1x128xf32> to vector<512x128xf32>
    %add3A_9 = arith.addf %dot_general3A_5, %add3A : vector<512x128xf32>
    %get3A_10 = arith.constant 0 : index
    %get3A_11 = arith.constant 0 : index
    %get3A_12 = vector.load %arg5[%get3A_10, %get3A_11] : memref<512x1xf32, #tpu.memory_space<vmem>>, vector<512x1xf32>
    %get3A_13 = arith.constant 0 : index
    %get3A_14 = arith.constant 0 : index
    %get3A_15 = vector.load %arg6[%get3A_13, %get3A_14] : memref<512x1xf32, #tpu.memory_space<vmem>>, vector<512x1xf32>
    %add3A_16 = arith.addf %get3A_12, %get3A_15 : vector<512x1xf32>
    %add3A_17 = arith.constant 1.000000e+00 : f32
    %add3A_18 = vector.broadcast %add3A_17 : f32 to vector<512x1xf32>
    %add3A_19 = arith.addf %add3A_16, %add3A_18 : vector<512x1xf32>
    %rsqrt3A = math.rsqrt %add3A_19 : vector<512x1xf32>
    %mul3A = vector.broadcast %rsqrt3A : vector<512x1xf32> to vector<512x128xf32>
    %mul3A_20 = arith.mulf %add3A_9, %mul3A : vector<512x128xf32>
    %swap3A = arith.constant 0 : index
    %swap3A_21 = arith.constant 0 : index
    %swap3A_22 = vector.load %arg7[%swap3A, %swap3A_21] : memref<512x128xf32, #tpu.memory_space<vmem>>, vector<512x128xf32>
    tpu.vector_store %arg7[%swap3A, %swap3A_21], %mul3A_20 {strides = array<i32>} : memref<512x128xf32, #tpu.memory_space<vmem>>, vector<512x128xf32>,
    return
  }
  func.func @transform_0(%arg0: i32, %arg1: i32) -> (i32, i32) {
    %c0_i32 = arith.constant 0 : i32
    %c0_i32_0 = arith.constant 0 : i32
    return %arg0, %c0_i32 : i32, i32
  }
  func.func @transform_1(%arg0: i32, %arg1: i32) -> (i32, i32) {
    %c0_i32 = arith.constant 0 : i32
    %c0_i32_0 = arith.constant 0 : i32
    return %c0_i32, %arg1 : i32, i32
  }
  func.func @transform_2(%arg0: i32, %arg1: i32) -> (i32, i32) {
    %c0_i32 = arith.constant 0 : i32
    %c0_i32_0 = arith.constant 0 : i32
    return %c0_i32, %arg1 : i32, i32
  }
  func.func @transform_3(%arg0: i32, %arg1: i32) -> (i32, i32) {
    %c0_i32 = arith.constant 0 : i32
    %c0_i32_0 = arith.constant 0 : i32
    return %arg0, %c0_i32 : i32, i32
  }
  func.func @transform_4(%arg0: i32, %arg1: i32) -> (i32, i32) {
    %c0_i32 = arith.constant 0 : i32
    %c0_i32_0 = arith.constant 0 : i32
    return %arg0, %c0_i32 : i32, i32
  }
  func.func @transform_5(%arg0: i32, %arg1: i32) -> (i32, i32) {
    %mul3A = arith.constant 20 : i32
    %mul3A_0 = arith.muli %arg1, %mul3A : i32
    %add3A = arith.addi %mul3A_0, %arg0 : i32
    %c0_i32 = arith.constant 0 : i32
    %c0_i32_1 = arith.constant 0 : i32
    return %add3A, %c0_i32 : i32, i32
  }
}

module attributes {stable_mosaic.version = 14 : i64} {
  func.func @_finish_body(%arg0: i32, %arg1: i32, %arg2: memref<512x128xf32, #tpu.memory_space<vmem>>, %arg3: memref<512x1xf32, #tpu.memory_space<vmem>>, %arg4: memref<512x1xf32, #tpu.memory_space<vmem>>, %arg5: memref<512x128xf32, #tpu.memory_space<vmem>>) attributes {dimension_semantics = [#tpu.dimension_semantics<arbitrary>, #tpu.dimension_semantics<arbitrary>], iteration_bounds = array<i64: 20, 2>, scalar_prefetch = 0 : i64, scratch_operands = 0 : i64, tpu.core_type = #tpu.core_type<tc>, window_params = [{transform_indices = @transform_0, window_bounds = array<i64: 512, 128>}, {transform_indices = @transform_1, window_bounds = array<i64: 512, 1>}, {transform_indices = @transform_2, window_bounds = array<i64: 512, 1>}, {transform_indices = @transform_3, window_bounds = array<i64: 512, 128>}]} {
    %get3A = arith.constant 0 : index
    %get3A_0 = arith.constant 0 : index
    %get3A_1 = vector.load %arg3[%get3A, %get3A_0] : memref<512x1xf32, #tpu.memory_space<vmem>>, vector<512x1xf32>
    %get3A_2 = arith.constant 0 : index
    %get3A_3 = arith.constant 0 : index
    %get3A_4 = vector.load %arg4[%get3A_2, %get3A_3] : memref<512x1xf32, #tpu.memory_space<vmem>>, vector<512x1xf32>
    %add3A = arith.addf %get3A_1, %get3A_4 : vector<512x1xf32>
    %add3A_5 = arith.constant 1.000000e+00 : f32
    %add3A_6 = vector.broadcast %add3A_5 : f32 to vector<512x1xf32>
    %add3A_7 = arith.addf %add3A, %add3A_6 : vector<512x1xf32>
    %rsqrt3A = math.rsqrt %add3A_7 : vector<512x1xf32>
    %get3A_8 = arith.constant 0 : index
    %get3A_9 = arith.constant 0 : index
    %get3A_10 = vector.load %arg2[%get3A_8, %get3A_9] : memref<512x128xf32, #tpu.memory_space<vmem>>, vector<512x128xf32>
    %mul3A = vector.broadcast %rsqrt3A : vector<512x1xf32> to vector<512x128xf32>
    %mul3A_11 = arith.mulf %get3A_10, %mul3A : vector<512x128xf32>
    %max3A = arith.constant 0.000000e+00 : f32
    %max3A_12 = vector.broadcast %max3A : f32 to vector<512x128xf32>
    %max3A_13 = arith.maximumf %mul3A_11, %max3A_12 : vector<512x128xf32>
    %swap3A = arith.constant 0 : index
    %swap3A_14 = arith.constant 0 : index
    %swap3A_15 = vector.load %arg5[%swap3A, %swap3A_14] : memref<512x128xf32, #tpu.memory_space<vmem>>, vector<512x128xf32>
    tpu.vector_store %arg5[%swap3A, %swap3A_14], %max3A_13 {strides = array<i32>} : memref<512x128xf32, #tpu.memory_space<vmem>>, vector<512x128xf32>,
    return
  }
  func.func @transform_0(%arg0: i32, %arg1: i32) -> (i32, i32) {
    %mul3A = arith.constant 20 : i32
    %mul3A_0 = arith.muli %arg1, %mul3A : i32
    %add3A = arith.addi %mul3A_0, %arg0 : i32
    %c0_i32 = arith.constant 0 : i32
    %c0_i32_1 = arith.constant 0 : i32
    return %add3A, %c0_i32 : i32, i32
  }
  func.func @transform_1(%arg0: i32, %arg1: i32) -> (i32, i32) {
    %c0_i32 = arith.constant 0 : i32
    %c0_i32_0 = arith.constant 0 : i32
    return %arg0, %c0_i32 : i32, i32
  }
  func.func @transform_2(%arg0: i32, %arg1: i32) -> (i32, i32) {
    %c0_i32 = arith.constant 0 : i32
    %c0_i32_0 = arith.constant 0 : i32
    return %arg0, %c0_i32 : i32, i32
  }
  func.func @transform_3(%arg0: i32, %arg1: i32) -> (i32, i32) {
    %c0_i32 = arith.constant 0 : i32
    return %arg0, %arg1 : i32, i32
  }
}

</mosaic_0001>

<sc_bundles>
// kernel: kernel.6.cloned.1.call-start
scs
__scs_entry_jumppad:
0x0: {  	(pc) =	sbr.rel $0x88, $3  }
0x1: {  	(tag) =	ssettag $0x0;
	lr =	simm.s32 $0x1  }
0x2: {  	[smem:$0x3F9D] =	sst lr;
	_ =	strace $0xD0000000  }
0x3: {  	_ = 	snop  }
0x4: {  	_ = 	snop  }
0x5: {  	_ = 	snop  }
0x6: {  	_ = 	snop  }
0x7: {  	_ = 	snop  }
__scs_overlays_trampoline_lowered:
0x8: {  	[smem:$0x3FAC] =	sst s0  }
0x9: {  	[smem:$0x3FAD] =	sst s1  }
0xa: {  	[smem:$0x3FAE] =	sst s2  }
0xb: {  	[smem:$0x3FAF] =	sst s3  }
0xc: {  	[smem:$0x3FB0] =	sst s4  }
0xd: {  	[smem:$0x3FB1] =	sst s5  }
0xe: {  	[smem:$0x3FB2] =	sst s6  }
0xf: {  	[smem:$0x3FB3] =	sst s7  }
0x10: {  	[smem:$0x3FB4] =	sst s8  }
0x11: {  	[smem:$0x3FB5] =	sst s9;
	s0 =	simm.s32 @!p0 $0x0  }
0x12: {  	s1 =	sld [smem:$0x3F9B];
	s0 =	simm.s32 @p0 $0x1  }
0x13: {  	[smem:$0x3FB6] =	sst s0;
	s0 =	simm.s32 @!p1 $0x0  }
0x14: {  	s2 =	sld [smem:$0x3F9A];
	s0 =	simm.s32 @p1 $0x1  }
0x15: {  	[smem:$0x3FB7] =	sst s0;
	s0 =	simm.s32 @!p2 $0x0  }
0x16: {  	s3 =	sld [smem:$0x3FDB];
	s0 =	simm.s32 @p2 $0x1  }
0x17: {  	s4 =	simm.s32 $0x1BF5;
	[smem:$0x3FB9] =	sst s0  }
0x18: {  	s0 =	sld [smem:$0x3F9C];
	_ =	swait.ge [sflag:s4], $0x0  }
0x19: {  	s7 =	sld [smem:$0x3F9D]  }
0x1a: {  	s8 =	sadd.s32 $0xFFFFE003, lr  }
0x1b: {  	s9 =	sadd.s32 $0xFFFFFEF7, lr;
	s5 =	simm.s32 $0xFFFFFFFF;
	p2 =	slt.u32 s8, $0xFFFFF086  }
0x1c: {  	p1 =	slt.u32 s9, $0xF7A;
	s5 =	simm.s32 @!p2 $0x0  }
0x1d: {  	s5 =	simm.s32 @p1 $0x1;
	p0 =	seq.s32 s7, s2  }
0x1e: {  	s7 =	smul.u32 @!p0 $0xF7A, s2;
	p2 =	seq.s32 @!p0 s5, $0x0  }
0x1f: {  	s9 =	smul.u32 $0xF7A, s1;
	s8 =	simm.s32 @!p0 $0x1BF5;
	p2 =	por !p2, p0  }
0x20: {  	[sflag:s8] =	ssyncset.s32 @!p0 $0xFFFFF086;
	s6 =	sadd.s32 @!p0 s3, s7;
	s7 =	simm.s32 @!p0 $0x108  }
0x21: {  	s3 =	sadd.s32 s3, s9;
	s6 =	sadd.s32 @!p0 $0x88, s6;
	s7 =	simm.s32 @p2 $0x1082  }
0x22: {  	[simem:s7], [sflag:s8] =	dma.local @!p0 [hbm:s6], $0xF7A  }
0x23: {  	s9 =	sor.u32 $0xD0000000, s2;
	s6 =	simm.s32 $0x108;
	_ =	swait.ge @!p0 [sflag:s8], $0x0  }
0x24: {  	s3 =	sadd.s32 $0x88, s3;
	s6 =	simm.s32 @!p1 $0x1082;
	[sflag:s4] =	ssyncset.s32 $0xFFFFF086  }
0x25: {  	[simem:s6], [sflag:s4] =	dma.local [hbm:s3], $0xF7A  }
0x26: {  	[smem:$0x3F9D] =	sst s1;
	(tag) =	ssettag s2;
	_ =	strace s9  }
0x27: {  	s1 =	sld [smem:$0x3FAD]  }
0x28: {  	s2 =	sld [smem:$0x3FAE]  }
0x29: {  	s4 =	sld [smem:$0x3FB0]  }
0x2a: {  	p0 =	seq.s32 s5, $0x0;
	s5 =	sld [smem:$0x3FB1]  }
0x2b: {  	s6 =	sld [smem:$0x3FB2]  }
0x2c: {  	s7 =	sld [smem:$0x3FB3]  }
0x2d: {  	s3 =	simm.s32 $0x108;
	s8 =	sld [smem:$0x3FB4]  }
0x2e: {  	s3 =	simm.s32 @!p0 $0x1082;
	s9 =	sld [smem:$0x3FB5]  }
0x2f: {  	lr =	sadd.s32 s0, s3;
	s0 =	sld [smem:$0x3FAC]  }
0x30: {  	s3 =	sld [smem:$0x3FAF]  }
0x31: {  	[smem:$0x3FB8] =	sst s10  }
0x32: {  	s10 =	sld [smem:$0x3FB6];
	_ =	sdelay $0x3  }
0x33: {  	p0 =	seq.s32 s10, $0x1;
	s10 =	sld [smem:$0x3FB8];
	_ =	sdelay $0x3  }
0x34: {  	[smem:$0x3FB8] =	sst s10  }
0x35: {  	s10 =	sld [smem:$0x3FB7];
	_ =	sdelay $0x3  }
0x36: {  	p1 =	seq.s32 s10, $0x1;
	s10 =	sld [smem:$0x3FB8];
	_ =	sdelay $0x3  }
0x37: {  	[smem:$0x3FB8] =	sst s10  }
0x38: {  	s10 =	sld [smem:$0x3FB9]  }
0x39: {  	_ = 	snop;
	(pc) =	sbr.ind lr, $3  }
0x3a: {  	_ = 	snop  }
0x3b: {  	_ = 	snop  }
0x3c: {  	p2 =	seq.s32 s10, $0x1;
	s10 =	sld [smem:$0x3FB8]  }
0x3d: {  	_ =	shalt  }
0x3e: {  	_ =	shalt  }
0x3f: {  	_ =	shalt  }
0x40: {  	_ =	shalt  }
0x41: {  	_ =	shalt  }
0x42: {  	_ =	shalt  }
0x43: {  	_ =	shalt  }
0x44: {  	_ =	shalt  }
0x45: {  	_ =	shalt  }
0x46: {  	_ =	shalt  }
0x47: {  	_ =	shalt  }
0x48: {  	_ =	shalt  }
0x49: {  	_ =	shalt  }
0x4a: {  	_ =	shalt  }
0x4b: {  	_ =	shalt  }
0x4c: {  	_ =	shalt  }
0x4d: {  	_ =	shalt  }
0x4e: {  	_ =	shalt  }
0x4f: {  	_ =	shalt  }
0x50: {  	_ =	shalt  }
0x51: {  	_ =	shalt  }
0x52: {  	_ =	shalt  }
0x53: {  	_ =	shalt  }
0x54: {  	_ =	shalt  }
0x55: {  	_ =	shalt  }
0x56: {  	_ =	shalt  }
0x57: {  	_ =	shalt  }
0x58: {  	_ =	shalt  }
0x59: {  	_ =	shalt  }
0x5a: {  	_ =	shalt  }
0x5b: {  	_ =	shalt  }
0x5c: {  	_ =	shalt  }
0x5d: {  	_ =	shalt  }
0x5e: {  	_ =	shalt  }
0x5f: {  	_ =	shalt  }
0x60: {  	_ =	shalt  }
0x61: {  	_ =	shalt  }
0x62: {  	_ =	shalt  }
0x63: {  	_ =	shalt  }
0x64: {  	_ =	shalt  }
0x65: {  	_ =	shalt  }
0x66: {  	_ =	shalt  }
0x67: {  	_ =	shalt  }
0x68: {  	_ =	shalt  }
0x69: {  	_ =	shalt  }
0x6a: {  	_ =	shalt  }
0x6b: {  	_ =	shalt  }
0x6c: {  	_ =	shalt  }
0x6d: {  	_ =	shalt  }
0x6e: {  	_ =	shalt  }
0x6f: {  	_ =	shalt  }
0x70: {  	_ =	shalt  }
0x71: {  	_ =	shalt  }
0x72: {  	_ =	shalt  }
0x73: {  	_ =	shalt  }
0x74: {  	_ =	shalt  }
0x75: {  	_ =	shalt  }
0x76: {  	_ =	shalt  }
0x77: {  	_ =	shalt  }
0x78: {  	_ =	shalt  }
0x79: {  	_ =	shalt  }
0x7a: {  	_ =	shalt  }
0x7b: {  	_ =	shalt  }
0x7c: {  	_ =	shalt  }
0x7d: {  	_ =	shalt  }
0x7e: {  	_ =	shalt  }
0x7f: {  	_ =	shalt  }
0x80: {  	_ =	shalt  }
0x81: {  	_ =	shalt  }
0x82: {  	_ =	shalt  }
0x83: {  	_ =	shalt  }
0x84: {  	_ =	shalt  }
0x85: {  	_ =	shalt  }
0x86: {  	_ =	shalt  }
0x87: {  	_ =	shalt  }
.Lfunc_end0:
.L_simem_size_0:
called_computation_lowered:
.L_overlay_start_0:
0x88: {  	s2 =	sld [smem:$0x3FD9]  }
0x89: {  	s3 =	sld [smem:$0x3FFE];
	_ =	sdelay $0x1  }
0x8a: {  	s1 =	srdreg.scid  }
0x8b: {  	s0 =	sand.u32 $0x1, s1  }
0x8c: {  	s16 =	sshll.u32 s0, $0xA;
	s2 =	sadd.s32 s3, s2  }
0x8d: {  	s2 =	sadd.s32 s2, s16  }
0x8e: {  	[smem:$0x3FC4] =	sst s2  }
0x8f: {  	_ = 	snop  }
0x90: {  	(tm) =	ssettm $0x1  }
0x91: {  	s17 =	sld [smem:$0x3FFB];
	_ =	sdelay $0x3  }
0x92: {  	_ =	strace s17  }
0x93: {  	s2 =	sld [smem:$0x3FFC];
	_ =	sdelay $0x3  }
0x94: {  	_ =	strace s2  }
0x95: {  	s2 =	sld [smem:$0x3FFD];
	_ =	sdelay $0x3  }
0x96: {  	_ =	strace s2  }
0x97: {  	_ =	strace $0x8FFFFFFF  }
0x98: {  	s18 =	sld [smem:$0x3FDB];
	_ =	sdelay $0x1  }
0x99: {  	s19 =	simm.s32 $_scs_section_size  }
0x9a: {  	s4 =	simm.s32 $_size__tile_overlayer_lowered;
	s5 =	simm.s32 $_tile_overlayer_lowered  }
0x9b: {  	s22 =	simm.s32 $0x1BFF;
	s21 =	sshll.u32 s5, $0x1;
	s2 =	sadd.s32 s19, s18  }
0x9c: {  	s6 =	simm.s32 $0x0;
	s20 =	sshll.u32 s4, $0x1;
	s4 =	sadd.s32 s21, s2  }
0x9d: {  	[timem:s6], [sflag:s22] =	dma.local [hbm:s4], s20  }
0x9e: {  	_ =	swait.ge [sflag:s22], s20  }
0x9f: {  	s3 =	ssub.s32 $0x0, s20;
	[sflag:s22] =	ssyncset.done $0x0  }
0xa0: {  	[sflag:s22] =	ssyncadd.s32 s3;
	_ =	sdelay $0x1  }
0xa1: {  	s23 =	simm.s32 $0x1B8B  }
0xa2: {  	_ =	swait.ge [sflag:s23], $0x1  }
0xa3: {  	[sflag:s23] =	ssyncset.done $0x0  }
0xa4: {  	s25 =	simm.s32 $0x1B8E;
	s24 =	sld [smem:$0x3FFE];
	[sflag:s23] =	ssyncadd.s32 $0xFFFFFFFF  }
0xa5: {  	s26 =	simm.s32 $execute0_lowered;
	[smem:$0x3FD2] =	sst s25  }
0xa6: {  	s4 =	sshll.u32 s26, $0x1;
	_ =	strace $0x80000046;
	[dreg:$0x1] =	wrdreg $0xFFFFFFFF  }
0xa7: {  	s28 =	simm.s32 $_size_execute0_lowered;
	s2 =	sadd.s32 s2, s4;
	[dreg:$0x0] =	wrdreg $0x0  }
0xa8: {  	s4 =	sshll.u32 s28, $0x1;
	[dreg:$0x2] =	wrdreg s2  }
0xa9: {  	[dreg:$0x3] =	wrdreg s4  }
0xaa: {  	[dreg:$0x4] =	wrdreg $0xC0  }
0xab: {  	_ =	task [dreg:s6], $0x5FFFF  }
0xac: {  	[dreg:$0x1] =	wrdreg $0xFFFFFFFF  }
0xad: {  	[dreg:$0x0] =	wrdreg $0x60  }
0xae: {  	[dreg:$0x2] =	wrdreg s24  }
0xaf: {  	[dreg:$0x3] =	wrdreg $0x14800  }
0xb0: {  	[dreg:$0x4] =	wrdreg $0x9  }
0xb1: {  	_ =	task.clear_ibuf [dreg:s6], $0x5FFFF;
	_ =	strace $0x90000046  }
0xb2: {  	s29 =	simm.s32 $0x9;
	_ =	strace $0x80000048  }
0xb3: {  	_ =	swait.ge [sflag:s29], $0x1  }
0xb4: {  	[sflag:s29] =	ssyncadd.s32 $0xFFFFFFFF  }
0xb5: {  	_ =	strace $0x90000048  }
0xb6: {  	_ =	sfence  }
0xb7: {  	s30 =	sld [smem:$0x0];
	_ =	sdelay $0x2  }
0xb8: {  	s31 =	sshll.u32 s1, $0xD;
	s1 =	sshrl.u32 s1, $0x2  }
0xb9: {  	s3 =	sand.u32 $0x4000, s31;
	s1 =	sadd.s32 s1, s30  }
0xba: {  	s0 =	sor.u32 s3, s0;
	s1 =	sshll.u32 s1, $0x11  }
0xbb: {  	s0 =	sor.u32 s1, s0  }
0xbc: {  	s0 =	sadd.s32 $0x8F2B, s0  }
0xbd: {  	[sflag:s0] =	ssyncadd.remote.s32 $0x1  }
0xbe: {  	_ =	sfence.sel $0xFFFF  }
0xbf: {  	[dreg:$0x0] =	wrdreg $0xFFFFFFFF;
	(pc) =	sbr.abs _section_cstart, $3  }
0xc0: {  	[dreg:$0x1] =	wrdreg $0xFFFFFFFF  }
0xc1: {  	_ =	task.clear_ibuf [dreg:s6], $0x2FFFF;
	_ =	strace $0x9FFFFFFF  }
0xc2: {  	(tm) =	ssettm $0x7FFFFFFF  }
0xc3: {  	_ =	shalt  }
tec
execute0_lowered:
.L_overlay_start_1:
0x0: {  	(tag) =	ssettag $0x1  }
0x1: {  	s3 =	rddreg [dreg:$0x0]  }
0x2: {  	s2 =	rddreg [dreg:$0x1];
	s31 =	simm.s32 $0x0  }
0x3: {  	[smem:$0x7FF] =	sst s31;
	s7 =	sadd.s32 $0xB600, s3  }
0x4: {  	s8 =	simm.s32 $0x300;
	_ =	strace $0x80000047;
	[dreg:$0x3] =	wrdreg s7  }
0x5: {  	s0 =	srdreg.scid;
	s9 =	simm.s32 $0x380;
	[dreg:$0xb] =	wrdreg s8  }
0x6: {  	s12 =	stileid.u32;
	s10 =	simm.s32 $0x400;
	[dreg:$0xc] =	wrdreg s9  }
0x7: {  	s13 =	simm.s32 $0x480;
	s14 =	simm.s32 $0x500;
	[dreg:$0xd] =	wrdreg s10  }
0x8: {  	s15 =	simm.s32 $0x580;
	s17 =	simm.s32 $0x600;
	[dreg:$0xe] =	wrdreg s13  }
0x9: {  	s18 =	simm.s32 $0x680;
	s19 =	simm.s32 $0x700;
	[dreg:$0xf] =	wrdreg s14  }
0xa: {  	s20 =	simm.s32 $0x780;
	s21 =	simm.s32 $0x800;
	[dreg:$0x10] =	wrdreg s15  }
0xb: {  	s22 =	simm.s32 $0x880;
	s23 =	simm.s32 $0x900;
	[dreg:$0x11] =	wrdreg s17  }
0xc: {  	s24 =	simm.s32 $0x980;
	s25 =	simm.s32 $0xA00;
	[dreg:$0x12] =	wrdreg s18  }
0xd: {  	s30 =	simm.s32 $0xB80;
	s29 =	simm.s32 $0xC00;
	[dreg:$0x13] =	wrdreg s19  }
0xe: {  	s28 =	simm.s32 $0xC80;
	p0 =	por $0x0, $0x0;
	[dreg:$0x14] =	wrdreg s20  }
0xf: {  	s0 =	sand.u32 $0x1, s0;
	s4 =	smul.u32 $0x280, s12;
	[dreg:$0x15] =	wrdreg s21  }
0x10: {  	s16 =	sshll.u32 s12, $0x6;
	s1 =	sshll.u32 s0, $0x4;
	[dreg:$0x16] =	wrdreg s22  }
0x11: {  	s5 =	smul.u32 $0x2800, s0;
	s7 =	simm.s32 $0x280;
	[dreg:$0x17] =	wrdreg s23  }
0x12: {  	s0 =	ssub.s32 $0x2, s0;
	s8 =	simm.s32 $0x1;
	[dreg:$0x18] =	wrdreg s24  }
0x13: {  	s9 =	simm.s32 $0x2;
	s10 =	simm.s32 $0x3;
	[dreg:$0x19] =	wrdreg s25  }
0x14: {  	s18 =	simm.s32 $0xB00;
	s25 =	simm.s32 $0xD80;
	s24 =	simm.s32 $0xE00  }
0x15: {  	s23 =	simm.s32 $0xE80;
	s22 =	simm.s32 $0xF00;
	s21 =	simm.s32 $0xF80  }
0x16: {  	s20 =	simm.s32 $0x1000;
	s19 =	simm.s32 $0x1100;
	s17 =	simm.s32 $0x1180  }
0x17: {  	s15 =	simm.s32 $0x1280;
	s14 =	simm.s32 $0x1300;
	s13 =	simm.s32 $0x1380  }
0x18: {  	s1 =	sor.u32 s12, s1;
	s6 =	sshrl.u32 s4, $0x3;
	[dreg:$0xa] =	wrdreg s7  }
0x19: {  	s11 =	sshrl.u32 s0, $0x1;
	s7 =	simm.s32 $0x80;
	s1 =	smul.u32 $0x280, s1  }
0x1a: {  	s6 =	sadd.s32 s6, s3;
	s5 =	sadd.s32 s4, s5;
	s0 =	ssub.s32 s0, s11  }
0x1b: {  	s4 =	sadd.s32 s4, s2;
	s11 =	simm.s32 $0x4;
	s5 =	sshrl.u32 s5, $0x3  }
0x1c: {  	s6 =	sadd.s32 $0xB800, s6;
	s0 =	smax.u32 s0, $0x1;
	s1 =	sadd.s32 s1, s3  }
0x1d: {  	s3 =	sadd.s32 s5, s3;
	[dreg:$0x4] =	wrdreg s6;
	s5 =	simm.s32 $0x180  }
0x1e: {  	s4 =	sshrl.u32 s4, $0x3;
	s6 =	simm.s32 $0x200;
	[dreg:$0x8] =	wrdreg s5  }
0x1f: {  	p1 =	sne.s32 s0, $0x1;
	s1 =	sadd.s32 $0x6600, s1;
	[dreg:$0x9] =	wrdreg s6  }
.Ltmp0:
0x20: {  	s26 =	sadd.s32 $0xBE00, s3;
	[dreg:$0x5] =	wrdreg s1;
	(pc) =	sbr.rel @!p1 .LBB2_1-.Ltmp0, $4  }
0x21: {  	s3 =	simm.s32 $0x100;
	s5 =	simm.s32 $0x5;
	[dreg:$0x6] =	wrdreg s26  }
0x22: {  	s6 =	simm.s32 $0x1400;
	[dreg:$0x7] =	wrdreg s3;
	s3 =	sor.u32 $0x1C05, s16  }
0x23: {  	s26 =	simm.s32 $0xA80;
	s1 =	sadd.s32 $0xFFFFFFFF, s0;
	s0 =	rddreg [dreg:$0x4]  }
0x24: {  	s16 =	simm.s32 $0x1200;
	[dreg:$0x1a] =	wrdreg s26;
	s26 =	simm.s32 $0xD00  }
0x25: {  	[spmem:s4], [sflag:s3] =	dma.local [hbm:s0], $0x50  }
0x26: {  	_ =	swait.ge [sflag:s5], $0x50  }
0x27: {  	[sflag:s5] =	ssyncset.done $0x0  }
0x28: {  	s12 =	rddreg [dreg:$0x3];
	[sflag:s5] =	ssyncadd.s32 $0xFFFFFFB0  }
0x29: {  	[tilespmem:s6], [sflag:$0x5] =	stream.linear.gather [hbm4b:s12+s31], $0x80, $0x38;
	[tilespmem:$0x1700] =	vst v63  }
0x2a: {  	_ =	swait.ge [sflag:s5], $0x80  }
0x2b: {  	[sflag:s5] =	ssyncset.done $0x0  }
0x2c: {  	s12 =	rddreg [dreg:$0x5];
	[sflag:s5] =	ssyncadd.s32 $0xFFFFFF80  }
0x2d: {  	[tilespmem:s31], [sflag:$0x5] =	stream.linear.gather [hbm4b:s12+s31], $0x1400, $0x38;
	[tilespmem:$0x1700] =	vst v63  }
0x2e: {  	_ =	swait.ge [sflag:s5], $0x1400  }
0x2f: {  	[sflag:s5] =	ssyncset.done $0x0  }
0x30: {  	[sflag:s5] =	ssyncadd.s32 $0xFFFFEC00  }
0x31: {  	[bflag:$0x0] =	sbarrier.arrive $0xFFFF  }
0x32: {  	[spmem:s2] =	stream.indirect.scatter.add.f32 [tilespmem:s6], [sflag:$0x1], $0x1, s31, s7, $0xb8;
	[tilespmem:$0x1700] =	vst v63  }
0x33: {  	_ = 	snop  }
0x34: {  	[spmem:s2] =	stream.indirect.scatter.add.f32 [tilespmem:s6], [sflag:$0x2], $0x1, s7, s7, $0xb8;
	[tilespmem:$0x1700] =	vst v63  }
0x35: {  	s0 =	rddreg [dreg:$0x7]  }
0x36: {  	[spmem:s2] =	stream.indirect.scatter.add.f32 [tilespmem:s6], [sflag:$0x3], $0x1, s0, s7, $0xb8;
	[tilespmem:$0x1700] =	vst v63  }
0x37: {  	s12 =	smov.u32 s1;
	s1 =	rddreg [dreg:$0x8]  }
0x38: {  	[spmem:s2] =	stream.indirect.scatter.add.f32 [tilespmem:s6], [sflag:$0x4], $0x1, s1, s7, $0xb8;
	[tilespmem:$0x1700] =	vst v63  }
0x39: {  	_ =	swait.ge [sflag:s8], $0x80  }
0x3a: {  	[sflag:s8] =	ssyncset.done $0x0  }
0x3b: {  	s1 =	rddreg [dreg:$0x9];
	[sflag:s8] =	ssyncadd.s32 $0xFFFFFF80  }
0x3c: {  	[spmem:s2] =	stream.indirect.scatter.add.f32 [tilespmem:s6], [sflag:$0x1], $0x1, s1, s7, $0xb8;
	[tilespmem:$0x1700] =	vst v63  }
0x3d: {  	_ =	swait.ge [sflag:s9], $0x80  }
0x3e: {  	[sflag:s9] =	ssyncset.done $0x0  }
0x3f: {  	s1 =	rddreg [dreg:$0xa];
	[sflag:s9] =	ssyncadd.s32 $0xFFFFFF80  }
0x40: {  	[spmem:s2] =	stream.indirect.scatter.add.f32 [tilespmem:s6], [sflag:$0x2], $0x1, s1, s7, $0xb8;
	[tilespmem:$0x1700] =	vst v63  }
0x41: {  	_ =	swait.ge [sflag:s10], $0x80  }
0x42: {  	[sflag:s10] =	ssyncset.done $0x0  }
0x43: {  	s1 =	rddreg [dreg:$0xb];
	[sflag:s10] =	ssyncadd.s32 $0xFFFFFF80  }
0x44: {  	[spmem:s2] =	stream.indirect.scatter.add.f32 [tilespmem:s6], [sflag:$0x3], $0x1, s1, s7, $0xb8;
	[tilespmem:$0x1700] =	vst v63  }
0x45: {  	_ =	swait.ge [sflag:s11], $0x80  }
0x46: {  	[sflag:s11] =	ssyncset.done $0x0  }
0x47: {  	s1 =	rddreg [dreg:$0xc];
	[sflag:s11] =	ssyncadd.s32 $0xFFFFFF80  }
0x48: {  	[spmem:s2] =	stream.indirect.scatter.add.f32 [tilespmem:s6], [sflag:$0x4], $0x1, s1, s7, $0xb8;
	[tilespmem:$0x1700] =	vst v63  }
0x49: {  	_ =	swait.ge [sflag:s8], $0x80  }
0x4a: {  	[sflag:s8] =	ssyncset.done $0x0  }
0x4b: {  	s1 =	rddreg [dreg:$0xd];
	[sflag:s8] =	ssyncadd.s32 $0xFFFFFF80  }
0x4c: {  	[spmem:s2] =	stream.indirect.scatter.add.f32 [tilespmem:s6], [sflag:$0x1], $0x1, s1, s7, $0xb8;
	[tilespmem:$0x1700] =	vst v63  }
0x4d: {  	_ =	swait.ge [sflag:s9], $0x80  }
0x4e: {  	[sflag:s9] =	ssyncset.done $0x0  }
0x4f: {  	s1 =	rddreg [dreg:$0xe];
	[sflag:s9] =	ssyncadd.s32 $0xFFFFFF80  }
0x50: {  	[spmem:s2] =	stream.indirect.scatter.add.f32 [tilespmem:s6], [sflag:$0x2], $0x1, s1, s7, $0xb8;
	[tilespmem:$0x1700] =	vst v63  }
0x51: {  	_ =	swait.ge [sflag:s10], $0x80  }
0x52: {  	[sflag:s10] =	ssyncset.done $0x0  }
0x53: {  	s1 =	rddreg [dreg:$0xf];
	[sflag:s10] =	ssyncadd.s32 $0xFFFFFF80  }
0x54: {  	[spmem:s2] =	stream.indirect.scatter.add.f32 [tilespmem:s6], [sflag:$0x3], $0x1, s1, s7, $0xb8;
	[tilespmem:$0x1700] =	vst v63  }
0x55: {  	_ =	swait.ge [sflag:s11], $0x80  }
0x56: {  	[sflag:s11] =	ssyncset.done $0x0  }
0x57: {  	s1 =	rddreg [dreg:$0x10];
	[sflag:s11] =	ssyncadd.s32 $0xFFFFFF80  }
0x58: {  	[spmem:s2] =	stream.indirect.scatter.add.f32 [tilespmem:s6], [sflag:$0x4], $0x1, s1, s7, $0xb8;
	[tilespmem:$0x1700] =	vst v63  }
0x59: {  	_ =	swait.ge [sflag:s8], $0x80  }
0x5a: {  	[sflag:s8] =	ssyncset.done $0x0  }
0x5b: {  	s1 =	rddreg [dreg:$0x11];
	[sflag:s8] =	ssyncadd.s32 $0xFFFFFF80  }
0x5c: {  	[spmem:s2] =	stream.indirect.scatter.add.f32 [tilespmem:s6], [sflag:$0x1], $0x1, s1, s7, $0xb8;
	[tilespmem:$0x1700] =	vst v63  }
0x5d: {  	_ =	swait.ge [sflag:s9], $0x80  }
0x5e: {  	[sflag:s9] =	ssyncset.done $0x0  }
0x5f: {  	s1 =	rddreg [dreg:$0x12];
	[sflag:s9] =	ssyncadd.s32 $0xFFFFFF80  }
0x60: {  	[spmem:s2] =	stream.indirect.scatter.add.f32 [tilespmem:s6], [sflag:$0x2], $0x1, s1, s7, $0xb8;
	[tilespmem:$0x1700] =	vst v63  }
0x61: {  	_ =	swait.ge [sflag:s10], $0x80  }
0x62: {  	[sflag:s10] =	ssyncset.done $0x0  }
0x63: {  	s1 =	rddreg [dreg:$0x13];
	[sflag:s10] =	ssyncadd.s32 $0xFFFFFF80  }
0x64: {  	[spmem:s2] =	stream.indirect.scatter.add.f32 [tilespmem:s6], [sflag:$0x3], $0x1, s1, s7, $0xb8;
	[tilespmem:$0x1700] =	vst v63  }
0x65: {  	_ =	swait.ge [sflag:s11], $0x80  }
0x66: {  	[sflag:s11] =	ssyncset.done $0x0  }
0x67: {  	s1 =	rddreg [dreg:$0x14];
	[sflag:s11] =	ssyncadd.s32 $0xFFFFFF80  }
0x68: {  	[spmem:s2] =	stream.indirect.scatter.add.f32 [tilespmem:s6], [sflag:$0x4], $0x1, s1, s7, $0xb8;
	[tilespmem:$0x1700] =	vst v63  }
0x69: {  	_ =	swait.ge [sflag:s8], $0x80  }
0x6a: {  	[sflag:s8] =	ssyncset.done $0x0  }
0x6b: {  	s1 =	rddreg [dreg:$0x15];
	[sflag:s8] =	ssyncadd.s32 $0xFFFFFF80  }
0x6c: {  	[spmem:s2] =	stream.indirect.scatter.add.f32 [tilespmem:s6], [sflag:$0x1], $0x1, s1, s7, $0xb8;
	[tilespmem:$0x1700] =	vst v63  }
0x6d: {  	_ =	swait.ge [sflag:s9], $0x80  }
0x6e: {  	[sflag:s9] =	ssyncset.done $0x0  }
0x6f: {  	s1 =	rddreg [dreg:$0x16];
	[sflag:s9] =	ssyncadd.s32 $0xFFFFFF80  }
0x70: {  	[spmem:s2] =	stream.indirect.scatter.add.f32 [tilespmem:s6], [sflag:$0x2], $0x1, s1, s7, $0xb8;
	[tilespmem:$0x1700] =	vst v63  }
0x71: {  	_ =	swait.ge [sflag:s10], $0x80  }
0x72: {  	[sflag:s10] =	ssyncset.done $0x0  }
0x73: {  	s1 =	rddreg [dreg:$0x17];
	[sflag:s10] =	ssyncadd.s32 $0xFFFFFF80  }
0x74: {  	[spmem:s2] =	stream.indirect.scatter.add.f32 [tilespmem:s6], [sflag:$0x3], $0x1, s1, s7, $0xb8;
	[tilespmem:$0x1700] =	vst v63  }
0x75: {  	_ =	swait.ge [sflag:s11], $0x80  }
0x76: {  	[sflag:s11] =	ssyncset.done $0x0  }
0x77: {  	s1 =	rddreg [dreg:$0x18];
	[sflag:s11] =	ssyncadd.s32 $0xFFFFFF80  }
0x78: {  	[spmem:s2] =	stream.indirect.scatter.add.f32 [tilespmem:s6], [sflag:$0x4], $0x1, s1, s7, $0xb8;
	[tilespmem:$0x1700] =	vst v63  }
0x79: {  	_ =	swait.ge [sflag:s8], $0x80  }
0x7a: {  	[sflag:s8] =	ssyncset.done $0x0  }
0x7b: {  	s1 =	rddreg [dreg:$0x19];
	[sflag:s8] =	ssyncadd.s32 $0xFFFFFF80  }
0x7c: {  	[spmem:s2] =	stream.indirect.scatter.add.f32 [tilespmem:s6], [sflag:$0x1], $0x1, s1, s7, $0xb8;
	[tilespmem:$0x1700] =	vst v63  }
0x7d: {  	_ =	swait.ge [sflag:s9], $0x80  }
0x7e: {  	[sflag:s9] =	ssyncset.done $0x0  }
0x7f: {  	s1 =	rddreg [dreg:$0x1a];
	[sflag:s9] =	ssyncadd.s32 $0xFFFFFF80  }
0x80: {  	[spmem:s2] =	stream.indirect.scatter.add.f32 [tilespmem:s6], [sflag:$0x2], $0x1, s1, s7, $0xb8;
	[tilespmem:$0x1700] =	vst v63  }
0x81: {  	_ =	swait.ge [sflag:s10], $0x80  }
0x82: {  	[sflag:s10] =	ssyncset.done $0x0  }
0x83: {  	[sflag:s10] =	ssyncadd.s32 $0xFFFFFF80  }
0x84: {  	[spmem:s2] =	stream.indirect.scatter.add.f32 [tilespmem:s6], [sflag:$0x3], $0x1, s18, s7, $0xb8;
	[tilespmem:$0x1700] =	vst v63  }
0x85: {  	_ =	swait.ge [sflag:s11], $0x80  }
0x86: {  	[sflag:s11] =	ssyncset.done $0x0  }
0x87: {  	[sflag:s11] =	ssyncadd.s32 $0xFFFFFF80  }
0x88: {  	[spmem:s2] =	stream.indirect.scatter.add.f32 [tilespmem:s6], [sflag:$0x4], $0x1, s30, s7, $0xb8;
	[tilespmem:$0x1700] =	vst v63  }
0x89: {  	_ =	swait.ge [sflag:s8], $0x80  }
0x8a: {  	[sflag:s8] =	ssyncset.done $0x0  }
0x8b: {  	[sflag:s8] =	ssyncadd.s32 $0xFFFFFF80  }
0x8c: {  	[spmem:s2] =	stream.indirect.scatter.add.f32 [tilespmem:s6], [sflag:$0x1], $0x1, s29, s7, $0xb8;
	[tilespmem:$0x1700] =	vst v63  }
0x8d: {  	_ =	swait.ge [sflag:s9], $0x80  }
0x8e: {  	[sflag:s9] =	ssyncset.done $0x0  }
0x8f: {  	[sflag:s9] =	ssyncadd.s32 $0xFFFFFF80  }
0x90: {  	[spmem:s2] =	stream.indirect.scatter.add.f32 [tilespmem:s6], [sflag:$0x2], $0x1, s28, s7, $0xb8;
	[tilespmem:$0x1700] =	vst v63  }
0x91: {  	_ =	swait.ge [sflag:s10], $0x80  }
0x92: {  	[sflag:s10] =	ssyncset.done $0x0  }
0x93: {  	[sflag:s10] =	ssyncadd.s32 $0xFFFFFF80  }
0x94: {  	[spmem:s2] =	stream.indirect.scatter.add.f32 [tilespmem:s6], [sflag:$0x3], $0x1, s26, s7, $0xb8;
	[tilespmem:$0x1700] =	vst v63  }
0x95: {  	_ =	swait.ge [sflag:s11], $0x80  }
0x96: {  	[sflag:s11] =	ssyncset.done $0x0  }
0x97: {  	[sflag:s11] =	ssyncadd.s32 $0xFFFFFF80  }
0x98: {  	[spmem:s2] =	stream.indirect.scatter.add.f32 [tilespmem:s6], [sflag:$0x4], $0x1, s25, s7, $0xb8;
	[tilespmem:$0x1700] =	vst v63  }
0x99: {  	_ =	swait.ge [sflag:s8], $0x80  }
0x9a: {  	[sflag:s8] =	ssyncset.done $0x0  }
0x9b: {  	[sflag:s8] =	ssyncadd.s32 $0xFFFFFF80  }
0x9c: {  	[spmem:s2] =	stream.indirect.scatter.add.f32 [tilespmem:s6], [sflag:$0x1], $0x1, s24, s7, $0xb8;
	[tilespmem:$0x1700] =	vst v63  }
0x9d: {  	_ =	swait.ge [sflag:s9], $0x80  }
0x9e: {  	[sflag:s9] =	ssyncset.done $0x0  }
0x9f: {  	[sflag:s9] =	ssyncadd.s32 $0xFFFFFF80  }
0xa0: {  	[spmem:s2] =	stream.indirect.scatter.add.f32 [tilespmem:s6], [sflag:$0x2], $0x1, s23, s7, $0xb8;
	[tilespmem:$0x1700] =	vst v63  }
0xa1: {  	_ =	swait.ge [sflag:s10], $0x80  }
0xa2: {  	[sflag:s10] =	ssyncset.done $0x0  }
0xa3: {  	[sflag:s10] =	ssyncadd.s32 $0xFFFFFF80  }
0xa4: {  	[spmem:s2] =	stream.indirect.scatter.add.f32 [tilespmem:s6], [sflag:$0x3], $0x1, s22, s7, $0xb8;
	[tilespmem:$0x1700] =	vst v63  }
0xa5: {  	_ =	swait.ge [sflag:s11], $0x80  }
0xa6: {  	[sflag:s11] =	ssyncset.done $0x0  }
0xa7: {  	[sflag:s11] =	ssyncadd.s32 $0xFFFFFF80  }
0xa8: {  	[spmem:s2] =	stream.indirect.scatter.add.f32 [tilespmem:s6], [sflag:$0x4], $0x1, s21, s7, $0xb8;
	[tilespmem:$0x1700] =	vst v63  }
0xa9: {  	_ =	swait.ge [sflag:s8], $0x80  }
0xaa: {  	[sflag:s8] =	ssyncset.done $0x0  }
0xab: {  	[sflag:s8] =	ssyncadd.s32 $0xFFFFFF80  }
0xac: {  	[spmem:s2] =	stream.indirect.scatter.add.f32 [tilespmem:s6], [sflag:$0x1], $0x1, s20, s7, $0xb8;
	[tilespmem:$0x1700] =	vst v63  }
0xad: {  	_ =	swait.ge [sflag:s9], $0x80  }
0xae: {  	[sflag:s9] =	ssyncset.done $0x0  }
0xaf: {  	s1 =	simm.s32 $0x1080;
	[sflag:s9] =	ssyncadd.s32 $0xFFFFFF80  }
0xb0: {  	[spmem:s2] =	stream.indirect.scatter.add.f32 [tilespmem:s6], [sflag:$0x2], $0x1, s1, s7, $0xb8;
	[tilespmem:$0x1700] =	vst v63  }
0xb1: {  	_ =	swait.ge [sflag:s10], $0x80  }
0xb2: {  	[sflag:s10] =	ssyncset.done $0x0  }
0xb3: {  	[sflag:s10] =	ssyncadd.s32 $0xFFFFFF80  }
0xb4: {  	[spmem:s2] =	stream.indirect.scatter.add.f32 [tilespmem:s6], [sflag:$0x3], $0x1, s19, s7, $0xb8;
	[tilespmem:$0x1700] =	vst v63  }
0xb5: {  	_ =	swait.ge [sflag:s11], $0x80  }
0xb6: {  	[sflag:s11] =	ssyncset.done $0x0  }
0xb7: {  	[sflag:s11] =	ssyncadd.s32 $0xFFFFFF80  }
0xb8: {  	[spmem:s2] =	stream.indirect.scatter.add.f32 [tilespmem:s6], [sflag:$0x4], $0x1, s17, s7, $0xb8;
	[tilespmem:$0x1700] =	vst v63  }
0xb9: {  	_ =	swait.ge [sflag:s8], $0x80  }
0xba: {  	[sflag:s8] =	ssyncset.done $0x0  }
0xbb: {  	[sflag:s8] =	ssyncadd.s32 $0xFFFFFF80  }
0xbc: {  	[spmem:s2] =	stream.indirect.scatter.add.f32 [tilespmem:s6], [sflag:$0x1], $0x1, s16, s7, $0xb8;
	[tilespmem:$0x1700] =	vst v63  }
0xbd: {  	_ =	swait.ge [sflag:s9], $0x80  }
0xbe: {  	[sflag:s9] =	ssyncset.done $0x0  }
0xbf: {  	[sflag:s9] =	ssyncadd.s32 $0xFFFFFF80  }
0xc0: {  	[spmem:s2] =	stream.indirect.scatter.add.f32 [tilespmem:s6], [sflag:$0x2], $0x1, s15, s7, $0xb8;
	[tilespmem:$0x1700] =	vst v63  }
0xc1: {  	_ =	swait.ge [sflag:s10], $0x80  }
0xc2: {  	[sflag:s10] =	ssyncset.done $0x0  }
0xc3: {  	[sflag:s10] =	ssyncadd.s32 $0xFFFFFF80  }
0xc4: {  	[spmem:s2] =	stream.indirect.scatter.add.f32 [tilespmem:s6], [sflag:$0x3], $0x1, s14, s7, $0xb8;
	[tilespmem:$0x1700] =	vst v63  }
0xc5: {  	_ =	swait.ge [sflag:s11], $0x80  }
0xc6: {  	[sflag:s11] =	ssyncset.done $0x0  }
0xc7: {  	[sflag:s11] =	ssyncadd.s32 $0xFFFFFF80  }
0xc8: {  	[spmem:s2] =	stream.indirect.scatter.add.f32 [tilespmem:s6], [sflag:$0x4], $0x1, s13, s7, $0xb8;
	[tilespmem:$0x1700] =	vst v63  }
0xc9: {  	_ =	swait.ge [sflag:s8], $0x80  }
0xca: {  	[sflag:s8] =	ssyncset.done $0x0  }
0xcb: {  	[sflag:s8] =	ssyncadd.s32 $0xFFFFFF80  }
0xcc: {  	_ =	swait.ge [sflag:s9], $0x80  }
0xcd: {  	[sflag:s9] =	ssyncset.done $0x0  }
0xce: {  	[sflag:s9] =	ssyncadd.s32 $0xFFFFFF80  }
0xcf: {  	_ =	swait.ge [sflag:s10], $0x80  }
0xd0: {  	[sflag:s10] =	ssyncset.done $0x0  }
0xd1: {  	[sflag:s10] =	ssyncadd.s32 $0xFFFFFF80  }
0xd2: {  	_ =	swait.ge [sflag:s11], $0x80  }
0xd3: {  	[sflag:s11] =	ssyncset.done $0x0  }
0xd4: {  	p1 =	sne.s32 s12, $0x1;
	[sflag:s11] =	ssyncadd.s32 $0xFFFFFF80  }
.Ltmp1:
0xd5: {  	[bflag:$0x0] =	sbarrier.arrive $0xFFFF;
	(pc) =	sbr.rel @!p1 .LBB2_3-.Ltmp1, $4  }
0xd6: {  	s1 =	rddreg [dreg:$0x6]  }
0xd7: {  	[hbm:s1], [sflag:s3] =	dma.local [spmem:s4], $0x50  }
0xd8: {  	p0 =	por $0x1, $0x1;
	_ =	swait.ge [sflag:s5], $0x50  }
0xd9: {  	s1 =	sadd.s32 $0xFFFFFFFF, s12;
	s0 =	rddreg [dreg:$0x4];
	[sflag:s5] =	ssyncset.done $0x0  }
.LBB2_4:
0xda: {  	[sflag:s5] =	ssyncadd.s32 $0xFFFFFFB0  }
0xdb: {  	[spmem:s4], [sflag:s3] =	dma.local [hbm:s0], $0x50  }
0xdc: {  	_ =	swait.ge [sflag:s5], $0x50  }
0xdd: {  	[sflag:s5] =	ssyncset.done $0x0  }
0xde: {  	s12 =	rddreg [dreg:$0x3];
	[sflag:s5] =	ssyncadd.s32 $0xFFFFFFB0  }
0xdf: {  	[tilespmem:s6], [sflag:$0x5] =	stream.linear.gather [hbm4b:s12+s31], $0x80, $0x38;
	[tilespmem:$0x1700] =	vst v63  }
0xe0: {  	_ =	swait.ge [sflag:s5], $0x80  }
0xe1: {  	[sflag:s5] =	ssyncset.done $0x0  }
0xe2: {  	s12 =	rddreg [dreg:$0x5];
	[sflag:s5] =	ssyncadd.s32 $0xFFFFFF80  }
0xe3: {  	[tilespmem:s31], [sflag:$0x5] =	stream.linear.gather [hbm4b:s12+s31], $0x1400, $0x38;
	[tilespmem:$0x1700] =	vst v63  }
0xe4: {  	_ =	swait.ge [sflag:s5], $0x1400  }
0xe5: {  	[sflag:s5] =	ssyncset.done $0x0  }
0xe6: {  	[sflag:s5] =	ssyncadd.s32 $0xFFFFEC00  }
0xe7: {  	[bflag:$0x0] =	sbarrier.arrive $0xFFFF  }
0xe8: {  	[spmem:s2] =	stream.indirect.scatter.add.f32 [tilespmem:s6], [sflag:$0x1], $0x1, s31, s7, $0xb8;
	[tilespmem:$0x1700] =	vst v63  }
0xe9: {  	_ = 	snop  }
0xea: {  	[spmem:s2] =	stream.indirect.scatter.add.f32 [tilespmem:s6], [sflag:$0x2], $0x1, s7, s7, $0xb8;
	[tilespmem:$0x1700] =	vst v63  }
0xeb: {  	s0 =	rddreg [dreg:$0x7]  }
0xec: {  	[spmem:s2] =	stream.indirect.scatter.add.f32 [tilespmem:s6], [sflag:$0x3], $0x1, s0, s7, $0xb8;
	[tilespmem:$0x1700] =	vst v63  }
0xed: {  	s12 =	rddreg [dreg:$0x8]  }
0xee: {  	[spmem:s2] =	stream.indirect.scatter.add.f32 [tilespmem:s6], [sflag:$0x4], $0x1, s12, s7, $0xb8;
	[tilespmem:$0x1700] =	vst v63  }
0xef: {  	_ =	swait.ge [sflag:s8], $0x80  }
0xf0: {  	[sflag:s8] =	ssyncset.done $0x0  }
0xf1: {  	s12 =	rddreg [dreg:$0x9];
	[sflag:s8] =	ssyncadd.s32 $0xFFFFFF80  }
0xf2: {  	[spmem:s2] =	stream.indirect.scatter.add.f32 [tilespmem:s6], [sflag:$0x1], $0x1, s12, s7, $0xb8;
	[tilespmem:$0x1700] =	vst v63  }
0xf3: {  	_ =	swait.ge [sflag:s9], $0x80  }
0xf4: {  	[sflag:s9] =	ssyncset.done $0x0  }
0xf5: {  	s12 =	rddreg [dreg:$0xa];
	[sflag:s9] =	ssyncadd.s32 $0xFFFFFF80  }
0xf6: {  	[spmem:s2] =	stream.indirect.scatter.add.f32 [tilespmem:s6], [sflag:$0x2], $0x1, s12, s7, $0xb8;
	[tilespmem:$0x1700] =	vst v63  }
0xf7: {  	_ =	swait.ge [sflag:s10], $0x80  }
0xf8: {  	[sflag:s10] =	ssyncset.done $0x0  }
0xf9: {  	s12 =	rddreg [dreg:$0xb];
	[sflag:s10] =	ssyncadd.s32 $0xFFFFFF80  }
0xfa: {  	[spmem:s2] =	stream.indirect.scatter.add.f32 [tilespmem:s6], [sflag:$0x3], $0x1, s12, s7, $0xb8;
	[tilespmem:$0x1700] =	vst v63  }
0xfb: {  	_ =	swait.ge [sflag:s11], $0x80  }
0xfc: {  	[sflag:s11] =	ssyncset.done $0x0  }
0xfd: {  	s12 =	rddreg [dreg:$0xc];
	[sflag:s11] =	ssyncadd.s32 $0xFFFFFF80  }
0xfe: {  	[spmem:s2] =	stream.indirect.scatter.add.f32 [tilespmem:s6], [sflag:$0x4], $0x1, s12, s7, $0xb8;
	[tilespmem:$0x1700] =	vst v63  }
0xff: {  	_ =	swait.ge [sflag:s8], $0x80  }
0x100: {  	[sflag:s8] =	ssyncset.done $0x0  }
0x101: {  	s12 =	rddreg [dreg:$0xd];
	[sflag:s8] =	ssyncadd.s32 $0xFFFFFF80  }
0x102: {  	[spmem:s2] =	stream.indirect.scatter.add.f32 [tilespmem:s6], [sflag:$0x1], $0x1, s12, s7, $0xb8;
	[tilespmem:$0x1700] =	vst v63  }
0x103: {  	_ =	swait.ge [sflag:s9], $0x80  }
0x104: {  	[sflag:s9] =	ssyncset.done $0x0  }
0x105: {  	s12 =	rddreg [dreg:$0xe];
	[sflag:s9] =	ssyncadd.s32 $0xFFFFFF80  }
0x106: {  	[spmem:s2] =	stream.indirect.scatter.add.f32 [tilespmem:s6], [sflag:$0x2], $0x1, s12, s7, $0xb8;
	[tilespmem:$0x1700] =	vst v63  }
0x107: {  	_ =	swait.ge [sflag:s10], $0x80  }
0x108: {  	[sflag:s10] =	ssyncset.done $0x0  }
0x109: {  	s12 =	rddreg [dreg:$0xf];
	[sflag:s10] =	ssyncadd.s32 $0xFFFFFF80  }
0x10a: {  	[spmem:s2] =	stream.indirect.scatter.add.f32 [tilespmem:s6], [sflag:$0x3], $0x1, s12, s7, $0xb8;
	[tilespmem:$0x1700] =	vst v63  }
0x10b: {  	_ =	swait.ge [sflag:s11], $0x80  }
0x10c: {  	[sflag:s11] =	ssyncset.done $0x0  }
0x10d: {  	s12 =	rddreg [dreg:$0x10];
	[sflag:s11] =	ssyncadd.s32 $0xFFFFFF80  }
0x10e: {  	[spmem:s2] =	stream.indirect.scatter.add.f32 [tilespmem:s6], [sflag:$0x4], $0x1, s12, s7, $0xb8;
	[tilespmem:$0x1700] =	vst v63  }
0x10f: {  	_ =	swait.ge [sflag:s8], $0x80  }
0x110: {  	[sflag:s8] =	ssyncset.done $0x0  }
0x111: {  	s12 =	rddreg [dreg:$0x11];
	[sflag:s8] =	ssyncadd.s32 $0xFFFFFF80  }
0x112: {  	[spmem:s2] =	stream.indirect.scatter.add.f32 [tilespmem:s6], [sflag:$0x1], $0x1, s12, s7, $0xb8;
	[tilespmem:$0x1700] =	vst v63  }
0x113: {  	_ =	swait.ge [sflag:s9], $0x80  }
0x114: {  	[sflag:s9] =	ssyncset.done $0x0  }
0x115: {  	s12 =	rddreg [dreg:$0x12];
	[sflag:s9] =	ssyncadd.s32 $0xFFFFFF80  }
0x116: {  	[spmem:s2] =	stream.indirect.scatter.add.f32 [tilespmem:s6], [sflag:$0x2], $0x1, s12, s7, $0xb8;
	[tilespmem:$0x1700] =	vst v63  }
0x117: {  	_ =	swait.ge [sflag:s10], $0x80  }
0x118: {  	[sflag:s10] =	ssyncset.done $0x0  }
0x119: {  	s12 =	rddreg [dreg:$0x13];
	[sflag:s10] =	ssyncadd.s32 $0xFFFFFF80  }
0x11a: {  	[spmem:s2] =	stream.indirect.scatter.add.f32 [tilespmem:s6], [sflag:$0x3], $0x1, s12, s7, $0xb8;
	[tilespmem:$0x1700] =	vst v63  }
0x11b: {  	_ =	swait.ge [sflag:s11], $0x80  }
0x11c: {  	[sflag:s11] =	ssyncset.done $0x0  }
0x11d: {  	s12 =	rddreg [dreg:$0x14];
	[sflag:s11] =	ssyncadd.s32 $0xFFFFFF80  }
0x11e: {  	[spmem:s2] =	stream.indirect.scatter.add.f32 [tilespmem:s6], [sflag:$0x4], $0x1, s12, s7, $0xb8;
	[tilespmem:$0x1700] =	vst v63  }
0x11f: {  	_ =	swait.ge [sflag:s8], $0x80  }
0x120: {  	[sflag:s8] =	ssyncset.done $0x0  }
0x121: {  	s12 =	rddreg [dreg:$0x15];
	[sflag:s8] =	ssyncadd.s32 $0xFFFFFF80  }
0x122: {  	[spmem:s2] =	stream.indirect.scatter.add.f32 [tilespmem:s6], [sflag:$0x1], $0x1, s12, s7, $0xb8;
	[tilespmem:$0x1700] =	vst v63  }
0x123: {  	_ =	swait.ge [sflag:s9], $0x80  }
0x124: {  	[sflag:s9] =	ssyncset.done $0x0  }
0x125: {  	s12 =	rddreg [dreg:$0x16];
	[sflag:s9] =	ssyncadd.s32 $0xFFFFFF80  }
0x126: {  	[spmem:s2] =	stream.indirect.scatter.add.f32 [tilespmem:s6], [sflag:$0x2], $0x1, s12, s7, $0xb8;
	[tilespmem:$0x1700] =	vst v63  }
0x127: {  	_ =	swait.ge [sflag:s10], $0x80  }
0x128: {  	[sflag:s10] =	ssyncset.done $0x0  }
0x129: {  	s12 =	rddreg [dreg:$0x17];
	[sflag:s10] =	ssyncadd.s32 $0xFFFFFF80  }
0x12a: {  	[spmem:s2] =	stream.indirect.scatter.add.f32 [tilespmem:s6], [sflag:$0x3], $0x1, s12, s7, $0xb8;
	[tilespmem:$0x1700] =	vst v63  }
0x12b: {  	_ =	swait.ge [sflag:s11], $0x80  }
0x12c: {  	[sflag:s11] =	ssyncset.done $0x0  }
0x12d: {  	s12 =	rddreg [dreg:$0x18];
	[sflag:s11] =	ssyncadd.s32 $0xFFFFFF80  }
0x12e: {  	[spmem:s2] =	stream.indirect.scatter.add.f32 [tilespmem:s6], [sflag:$0x4], $0x1, s12, s7, $0xb8;
	[tilespmem:$0x1700] =	vst v63  }
0x12f: {  	_ =	swait.ge [sflag:s8], $0x80  }
0x130: {  	[sflag:s8] =	ssyncset.done $0x0  }
0x131: {  	s12 =	rddreg [dreg:$0x19];
	[sflag:s8] =	ssyncadd.s32 $0xFFFFFF80  }
0x132: {  	[spmem:s2] =	stream.indirect.scatter.add.f32 [tilespmem:s6], [sflag:$0x1], $0x1, s12, s7, $0xb8;
	[tilespmem:$0x1700] =	vst v63  }
0x133: {  	_ =	swait.ge [sflag:s9], $0x80  }
0x134: {  	[sflag:s9] =	ssyncset.done $0x0  }
0x135: {  	s12 =	rddreg [dreg:$0x1a];
	[sflag:s9] =	ssyncadd.s32 $0xFFFFFF80  }
0x136: {  	[spmem:s2] =	stream.indirect.scatter.add.f32 [tilespmem:s6], [sflag:$0x2], $0x1, s12, s7, $0xb8;
	[tilespmem:$0x1700] =	vst v63  }
0x137: {  	_ =	swait.ge [sflag:s10], $0x80  }
0x138: {  	[sflag:s10] =	ssyncset.done $0x0  }
0x139: {  	[sflag:s10] =	ssyncadd.s32 $0xFFFFFF80  }
0x13a: {  	[spmem:s2] =	stream.indirect.scatter.add.f32 [tilespmem:s6], [sflag:$0x3], $0x1, s18, s7, $0xb8;
	[tilespmem:$0x1700] =	vst v63  }
0x13b: {  	_ =	swait.ge [sflag:s11], $0x80  }
0x13c: {  	[sflag:s11] =	ssyncset.done $0x0  }
0x13d: {  	[sflag:s11] =	ssyncadd.s32 $0xFFFFFF80  }
0x13e: {  	[spmem:s2] =	stream.indirect.scatter.add.f32 [tilespmem:s6], [sflag:$0x4], $0x1, s30, s7, $0xb8;
	[tilespmem:$0x1700] =	vst v63  }
0x13f: {  	_ =	swait.ge [sflag:s8], $0x80  }
0x140: {  	[sflag:s8] =	ssyncset.done $0x0  }
0x141: {  	[sflag:s8] =	ssyncadd.s32 $0xFFFFFF80  }
0x142: {  	[spmem:s2] =	stream.indirect.scatter.add.f32 [tilespmem:s6], [sflag:$0x1], $0x1, s29, s7, $0xb8;
	[tilespmem:$0x1700] =	vst v63  }
0x143: {  	_ =	swait.ge [sflag:s9], $0x80  }
0x144: {  	[sflag:s9] =	ssyncset.done $0x0  }
0x145: {  	[sflag:s9] =	ssyncadd.s32 $0xFFFFFF80  }
0x146: {  	[spmem:s2] =	stream.indirect.scatter.add.f32 [tilespmem:s6], [sflag:$0x2], $0x1, s28, s7, $0xb8;
	[tilespmem:$0x1700] =	vst v63  }
0x147: {  	_ =	swait.ge [sflag:s10], $0x80  }
0x148: {  	[sflag:s10] =	ssyncset.done $0x0  }
0x149: {  	[sflag:s10] =	ssyncadd.s32 $0xFFFFFF80  }
0x14a: {  	[spmem:s2] =	stream.indirect.scatter.add.f32 [tilespmem:s6], [sflag:$0x3], $0x1, s26, s7, $0xb8;
	[tilespmem:$0x1700] =	vst v63  }
0x14b: {  	_ =	swait.ge [sflag:s11], $0x80  }
0x14c: {  	[sflag:s11] =	ssyncset.done $0x0  }
0x14d: {  	[sflag:s11] =	ssyncadd.s32 $0xFFFFFF80  }
0x14e: {  	[spmem:s2] =	stream.indirect.scatter.add.f32 [tilespmem:s6], [sflag:$0x4], $0x1, s25, s7, $0xb8;
	[tilespmem:$0x1700] =	vst v63  }
0x14f: {  	_ =	swait.ge [sflag:s8], $0x80  }
0x150: {  	[sflag:s8] =	ssyncset.done $0x0  }
0x151: {  	[sflag:s8] =	ssyncadd.s32 $0xFFFFFF80  }
0x152: {  	[spmem:s2] =	stream.indirect.scatter.add.f32 [tilespmem:s6], [sflag:$0x1], $0x1, s24, s7, $0xb8;
	[tilespmem:$0x1700] =	vst v63  }
0x153: {  	_ =	swait.ge [sflag:s9], $0x80  }
0x154: {  	[sflag:s9] =	ssyncset.done $0x0  }
0x155: {  	[sflag:s9] =	ssyncadd.s32 $0xFFFFFF80  }
0x156: {  	[spmem:s2] =	stream.indirect.scatter.add.f32 [tilespmem:s6], [sflag:$0x2], $0x1, s23, s7, $0xb8;
	[tilespmem:$0x1700] =	vst v63  }
0x157: {  	_ =	swait.ge [sflag:s10], $0x80  }
0x158: {  	[sflag:s10] =	ssyncset.done $0x0  }
0x159: {  	[sflag:s10] =	ssyncadd.s32 $0xFFFFFF80  }
0x15a: {  	[spmem:s2] =	stream.indirect.scatter.add.f32 [tilespmem:s6], [sflag:$0x3], $0x1, s22, s7, $0xb8;
	[tilespmem:$0x1700] =	vst v63  }
0x15b: {  	_ =	swait.ge [sflag:s11], $0x80  }
0x15c: {  	[sflag:s11] =	ssyncset.done $0x0  }
0x15d: {  	[sflag:s11] =	ssyncadd.s32 $0xFFFFFF80  }
0x15e: {  	[spmem:s2] =	stream.indirect.scatter.add.f32 [tilespmem:s6], [sflag:$0x4], $0x1, s21, s7, $0xb8;
	[tilespmem:$0x1700] =	vst v63  }
0x15f: {  	_ =	swait.ge [sflag:s8], $0x80  }
0x160: {  	[sflag:s8] =	ssyncset.done $0x0  }
0x161: {  	[sflag:s8] =	ssyncadd.s32 $0xFFFFFF80  }
0x162: {  	[spmem:s2] =	stream.indirect.scatter.add.f32 [tilespmem:s6], [sflag:$0x1], $0x1, s20, s7, $0xb8;
	[tilespmem:$0x1700] =	vst v63  }
0x163: {  	_ =	swait.ge [sflag:s9], $0x80  }
0x164: {  	[sflag:s9] =	ssyncset.done $0x0  }
0x165: {  	s12 =	simm.s32 $0x1080;
	[sflag:s9] =	ssyncadd.s32 $0xFFFFFF80  }
0x166: {  	[spmem:s2] =	stream.indirect.scatter.add.f32 [tilespmem:s6], [sflag:$0x2], $0x1, s12, s7, $0xb8;
	[tilespmem:$0x1700] =	vst v63  }
0x167: {  	_ =	swait.ge [sflag:s10], $0x80  }
0x168: {  	[sflag:s10] =	ssyncset.done $0x0  }
0x169: {  	[sflag:s10] =	ssyncadd.s32 $0xFFFFFF80  }
0x16a: {  	[spmem:s2] =	stream.indirect.scatter.add.f32 [tilespmem:s6], [sflag:$0x3], $0x1, s19, s7, $0xb8;
	[tilespmem:$0x1700] =	vst v63  }
0x16b: {  	_ =	swait.ge [sflag:s11], $0x80  }
0x16c: {  	[sflag:s11] =	ssyncset.done $0x0  }
0x16d: {  	[sflag:s11] =	ssyncadd.s32 $0xFFFFFF80  }
0x16e: {  	[spmem:s2] =	stream.indirect.scatter.add.f32 [tilespmem:s6], [sflag:$0x4], $0x1, s17, s7, $0xb8;
	[tilespmem:$0x1700] =	vst v63  }
0x16f: {  	_ =	swait.ge [sflag:s8], $0x80  }
0x170: {  	[sflag:s8] =	ssyncset.done $0x0  }
0x171: {  	[sflag:s8] =	ssyncadd.s32 $0xFFFFFF80  }
0x172: {  	[spmem:s2] =	stream.indirect.scatter.add.f32 [tilespmem:s6], [sflag:$0x1], $0x1, s16, s7, $0xb8;
	[tilespmem:$0x1700] =	vst v63  }
0x173: {  	_ =	swait.ge [sflag:s9], $0x80  }
0x174: {  	[sflag:s9] =	ssyncset.done $0x0  }
0x175: {  	[sflag:s9] =	ssyncadd.s32 $0xFFFFFF80  }
0x176: {  	[spmem:s2] =	stream.indirect.scatter.add.f32 [tilespmem:s6], [sflag:$0x2], $0x1, s15, s7, $0xb8;
	[tilespmem:$0x1700] =	vst v63  }
0x177: {  	_ =	swait.ge [sflag:s10], $0x80  }
0x178: {  	[sflag:s10] =	ssyncset.done $0x0  }
0x179: {  	[sflag:s10] =	ssyncadd.s32 $0xFFFFFF80  }
0x17a: {  	[spmem:s2] =	stream.indirect.scatter.add.f32 [tilespmem:s6], [sflag:$0x3], $0x1, s14, s7, $0xb8;
	[tilespmem:$0x1700] =	vst v63  }
0x17b: {  	_ =	swait.ge [sflag:s11], $0x80  }
0x17c: {  	[sflag:s11] =	ssyncset.done $0x0  }
0x17d: {  	[sflag:s11] =	ssyncadd.s32 $0xFFFFFF80  }
0x17e: {  	[spmem:s2] =	stream.indirect.scatter.add.f32 [tilespmem:s6], [sflag:$0x4], $0x1, s13, s7, $0xb8;
	[tilespmem:$0x1700] =	vst v63  }
0x17f: {  	_ =	swait.ge [sflag:s8], $0x80  }
0x180: {  	[sflag:s8] =	ssyncset.done $0x0  }
0x181: {  	[sflag:s8] =	ssyncadd.s32 $0xFFFFFF80  }
0x182: {  	_ =	swait.ge [sflag:s9], $0x80  }
0x183: {  	[sflag:s9] =	ssyncset.done $0x0  }
0x184: {  	[sflag:s9] =	ssyncadd.s32 $0xFFFFFF80  }
0x185: {  	_ =	swait.ge [sflag:s10], $0x80  }
0x186: {  	[sflag:s10] =	ssyncset.done $0x0  }
0x187: {  	[sflag:s10] =	ssyncadd.s32 $0xFFFFFF80  }
0x188: {  	_ =	swait.ge [sflag:s11], $0x80  }
0x189: {  	[sflag:s11] =	ssyncset.done $0x0  }
0x18a: {  	p1 =	sne.s32 s1, $0x1;
	[sflag:s11] =	ssyncadd.s32 $0xFFFFFF80  }
.Ltmp2:
0x18b: {  	[bflag:$0x0] =	sbarrier.arrive $0xFFFF;
	(pc) =	sbr.rel @p1 .LBB2_4-.Ltmp2, $4  }
0x18c: {  	s12 =	rddreg [dreg:$0x6]  }
0x18d: {  	[hbm:s12], [sflag:s3] =	dma.local [spmem:s4], $0x50  }
0x18e: {  	_ =	swait.ge [sflag:s5], $0x50  }
0x18f: {  	s1 =	sadd.s32 $0xFFFFFFFF, s1;
	s0 =	rddreg [dreg:$0x4];
	[sflag:s5] =	ssyncset.done $0x0  }
0x190: {  	s13 =	simm.s32 $0xB00;
	s30 =	simm.s32 $0xB80;
	s29 =	simm.s32 $0xC00  }
0x191: {  	s28 =	simm.s32 $0xC80;
	s26 =	simm.s32 $0xD00;
	s25 =	simm.s32 $0xD80  }
0x192: {  	s24 =	simm.s32 $0xE00;
	s23 =	simm.s32 $0xE80;
	s22 =	simm.s32 $0xF00  }
0x193: {  	s21 =	simm.s32 $0xF80;
	s20 =	simm.s32 $0x1000;
	s19 =	simm.s32 $0x1100  }
0x194: {  	s18 =	simm.s32 $0x1080;
	s17 =	simm.s32 $0x1180;
	s16 =	simm.s32 $0x1200  }
0x195: {  	s15 =	simm.s32 $0x1280;
	s14 =	simm.s32 $0x1300;
	s12 =	stileid.u32  }
.LBB2_6:
0x196: {  	[sflag:s5] =	ssyncadd.s32 @p0 $0xFFFFFFB0  }
0x197: {  	[spmem:s4], [sflag:s3] =	dma.local [hbm:s0], $0x50  }
0x198: {  	_ =	swait.ge [sflag:s5], $0x50  }
0x199: {  	[sflag:s5] =	ssyncset.done $0x0  }
0x19a: {  	s1 =	rddreg [dreg:$0x3];
	[sflag:s5] =	ssyncadd.s32 $0xFFFFFFB0  }
0x19b: {  	[tilespmem:s6], [sflag:$0x5] =	stream.linear.gather [hbm4b:s1+s31], $0x80, $0x38;
	[tilespmem:$0x1700] =	vst v63  }
0x19c: {  	_ =	swait.ge [sflag:s5], $0x80  }
0x19d: {  	[sflag:s5] =	ssyncset.done $0x0  }
0x19e: {  	s1 =	rddreg [dreg:$0x5];
	[sflag:s5] =	ssyncadd.s32 $0xFFFFFF80  }
0x19f: {  	[tilespmem:s31], [sflag:$0x5] =	stream.linear.gather [hbm4b:s1+s31], $0x1400, $0x38;
	[tilespmem:$0x1700] =	vst v63  }
0x1a0: {  	_ =	swait.ge [sflag:s5], $0x1400  }
0x1a1: {  	[sflag:s5] =	ssyncset.done $0x0  }
0x1a2: {  	[sflag:s5] =	ssyncadd.s32 $0xFFFFEC00  }
0x1a3: {  	[bflag:$0x0] =	sbarrier.arrive $0xFFFF  }
0x1a4: {  	[spmem:s2] =	stream.indirect.scatter.add.f32 [tilespmem:s6], [sflag:$0x1], $0x1, s31, s7, $0xb8;
	[tilespmem:$0x1700] =	vst v63  }
0x1a5: {  	_ = 	snop  }
0x1a6: {  	[spmem:s2] =	stream.indirect.scatter.add.f32 [tilespmem:s6], [sflag:$0x2], $0x1, s7, s7, $0xb8;
	[tilespmem:$0x1700] =	vst v63  }
0x1a7: {  	s31 =	rddreg [dreg:$0x7]  }
0x1a8: {  	[spmem:s2] =	stream.indirect.scatter.add.f32 [tilespmem:s6], [sflag:$0x3], $0x1, s31, s7, $0xb8;
	[tilespmem:$0x1700] =	vst v63  }
0x1a9: {  	s1 =	rddreg [dreg:$0x8]  }
0x1aa: {  	[spmem:s2] =	stream.indirect.scatter.add.f32 [tilespmem:s6], [sflag:$0x4], $0x1, s1, s7, $0xb8;
	[tilespmem:$0x1700] =	vst v63  }
0x1ab: {  	_ =	swait.ge [sflag:s8], $0x80  }
0x1ac: {  	[sflag:s8] =	ssyncset.done $0x0  }
0x1ad: {  	s31 =	rddreg [dreg:$0x9];
	[sflag:s8] =	ssyncadd.s32 $0xFFFFFF80  }
0x1ae: {  	[spmem:s2] =	stream.indirect.scatter.add.f32 [tilespmem:s6], [sflag:$0x1], $0x1, s31, s7, $0xb8;
	[tilespmem:$0x1700] =	vst v63  }
0x1af: {  	_ =	swait.ge [sflag:s9], $0x80  }
0x1b0: {  	[sflag:s9] =	ssyncset.done $0x0  }
0x1b1: {  	s1 =	rddreg [dreg:$0xa];
	[sflag:s9] =	ssyncadd.s32 $0xFFFFFF80  }
0x1b2: {  	[spmem:s2] =	stream.indirect.scatter.add.f32 [tilespmem:s6], [sflag:$0x2], $0x1, s1, s7, $0xb8;
	[tilespmem:$0x1700] =	vst v63  }
0x1b3: {  	_ =	swait.ge [sflag:s10], $0x80  }
0x1b4: {  	[sflag:s10] =	ssyncset.done $0x0  }
0x1b5: {  	s31 =	rddreg [dreg:$0xb];
	[sflag:s10] =	ssyncadd.s32 $0xFFFFFF80  }
0x1b6: {  	[spmem:s2] =	stream.indirect.scatter.add.f32 [tilespmem:s6], [sflag:$0x3], $0x1, s31, s7, $0xb8;
	[tilespmem:$0x1700] =	vst v63  }
0x1b7: {  	_ =	swait.ge [sflag:s11], $0x80  }
0x1b8: {  	[sflag:s11] =	ssyncset.done $0x0  }
0x1b9: {  	s1 =	rddreg [dreg:$0xc];
	[sflag:s11] =	ssyncadd.s32 $0xFFFFFF80  }
0x1ba: {  	[spmem:s2] =	stream.indirect.scatter.add.f32 [tilespmem:s6], [sflag:$0x4], $0x1, s1, s7, $0xb8;
	[tilespmem:$0x1700] =	vst v63  }
0x1bb: {  	_ =	swait.ge [sflag:s8], $0x80  }
0x1bc: {  	[sflag:s8] =	ssyncset.done $0x0  }
0x1bd: {  	s31 =	rddreg [dreg:$0xd];
	[sflag:s8] =	ssyncadd.s32 $0xFFFFFF80  }
0x1be: {  	[spmem:s2] =	stream.indirect.scatter.add.f32 [tilespmem:s6], [sflag:$0x1], $0x1, s31, s7, $0xb8;
	[tilespmem:$0x1700] =	vst v63  }
0x1bf: {  	_ =	swait.ge [sflag:s9], $0x80  }
0x1c0: {  	[sflag:s9] =	ssyncset.done $0x0  }
0x1c1: {  	s1 =	rddreg [dreg:$0xe];
	[sflag:s9] =	ssyncadd.s32 $0xFFFFFF80  }
0x1c2: {  	[spmem:s2] =	stream.indirect.scatter.add.f32 [tilespmem:s6], [sflag:$0x2], $0x1, s1, s7, $0xb8;
	[tilespmem:$0x1700] =	vst v63  }
0x1c3: {  	_ =	swait.ge [sflag:s10], $0x80  }
0x1c4: {  	[sflag:s10] =	ssyncset.done $0x0  }
0x1c5: {  	s31 =	rddreg [dreg:$0xf];
	[sflag:s10] =	ssyncadd.s32 $0xFFFFFF80  }
0x1c6: {  	[spmem:s2] =	stream.indirect.scatter.add.f32 [tilespmem:s6], [sflag:$0x3], $0x1, s31, s7, $0xb8;
	[tilespmem:$0x1700] =	vst v63  }
0x1c7: {  	_ =	swait.ge [sflag:s11], $0x80  }
0x1c8: {  	[sflag:s11] =	ssyncset.done $0x0  }
0x1c9: {  	s1 =	rddreg [dreg:$0x10];
	[sflag:s11] =	ssyncadd.s32 $0xFFFFFF80  }
0x1ca: {  	[spmem:s2] =	stream.indirect.scatter.add.f32 [tilespmem:s6], [sflag:$0x4], $0x1, s1, s7, $0xb8;
	[tilespmem:$0x1700] =	vst v63  }
0x1cb: {  	_ =	swait.ge [sflag:s8], $0x80  }
0x1cc: {  	[sflag:s8] =	ssyncset.done $0x0  }
0x1cd: {  	s31 =	rddreg [dreg:$0x11];
	[sflag:s8] =	ssyncadd.s32 $0xFFFFFF80  }
0x1ce: {  	[spmem:s2] =	stream.indirect.scatter.add.f32 [tilespmem:s6], [sflag:$0x1], $0x1, s31, s7, $0xb8;
	[tilespmem:$0x1700] =	vst v63  }
0x1cf: {  	_ =	swait.ge [sflag:s9], $0x80  }
0x1d0: {  	[sflag:s9] =	ssyncset.done $0x0  }
0x1d1: {  	s1 =	rddreg [dreg:$0x12];
	[sflag:s9] =	ssyncadd.s32 $0xFFFFFF80  }
0x1d2: {  	[spmem:s2] =	stream.indirect.scatter.add.f32 [tilespmem:s6], [sflag:$0x2], $0x1, s1, s7, $0xb8;
	[tilespmem:$0x1700] =	vst v63  }
0x1d3: {  	_ =	swait.ge [sflag:s10], $0x80  }
0x1d4: {  	[sflag:s10] =	ssyncset.done $0x0  }
0x1d5: {  	s31 =	rddreg [dreg:$0x13];
	[sflag:s10] =	ssyncadd.s32 $0xFFFFFF80  }
0x1d6: {  	[spmem:s2] =	stream.indirect.scatter.add.f32 [tilespmem:s6], [sflag:$0x3], $0x1, s31, s7, $0xb8;
	[tilespmem:$0x1700] =	vst v63  }
0x1d7: {  	_ =	swait.ge [sflag:s11], $0x80  }
0x1d8: {  	[sflag:s11] =	ssyncset.done $0x0  }
0x1d9: {  	s1 =	rddreg [dreg:$0x14];
	[sflag:s11] =	ssyncadd.s32 $0xFFFFFF80  }
0x1da: {  	[spmem:s2] =	stream.indirect.scatter.add.f32 [tilespmem:s6], [sflag:$0x4], $0x1, s1, s7, $0xb8;
	[tilespmem:$0x1700] =	vst v63  }
0x1db: {  	_ =	swait.ge [sflag:s8], $0x80  }
0x1dc: {  	[sflag:s8] =	ssyncset.done $0x0  }
0x1dd: {  	s31 =	rddreg [dreg:$0x15];
	[sflag:s8] =	ssyncadd.s32 $0xFFFFFF80  }
0x1de: {  	[spmem:s2] =	stream.indirect.scatter.add.f32 [tilespmem:s6], [sflag:$0x1], $0x1, s31, s7, $0xb8;
	[tilespmem:$0x1700] =	vst v63  }
0x1df: {  	_ =	swait.ge [sflag:s9], $0x80  }
0x1e0: {  	[sflag:s9] =	ssyncset.done $0x0  }
0x1e1: {  	s1 =	rddreg [dreg:$0x16];
	[sflag:s9] =	ssyncadd.s32 $0xFFFFFF80  }
0x1e2: {  	[spmem:s2] =	stream.indirect.scatter.add.f32 [tilespmem:s6], [sflag:$0x2], $0x1, s1, s7, $0xb8;
	[tilespmem:$0x1700] =	vst v63  }
0x1e3: {  	_ =	swait.ge [sflag:s10], $0x80  }
0x1e4: {  	[sflag:s10] =	ssyncset.done $0x0  }
0x1e5: {  	s31 =	rddreg [dreg:$0x17];
	[sflag:s10] =	ssyncadd.s32 $0xFFFFFF80  }
0x1e6: {  	[spmem:s2] =	stream.indirect.scatter.add.f32 [tilespmem:s6], [sflag:$0x3], $0x1, s31, s7, $0xb8;
	[tilespmem:$0x1700] =	vst v63  }
0x1e7: {  	_ =	swait.ge [sflag:s11], $0x80  }
0x1e8: {  	[sflag:s11] =	ssyncset.done $0x0  }
0x1e9: {  	s1 =	rddreg [dreg:$0x18];
	[sflag:s11] =	ssyncadd.s32 $0xFFFFFF80  }
0x1ea: {  	[spmem:s2] =	stream.indirect.scatter.add.f32 [tilespmem:s6], [sflag:$0x4], $0x1, s1, s7, $0xb8;
	[tilespmem:$0x1700] =	vst v63  }
0x1eb: {  	_ =	swait.ge [sflag:s8], $0x80  }
0x1ec: {  	[sflag:s8] =	ssyncset.done $0x0  }
0x1ed: {  	s31 =	rddreg [dreg:$0x19];
	[sflag:s8] =	ssyncadd.s32 $0xFFFFFF80  }
0x1ee: {  	[spmem:s2] =	stream.indirect.scatter.add.f32 [tilespmem:s6], [sflag:$0x1], $0x1, s31, s7, $0xb8;
	[tilespmem:$0x1700] =	vst v63  }
0x1ef: {  	_ =	swait.ge [sflag:s9], $0x80  }
0x1f0: {  	[sflag:s9] =	ssyncset.done $0x0  }
0x1f1: {  	s1 =	rddreg [dreg:$0x1a];
	[sflag:s9] =	ssyncadd.s32 $0xFFFFFF80  }
0x1f2: {  	[spmem:s2] =	stream.indirect.scatter.add.f32 [tilespmem:s6], [sflag:$0x2], $0x1, s1, s7, $0xb8;
	[tilespmem:$0x1700] =	vst v63  }
0x1f3: {  	_ =	swait.ge [sflag:s10], $0x80  }
0x1f4: {  	[sflag:s10] =	ssyncset.done $0x0  }
0x1f5: {  	[sflag:s10] =	ssyncadd.s32 $0xFFFFFF80  }
0x1f6: {  	[spmem:s2] =	stream.indirect.scatter.add.f32 [tilespmem:s6], [sflag:$0x3], $0x1, s13, s7, $0xb8;
	[tilespmem:$0x1700] =	vst v63  }
0x1f7: {  	_ =	swait.ge [sflag:s11], $0x80  }
0x1f8: {  	[sflag:s11] =	ssyncset.done $0x0  }
0x1f9: {  	[sflag:s11] =	ssyncadd.s32 $0xFFFFFF80  }
0x1fa: {  	[spmem:s2] =	stream.indirect.scatter.add.f32 [tilespmem:s6], [sflag:$0x4], $0x1, s30, s7, $0xb8;
	[tilespmem:$0x1700] =	vst v63  }
0x1fb: {  	_ =	swait.ge [sflag:s8], $0x80  }
0x1fc: {  	[sflag:s8] =	ssyncset.done $0x0  }
0x1fd: {  	[sflag:s8] =	ssyncadd.s32 $0xFFFFFF80  }
0x1fe: {  	[spmem:s2] =	stream.indirect.scatter.add.f32 [tilespmem:s6], [sflag:$0x1], $0x1, s29, s7, $0xb8;
	[tilespmem:$0x1700] =	vst v63  }
0x1ff: {  	_ =	swait.ge [sflag:s9], $0x80  }
0x200: {  	[sflag:s9] =	ssyncset.done $0x0  }
0x201: {  	[sflag:s9] =	ssyncadd.s32 $0xFFFFFF80  }
0x202: {  	[spmem:s2] =	stream.indirect.scatter.add.f32 [tilespmem:s6], [sflag:$0x2], $0x1, s28, s7, $0xb8;
	[tilespmem:$0x1700] =	vst v63  }
0x203: {  	_ =	swait.ge [sflag:s10], $0x80  }
0x204: {  	[sflag:s10] =	ssyncset.done $0x0  }
0x205: {  	[sflag:s10] =	ssyncadd.s32 $0xFFFFFF80  }
0x206: {  	[spmem:s2] =	stream.indirect.scatter.add.f32 [tilespmem:s6], [sflag:$0x3], $0x1, s26, s7, $0xb8;
	[tilespmem:$0x1700] =	vst v63  }
0x207: {  	_ =	swait.ge [sflag:s11], $0x80  }
0x208: {  	[sflag:s11] =	ssyncset.done $0x0  }
0x209: {  	[sflag:s11] =	ssyncadd.s32 $0xFFFFFF80  }
0x20a: {  	[spmem:s2] =	stream.indirect.scatter.add.f32 [tilespmem:s6], [sflag:$0x4], $0x1, s25, s7, $0xb8;
	[tilespmem:$0x1700] =	vst v63  }
0x20b: {  	_ =	swait.ge [sflag:s8], $0x80  }
0x20c: {  	[sflag:s8] =	ssyncset.done $0x0  }
0x20d: {  	[sflag:s8] =	ssyncadd.s32 $0xFFFFFF80  }
0x20e: {  	[spmem:s2] =	stream.indirect.scatter.add.f32 [tilespmem:s6], [sflag:$0x1], $0x1, s24, s7, $0xb8;
	[tilespmem:$0x1700] =	vst v63  }
0x20f: {  	_ =	swait.ge [sflag:s9], $0x80  }
0x210: {  	[sflag:s9] =	ssyncset.done $0x0  }
0x211: {  	[sflag:s9] =	ssyncadd.s32 $0xFFFFFF80  }
0x212: {  	[spmem:s2] =	stream.indirect.scatter.add.f32 [tilespmem:s6], [sflag:$0x2], $0x1, s23, s7, $0xb8;
	[tilespmem:$0x1700] =	vst v63  }
0x213: {  	_ =	swait.ge [sflag:s10], $0x80  }
0x214: {  	[sflag:s10] =	ssyncset.done $0x0  }
0x215: {  	[sflag:s10] =	ssyncadd.s32 $0xFFFFFF80  }
0x216: {  	[spmem:s2] =	stream.indirect.scatter.add.f32 [tilespmem:s6], [sflag:$0x3], $0x1, s22, s7, $0xb8;
	[tilespmem:$0x1700] =	vst v63  }
0x217: {  	_ =	swait.ge [sflag:s11], $0x80  }
0x218: {  	[sflag:s11] =	ssyncset.done $0x0  }
0x219: {  	[sflag:s11] =	ssyncadd.s32 $0xFFFFFF80  }
0x21a: {  	[spmem:s2] =	stream.indirect.scatter.add.f32 [tilespmem:s6], [sflag:$0x4], $0x1, s21, s7, $0xb8;
	[tilespmem:$0x1700] =	vst v63  }
0x21b: {  	_ =	swait.ge [sflag:s8], $0x80  }
0x21c: {  	[sflag:s8] =	ssyncset.done $0x0  }
0x21d: {  	[sflag:s8] =	ssyncadd.s32 $0xFFFFFF80  }
0x21e: {  	[spmem:s2] =	stream.indirect.scatter.add.f32 [tilespmem:s6], [sflag:$0x1], $0x1, s20, s7, $0xb8;
	[tilespmem:$0x1700] =	vst v63  }
0x21f: {  	_ =	swait.ge [sflag:s9], $0x80  }
0x220: {  	[sflag:s9] =	ssyncset.done $0x0  }
0x221: {  	[sflag:s9] =	ssyncadd.s32 $0xFFFFFF80  }
0x222: {  	[spmem:s2] =	stream.indirect.scatter.add.f32 [tilespmem:s6], [sflag:$0x2], $0x1, s18, s7, $0xb8;
	[tilespmem:$0x1700] =	vst v63  }
0x223: {  	_ =	swait.ge [sflag:s10], $0x80  }
0x224: {  	[sflag:s10] =	ssyncset.done $0x0  }
0x225: {  	[sflag:s10] =	ssyncadd.s32 $0xFFFFFF80  }
0x226: {  	[spmem:s2] =	stream.indirect.scatter.add.f32 [tilespmem:s6], [sflag:$0x3], $0x1, s19, s7, $0xb8;
	[tilespmem:$0x1700] =	vst v63  }
0x227: {  	_ =	swait.ge [sflag:s11], $0x80  }
0x228: {  	[sflag:s11] =	ssyncset.done $0x0  }
0x229: {  	[sflag:s11] =	ssyncadd.s32 $0xFFFFFF80  }
0x22a: {  	[spmem:s2] =	stream.indirect.scatter.add.f32 [tilespmem:s6], [sflag:$0x4], $0x1, s17, s7, $0xb8;
	[tilespmem:$0x1700] =	vst v63  }
0x22b: {  	_ =	swait.ge [sflag:s8], $0x80  }
0x22c: {  	[sflag:s8] =	ssyncset.done $0x0  }
0x22d: {  	[sflag:s8] =	ssyncadd.s32 $0xFFFFFF80  }
0x22e: {  	[spmem:s2] =	stream.indirect.scatter.add.f32 [tilespmem:s6], [sflag:$0x1], $0x1, s16, s7, $0xb8;
	[tilespmem:$0x1700] =	vst v63  }
0x22f: {  	_ =	swait.ge [sflag:s9], $0x80  }
0x230: {  	[sflag:s9] =	ssyncset.done $0x0  }
0x231: {  	[sflag:s9] =	ssyncadd.s32 $0xFFFFFF80  }
0x232: {  	[spmem:s2] =	stream.indirect.scatter.add.f32 [tilespmem:s6], [sflag:$0x2], $0x1, s15, s7, $0xb8;
	[tilespmem:$0x1700] =	vst v63  }
0x233: {  	_ =	swait.ge [sflag:s10], $0x80  }
0x234: {  	[sflag:s10] =	ssyncset.done $0x0  }
0x235: {  	[sflag:s10] =	ssyncadd.s32 $0xFFFFFF80  }
0x236: {  	[spmem:s2] =	stream.indirect.scatter.add.f32 [tilespmem:s6], [sflag:$0x3], $0x1, s14, s7, $0xb8;
	[tilespmem:$0x1700] =	vst v63  }
0x237: {  	_ =	swait.ge [sflag:s11], $0x80  }
0x238: {  	[sflag:s11] =	ssyncset.done $0x0  }
0x239: {  	s30 =	simm.s32 $0x1380;
	[sflag:s11] =	ssyncadd.s32 $0xFFFFFF80  }
0x23a: {  	[spmem:s2] =	stream.indirect.scatter.add.f32 [tilespmem:s6], [sflag:$0x4], $0x1, s30, s7, $0xb8;
	[tilespmem:$0x1700] =	vst v63  }
0x23b: {  	_ =	swait.ge [sflag:s8], $0x80  }
0x23c: {  	[sflag:s8] =	ssyncset.done $0x0  }
0x23d: {  	[sflag:s8] =	ssyncadd.s32 $0xFFFFFF80  }
0x23e: {  	_ =	swait.ge [sflag:s9], $0x80  }
0x23f: {  	[sflag:s9] =	ssyncset.done $0x0  }
0x240: {  	[sflag:s9] =	ssyncadd.s32 $0xFFFFFF80  }
0x241: {  	_ =	swait.ge [sflag:s10], $0x80  }
0x242: {  	[sflag:s10] =	ssyncset.done $0x0  }
0x243: {  	[sflag:s10] =	ssyncadd.s32 $0xFFFFFF80  }
0x244: {  	_ =	swait.ge [sflag:s11], $0x80  }
0x245: {  	[sflag:s11] =	ssyncset.done $0x0  }
0x246: {  	[sflag:s11] =	ssyncadd.s32 $0xFFFFFF80  }
0x247: {  	[bflag:$0x0] =	sbarrier.arrive $0xFFFF  }
0x248: {  	s31 =	rddreg [dreg:$0x6]  }
0x249: {  	[hbm:s31], [sflag:s3] =	dma.local [spmem:s4], $0x50  }
0x24a: {  	_ =	swait.ge [sflag:s5], $0x50  }
0x24b: {  	[sflag:s5] =	ssyncset.done $0x0  }
0x24c: {  	[sflag:s5] =	ssyncadd.s32 $0xFFFFFFB0  }
0x24d: {  	_ =	sfence.sel $0x180000  }
0x24e: {  	[bflag:$0x0] =	sbarrier.arrive $0xFFFF  }
0x24f: {  	_ =	strace $0x90000047  }
0x250: {  	[bflag:$0x2] =	sbarrier.arrive $0xFFFF  }
0x251: {  	p0 =	sne.s32 s12, $0x0;
	s0 =	rddreg [dreg:$0x2]  }
0x252: {  	s0 =	sadd.s32 @!p0 $0x100000, s0  }
0x253: {  	[sflag:s0] =	ssyncadd.tile.s32 @!p0 $0x1;
	_ =	shalt  }
.LBB2_1:
0x254: {  	s13 =	simm.s32 $0xB00;
	s30 =	simm.s32 $0xB80;
	s29 =	simm.s32 $0xC00  }
.Ltmp3:
0x255: {  	s28 =	simm.s32 $0xC80;
	s26 =	simm.s32 $0xD00;
	(pc) =	sbr.rel .LBB2_6-.Ltmp3, $4  }
0x256: {  	s25 =	simm.s32 $0xD80;
	s24 =	simm.s32 $0xE00;
	s23 =	simm.s32 $0xE80  }
0x257: {  	s22 =	simm.s32 $0xF00;
	s21 =	simm.s32 $0xF80;
	s20 =	simm.s32 $0x1000  }
0x258: {  	s19 =	simm.s32 $0x1100;
	s18 =	simm.s32 $0x1080;
	s17 =	simm.s32 $0x1180  }
0x259: {  	s16 =	simm.s32 $0x1200;
	s15 =	simm.s32 $0x1280;
	s14 =	simm.s32 $0x1300  }
.LBB2_3:
0x25a: {  	s13 =	simm.s32 $0xB00  }
0x25b: {  	s30 =	simm.s32 $0xB80;
	s29 =	simm.s32 $0xC00;
	s28 =	simm.s32 $0xC80  }
.Ltmp4:
0x25c: {  	s26 =	simm.s32 $0xD00;
	s25 =	simm.s32 $0xD80;
	(pc) =	sbr.rel .LBB2_6-.Ltmp4, $4  }
0x25d: {  	s24 =	simm.s32 $0xE00;
	s23 =	simm.s32 $0xE80;
	s22 =	simm.s32 $0xF00  }
0x25e: {  	s21 =	simm.s32 $0xF80;
	s20 =	simm.s32 $0x1000;
	s19 =	simm.s32 $0x1100  }
0x25f: {  	s18 =	simm.s32 $0x1080;
	s17 =	simm.s32 $0x1180;
	s16 =	simm.s32 $0x1200  }
0x260: {  	s15 =	simm.s32 $0x1280;
	s14 =	simm.s32 $0x1300;
	s12 =	stileid.u32  }
.Lfunc_end2:
_tile_overlayer_lowered:
.L_overlay_start_2:
0x261: {  	(tag) =	ssettag $0x2  }
0x262: {  	s0 =	rddreg [dreg:$0x0];
	s2 =	stileid.u32  }
0x263: {  	s1 =	rddreg [dreg:$0x1];
	p0 =	sne.s32 s2, $0x0  }
0x264: {  	s3 =	rddreg [dreg:$0x2];
	[bflag:$0x3] =	sbarrier.arrive $0xFFFF;
	s2 =	simm.s32 @!p0 $0x1C05  }
0x265: {  	[timem:s3], [sflag:s2] =	dma.local @!p0 [hbm:s0], s1  }
0x266: {  	s0 =	simm.s32 @!p0 $0x5  }
0x267: {  	_ =	swait.ge @!p0 [sflag:s0], s1  }
0x268: {  	s1 =	ssub.s32 @!p0 $0x0, s1;
	[sflag:s0] =	ssyncset.done @!p0 $0x0  }
0x269: {  	[sflag:s0] =	ssyncadd.s32 @!p0 s1  }
0x26a: {  	[bflag:$0x3] =	sbarrier.arrive $0xFFFF  }
0x26b: {  	_ =	shalt  }

// kernel: kernel.9.cloned.1.call-start
scs
__scs_entry_jumppad:
0x0: {  	(pc) =	sbr.rel $0x88, $3  }
0x1: {  	(tag) =	ssettag $0x0;
	lr =	simm.s32 $0x1  }
0x2: {  	[smem:$0x3F9D] =	sst lr;
	_ =	strace $0xD0000000  }
0x3: {  	_ = 	snop  }
0x4: {  	_ = 	snop  }
0x5: {  	_ = 	snop  }
0x6: {  	_ = 	snop  }
0x7: {  	_ = 	snop  }
__scs_overlays_trampoline_lowered:
0x8: {  	[smem:$0x3FAC] =	sst s0  }
0x9: {  	[smem:$0x3FAD] =	sst s1  }
0xa: {  	[smem:$0x3FAE] =	sst s2  }
0xb: {  	[smem:$0x3FAF] =	sst s3  }
0xc: {  	[smem:$0x3FB0] =	sst s4  }
0xd: {  	[smem:$0x3FB1] =	sst s5  }
0xe: {  	[smem:$0x3FB2] =	sst s6  }
0xf: {  	[smem:$0x3FB3] =	sst s7  }
0x10: {  	[smem:$0x3FB4] =	sst s8  }
0x11: {  	[smem:$0x3FB5] =	sst s9;
	s0 =	simm.s32 @!p0 $0x0  }
0x12: {  	s1 =	sld [smem:$0x3F9B];
	s0 =	simm.s32 @p0 $0x1  }
0x13: {  	[smem:$0x3FB6] =	sst s0;
	s0 =	simm.s32 @!p1 $0x0  }
0x14: {  	s2 =	sld [smem:$0x3F9A];
	s0 =	simm.s32 @p1 $0x1  }
0x15: {  	[smem:$0x3FB7] =	sst s0;
	s0 =	simm.s32 @!p2 $0x0  }
0x16: {  	s3 =	sld [smem:$0x3FDB];
	s0 =	simm.s32 @p2 $0x1  }
0x17: {  	s4 =	simm.s32 $0x1BF5;
	[smem:$0x3FB9] =	sst s0  }
0x18: {  	s0 =	sld [smem:$0x3F9C];
	_ =	swait.ge [sflag:s4], $0x0  }
0x19: {  	s7 =	sld [smem:$0x3F9D]  }
0x1a: {  	s8 =	sadd.s32 $0xFFFFE003, lr  }
0x1b: {  	s9 =	sadd.s32 $0xFFFFFEF7, lr;
	s5 =	simm.s32 $0xFFFFFFFF;
	p2 =	slt.u32 s8, $0xFFFFF086  }
0x1c: {  	p1 =	slt.u32 s9, $0xF7A;
	s5 =	simm.s32 @!p2 $0x0  }
0x1d: {  	s5 =	simm.s32 @p1 $0x1;
	p0 =	seq.s32 s7, s2  }
0x1e: {  	s7 =	smul.u32 @!p0 $0xF7A, s2;
	p2 =	seq.s32 @!p0 s5, $0x0  }
0x1f: {  	s9 =	smul.u32 $0xF7A, s1;
	s8 =	simm.s32 @!p0 $0x1BF5;
	p2 =	por !p2, p0  }
0x20: {  	[sflag:s8] =	ssyncset.s32 @!p0 $0xFFFFF086;
	s6 =	sadd.s32 @!p0 s3, s7;
	s7 =	simm.s32 @!p0 $0x108  }
0x21: {  	s3 =	sadd.s32 s3, s9;
	s6 =	sadd.s32 @!p0 $0x88, s6;
	s7 =	simm.s32 @p2 $0x1082  }
0x22: {  	[simem:s7], [sflag:s8] =	dma.local @!p0 [hbm:s6], $0xF7A  }
0x23: {  	s9 =	sor.u32 $0xD0000000, s2;
	s6 =	simm.s32 $0x108;
	_ =	swait.ge @!p0 [sflag:s8], $0x0  }
0x24: {  	s3 =	sadd.s32 $0x88, s3;
	s6 =	simm.s32 @!p1 $0x1082;
	[sflag:s4] =	ssyncset.s32 $0xFFFFF086  }
0x25: {  	[simem:s6], [sflag:s4] =	dma.local [hbm:s3], $0xF7A  }
0x26: {  	[smem:$0x3F9D] =	sst s1;
	(tag) =	ssettag s2;
	_ =	strace s9  }
0x27: {  	s1 =	sld [smem:$0x3FAD]  }
0x28: {  	s2 =	sld [smem:$0x3FAE]  }
0x29: {  	s4 =	sld [smem:$0x3FB0]  }
0x2a: {  	p0 =	seq.s32 s5, $0x0;
	s5 =	sld [smem:$0x3FB1]  }
0x2b: {  	s6 =	sld [smem:$0x3FB2]  }
0x2c: {  	s7 =	sld [smem:$0x3FB3]  }
0x2d: {  	s3 =	simm.s32 $0x108;
	s8 =	sld [smem:$0x3FB4]  }
0x2e: {  	s3 =	simm.s32 @!p0 $0x1082;
	s9 =	sld [smem:$0x3FB5]  }
0x2f: {  	lr =	sadd.s32 s0, s3;
	s0 =	sld [smem:$0x3FAC]  }
0x30: {  	s3 =	sld [smem:$0x3FAF]  }
0x31: {  	[smem:$0x3FB8] =	sst s10  }
0x32: {  	s10 =	sld [smem:$0x3FB6];
	_ =	sdelay $0x3  }
0x33: {  	p0 =	seq.s32 s10, $0x1;
	s10 =	sld [smem:$0x3FB8];
	_ =	sdelay $0x3  }
0x34: {  	[smem:$0x3FB8] =	sst s10  }
0x35: {  	s10 =	sld [smem:$0x3FB7];
	_ =	sdelay $0x3  }
0x36: {  	p1 =	seq.s32 s10, $0x1;
	s10 =	sld [smem:$0x3FB8];
	_ =	sdelay $0x3  }
0x37: {  	[smem:$0x3FB8] =	sst s10  }
0x38: {  	s10 =	sld [smem:$0x3FB9]  }
0x39: {  	_ = 	snop;
	(pc) =	sbr.ind lr, $3  }
0x3a: {  	_ = 	snop  }
0x3b: {  	_ = 	snop  }
0x3c: {  	p2 =	seq.s32 s10, $0x1;
	s10 =	sld [smem:$0x3FB8]  }
0x3d: {  	_ =	shalt  }
0x3e: {  	_ =	shalt  }
0x3f: {  	_ =	shalt  }
0x40: {  	_ =	shalt  }
0x41: {  	_ =	shalt  }
0x42: {  	_ =	shalt  }
0x43: {  	_ =	shalt  }
0x44: {  	_ =	shalt  }
0x45: {  	_ =	shalt  }
0x46: {  	_ =	shalt  }
0x47: {  	_ =	shalt  }
0x48: {  	_ =	shalt  }
0x49: {  	_ =	shalt  }
0x4a: {  	_ =	shalt  }
0x4b: {  	_ =	shalt  }
0x4c: {  	_ =	shalt  }
0x4d: {  	_ =	shalt  }
0x4e: {  	_ =	shalt  }
0x4f: {  	_ =	shalt  }
0x50: {  	_ =	shalt  }
0x51: {  	_ =	shalt  }
0x52: {  	_ =	shalt  }
0x53: {  	_ =	shalt  }
0x54: {  	_ =	shalt  }
0x55: {  	_ =	shalt  }
0x56: {  	_ =	shalt  }
0x57: {  	_ =	shalt  }
0x58: {  	_ =	shalt  }
0x59: {  	_ =	shalt  }
0x5a: {  	_ =	shalt  }
0x5b: {  	_ =	shalt  }
0x5c: {  	_ =	shalt  }
0x5d: {  	_ =	shalt  }
0x5e: {  	_ =	shalt  }
0x5f: {  	_ =	shalt  }
0x60: {  	_ =	shalt  }
0x61: {  	_ =	shalt  }
0x62: {  	_ =	shalt  }
0x63: {  	_ =	shalt  }
0x64: {  	_ =	shalt  }
0x65: {  	_ =	shalt  }
0x66: {  	_ =	shalt  }
0x67: {  	_ =	shalt  }
0x68: {  	_ =	shalt  }
0x69: {  	_ =	shalt  }
0x6a: {  	_ =	shalt  }
0x6b: {  	_ =	shalt  }
0x6c: {  	_ =	shalt  }
0x6d: {  	_ =	shalt  }
0x6e: {  	_ =	shalt  }
0x6f: {  	_ =	shalt  }
0x70: {  	_ =	shalt  }
0x71: {  	_ =	shalt  }
0x72: {  	_ =	shalt  }
0x73: {  	_ =	shalt  }
0x74: {  	_ =	shalt  }
0x75: {  	_ =	shalt  }
0x76: {  	_ =	shalt  }
0x77: {  	_ =	shalt  }
0x78: {  	_ =	shalt  }
0x79: {  	_ =	shalt  }
0x7a: {  	_ =	shalt  }
0x7b: {  	_ =	shalt  }
0x7c: {  	_ =	shalt  }
0x7d: {  	_ =	shalt  }
0x7e: {  	_ =	shalt  }
0x7f: {  	_ =	shalt  }
0x80: {  	_ =	shalt  }
0x81: {  	_ =	shalt  }
0x82: {  	_ =	shalt  }
0x83: {  	_ =	shalt  }
0x84: {  	_ =	shalt  }
0x85: {  	_ =	shalt  }
0x86: {  	_ =	shalt  }
0x87: {  	_ =	shalt  }
.Lfunc_end0:
.L_simem_size_0:
called_computation.1_lowered:
.L_overlay_start_0:
0x88: {  	s2 =	sld [smem:$0x3FD9]  }
0x89: {  	s3 =	sld [smem:$0x3FFE];
	_ =	sdelay $0x1  }
0x8a: {  	s1 =	srdreg.scid  }
0x8b: {  	s0 =	sand.u32 $0x1, s1  }
0x8c: {  	s17 =	sshll.u32 s0, $0xA;
	s2 =	sadd.s32 s3, s2  }
0x8d: {  	s2 =	sadd.s32 s2, s17  }
0x8e: {  	[smem:$0x3FC4] =	sst s2  }
0x8f: {  	_ = 	snop  }
0x90: {  	s2 =	sld [smem:$0x3FD0];
	(tm) =	ssettm $0x1  }
0x91: {  	s18 =	sld [smem:$0x3FFB];
	_ =	sdelay $0x3  }
0x92: {  	_ =	strace s18  }
0x93: {  	s3 =	sld [smem:$0x3FFC];
	_ =	sdelay $0x3  }
0x94: {  	_ =	strace s3  }
0x95: {  	s3 =	sld [smem:$0x3FFD];
	_ =	sdelay $0x3  }
0x96: {  	_ =	strace s3  }
0x97: {  	_ =	strace $0x8FFFFFFF  }
0x98: {  	s19 =	sld [smem:$0x3FDB];
	_ =	sdelay $0x1  }
0x99: {  	s4 =	simm.s32 $_scs_section_size  }
0x9a: {  	s5 =	simm.s32 $_size__tile_overlayer_lowered;
	s6 =	simm.s32 $_tile_overlayer_lowered  }
0x9b: {  	s22 =	simm.s32 $0x1BFF;
	s21 =	sshll.u32 s6, $0x1;
	s3 =	sadd.s32 s4, s19  }
0x9c: {  	s7 =	simm.s32 $0x0;
	s20 =	sshll.u32 s5, $0x1;
	s5 =	sadd.s32 s21, s3  }
0x9d: {  	[timem:s7], [sflag:s22] =	dma.local [hbm:s5], s20  }
0x9e: {  	_ =	swait.ge [sflag:s22], s20  }
0x9f: {  	s4 =	ssub.s32 $0x0, s20;
	[sflag:s22] =	ssyncset.done $0x0  }
0xa0: {  	[sflag:s22] =	ssyncadd.s32 s4;
	_ =	sdelay $0x1  }
0xa1: {  	s23 =	simm.s32 $0x1B8B  }
0xa2: {  	_ =	swait.ge [sflag:s23], $0x1  }
0xa3: {  	[sflag:s23] =	ssyncset.done $0x0  }
0xa4: {  	s25 =	simm.s32 $0x1B8E;
	s24 =	sld [smem:$0x3FFE];
	[sflag:s23] =	ssyncadd.s32 $0xFFFFFFFF  }
0xa5: {  	s26 =	simm.s32 $execute0_lowered;
	[smem:$0x3FD2] =	sst s25  }
0xa6: {  	s5 =	sshll.u32 s26, $0x1;
	_ =	strace $0x80000049;
	[dreg:$0x1] =	wrdreg $0xFFFFFFFF  }
0xa7: {  	s28 =	simm.s32 $_size_execute0_lowered;
	s3 =	sadd.s32 s3, s5;
	[dreg:$0x0] =	wrdreg $0x0  }
0xa8: {  	s5 =	sshll.u32 s28, $0x1;
	[dreg:$0x2] =	wrdreg s3  }
0xa9: {  	[dreg:$0x3] =	wrdreg s5  }
0xaa: {  	[dreg:$0x4] =	wrdreg $0xC0  }
0xab: {  	_ =	task [dreg:s7], $0x5FFFF  }
0xac: {  	[dreg:$0x1] =	wrdreg $0xFFFFFFFF  }
0xad: {  	[dreg:$0x0] =	wrdreg $0x60  }
0xae: {  	[dreg:$0x2] =	wrdreg s24  }
0xaf: {  	[dreg:$0x3] =	wrdreg s2  }
0xb0: {  	[dreg:$0x4] =	wrdreg $0xA8000  }
0xb1: {  	[dreg:$0x5] =	wrdreg $0x9  }
0xb2: {  	_ =	task.clear_ibuf [dreg:s7], $0x6FFFF;
	_ =	strace $0x90000049  }
0xb3: {  	s29 =	simm.s32 $0x9;
	_ =	strace $0x8000004B  }
0xb4: {  	_ =	swait.ge [sflag:s29], $0x1  }
0xb5: {  	[sflag:s29] =	ssyncadd.s32 $0xFFFFFFFF  }
0xb6: {  	_ =	strace $0x9000004B  }
0xb7: {  	_ =	sfence  }
0xb8: {  	s30 =	sld [smem:$0x0];
	_ =	sdelay $0x2  }
0xb9: {  	s31 =	sshll.u32 s1, $0xD;
	s1 =	sshrl.u32 s1, $0x2  }
0xba: {  	s3 =	sand.u32 $0x4000, s31;
	s1 =	sadd.s32 s1, s30  }
0xbb: {  	s0 =	sor.u32 s3, s0;
	s1 =	sshll.u32 s1, $0x11  }
0xbc: {  	s0 =	sor.u32 s1, s0  }
0xbd: {  	s0 =	sadd.s32 $0x8F2B, s0  }
0xbe: {  	[sflag:s0] =	ssyncadd.remote.s32 $0x1  }
0xbf: {  	_ =	sfence.sel $0xFFFF  }
0xc0: {  	[dreg:$0x0] =	wrdreg $0xFFFFFFFF;
	(pc) =	sbr.abs _section_cstart, $3  }
0xc1: {  	[dreg:$0x1] =	wrdreg $0xFFFFFFFF  }
0xc2: {  	_ =	task.clear_ibuf [dreg:s7], $0x2FFFF;
	_ =	strace $0x9FFFFFFF  }
0xc3: {  	(tm) =	ssettm $0x7FFFFFFF  }
tec
execute0_lowered:
.L_overlay_start_1:
0x0: {  	(tag) =	ssettag $0x1  }
0x1: {  	s0 =	rddreg [dreg:$0x0]  }
0x2: {  	s10 =	rddreg [dreg:$0x1]  }
0x3: {  	s2 =	rddreg [dreg:$0x2];
	s1 =	srdreg.scid  }
0x4: {  	s4 =	simm.s32 $0x0;
	s11 =	stileid.u32;
	s30 =	simm.s32 $0x800  }
0x5: {  	s29 =	simm.s32 $0x5800;
	s28 =	simm.s32 $0xA;
	s6 =	smul.u32 $0x280, s11  }
0x6: {  	s31 =	simm.s32 $0x15;
	s1 =	sand.u32 $0x1, s1;
	s13 =	smul.u32 $0x2710, s11  }
0x7: {  	[smem:$0x7FF] =	sst s4;
	s5 =	sadd.s32 $0x6600, s0;
	s9 =	smul.u32 $0x50000, s11  }
0x8: {  	s12 =	sadd.s32 $0x1600, s0;
	s23 =	sshll.u32 s11, $0x6;
	s25 =	smul.u32 $0x4E2, s11  }
0x9: {  	s3 =	smul.u32 $0x2800, s1;
	s7 =	sshll.u32 s1, $0x4;
	_ =	strace $0x8000004A  }
0xa: {  	s16 =	ssub.s32 $0x2, s1;
	s1 =	smul.u32 $0x27100, s1;
	[dreg:$0x4] =	wrdreg s12  }
0xb: {  	s7 =	sor.u32 s11, s7;
	s17 =	sshrl.u32 s16, $0x1;
	s18 =	sshrl.u32 s13, $0x3  }
0xc: {  	s21 =	sshrl.u32 s9, $0x2;
	[dreg:$0x6] =	wrdreg s13;
	s3 =	sadd.s32 s6, s3  }
0xd: {  	s8 =	smul.u32 $0x2710, s7;
	s6 =	ssub.s32 s16, s17;
	s7 =	sadd.s32 s21, s2  }
0xe: {  	s1 =	sadd.s32 s13, s1;
	s3 =	sshll.u32 s3, $0x4;
	[dreg:$0xc] =	wrdreg s7  }
0xf: {  	s7 =	sor.u32 $0x1C19, s23;
	s6 =	smax.u32 s6, $0x1;
	[dreg:$0x5] =	wrdreg s8  }
0x10: {  	s24 =	sadd.s32 $0x410, s1;
	s17 =	sadd.s32 $0x280, s1;
	[dreg:$0x10] =	wrdreg s6  }
0x11: {  	s26 =	sadd.s32 $0x3C0, s1;
	s11 =	sadd.s32 $0x370, s1;
	[dreg:$0x16] =	wrdreg s17  }
0x12: {  	s0 =	sadd.s32 s3, s0;
	s3 =	sadd.s32 s5, s3;
	[dreg:$0xe] =	wrdreg s7  }
0x13: {  	s8 =	sshrl.u32 s8, $0x3;
	[dreg:$0xd] =	wrdreg s3;
	s0 =	sadd.s32 $0x56600, s0  }
0x14: {  	s13 =	sadd.s32 $0x2D0, s1;
	s14 =	sadd.s32 s10, s8;
	[dreg:$0xf] =	wrdreg s0  }
0x15: {  	s9 =	sshrl.u32 s26, $0x3;
	s8 =	sadd.s32 s12, s18;
	[dreg:$0x7] =	wrdreg s14  }
0x16: {  	s16 =	sshrl.u32 s13, $0x3;
	s19 =	sadd.s32 $0xA, s14;
	[dreg:$0x8] =	wrdreg s8  }
0x17: {  	s13 =	simm.s32 $0x13;
	s20 =	sadd.s32 $0xA, s8;
	[dreg:$0x9] =	wrdreg s19  }
0x18: {  	s17 =	simm.s32 $0x14;
	s22 =	sadd.s32 $0x14, s14;
	[dreg:$0xa] =	wrdreg s20  }
0x19: {  	s6 =	simm.s32 $0x0;
	s18 =	sadd.s32 $0x14, s8;
	[dreg:$0xb] =	wrdreg s22  }
0x1a: {  	s0 =	sshrl.u32 s24, $0x3;
	s21 =	sadd.s32 $0x1E, s8;
	[dreg:$0x17] =	wrdreg s18  }
0x1b: {  	s24 =	smov.u32 s10;
	s23 =	sadd.s32 $0x28, s8;
	[dreg:$0x19] =	wrdreg s21  }
0x1c: {  	s26 =	sadd.s32 $0x32, s8;
	s0 =	sadd.s32 s0, s10;
	[dreg:$0x1b] =	wrdreg s23  }
0x1d: {  	s20 =	sadd.s32 s25, s12;
	s12 =	sadd.s32 $0x320, s1;
	[dreg:$0x1d] =	wrdreg s26  }
0x1e: {  	s19 =	sadd.s32 $0x1E, s14;
	s22 =	sadd.s32 $0x28, s14;
	[dreg:$0x11] =	wrdreg s0  }
0x1f: {  	s25 =	sadd.s32 $0x32, s14;
	s21 =	simm.s32 $0x4;
	[dreg:$0x18] =	wrdreg s19  }
0x20: {  	s14 =	simm.s32 $0xB;
	s18 =	simm.s32 $0xC;
	[dreg:$0x1a] =	wrdreg s22  }
0x21: {  	s0 =	sadd.s32 s9, s10;
	s3 =	sshrl.u32 s12, $0x3;
	[dreg:$0x1c] =	wrdreg s25  }
0x22: {  	s12 =	simm.s32 $0x19;
	s25 =	simm.s32 $0x50;
	s9 =	simm.s32 $0x9  }
.Ltmp0:
0x23: {  	[dreg:$0x12] =	wrdreg s0;
	s0 =	sshrl.u32 s11, $0x3;
	(pc) =	sbr.rel .LBB2_1-.Ltmp0, $4  }
0x24: {  	s15 =	sadd.s32 s3, s10;
	s3 =	simm.s32 $0x11;
	s11 =	simm.s32 $0x8000  }
0x25: {  	s0 =	sadd.s32 s0, s10;
	[dreg:$0x14] =	wrdreg s15;
	s15 =	simm.s32 $0x5  }
0x26: {  	[dreg:$0x13] =	wrdreg s0;
	s0 =	sadd.s32 s16, s10;
	s16 =	simm.s32 $0x3  }
0x27: {  	s10 =	simm.s32 $0x12;
	[dreg:$0x15] =	wrdreg s0;
	s0 =	simm.s32 $0x16  }
.LBB2_10:
0x28: {  	s1 =	simm.s32 $0x18  }
0x29: {  	_ =	swait.ge [sflag:s1], $0x2800  }
0x2a: {  	[sflag:s1] =	ssyncset.done $0x0  }
0x2b: {  	[sflag:s1] =	ssyncadd.s32 $0xFFFFD800  }
0x2c: {  	_ =	swait.ge [sflag:s31], $0x2800  }
0x2d: {  	[sflag:s31] =	ssyncset.done $0x0  }
0x2e: {  	[sflag:s31] =	ssyncadd.s32 $0xFFFFD800  }
0x2f: {  	[bflag:$0x0] =	sbarrier.arrive $0xFFFF  }
0x30: {  	s7 =	rddreg [dreg:$0xe]  }
0x31: {  	s22 =	rddreg [dreg:$0xf]  }
0x32: {  	s12 =	simm.s32 $0x19;
	s6 =	rddreg [dreg:$0x1f]  }
0x33: {  	[hbm:s22], [sflag:s7] =	dma.local [spmem:s6], $0x2800  }
0x34: {  	_ =	swait.ge [sflag:s12], $0x2800  }
0x35: {  	s23 =	rddreg [dreg:$0x1e]  }
0x36: {  	s26 =	rddreg [dreg:$0x10];
	s6 =	sadd.s32 $0x1, s23  }
0x37: {  	p0 =	sne.s32 s6, s26  }
.Ltmp1:
0x38: {  	_ = 	snop;
	(pc) =	sbr.rel @!p0 .LBB2_11-.Ltmp1, $3  }
0x39: {  	_ =	sdelay $0x1  }
0x3a: {  	[sflag:s12] =	ssyncset.done $0x0  }
0x3b: {  	[sflag:s12] =	ssyncadd.s32 $0xFFFFD800  }
.LBB2_1:
0x3c: {  	[dreg:$0x1e] =	wrdreg s6  }
0x3d: {  	s1 =	rddreg [dreg:$0x7]  }
0x3e: {  	s19 =	rddreg [dreg:$0x8]  }
0x3f: {  	s23 =	rddreg [dreg:$0x9]  }
0x40: {  	[tilespmem:s4], [sflag:$0x1] =	stream.linear.gather [hbm4b:s1+s4], $0x50, $0x38;
	[tilespmem:$0x1E800] =	vst v63  }
0x41: {  	s22 =	simm.s32 $0x400;
	s26 =	rddreg [dreg:$0xa]  }
0x42: {  	[tilespmem:s22], [sflag:$0x9] =	stream.linear.gather [hbm4b:s19+s4], $0x50, $0x38;
	[tilespmem:$0x1E800] =	vst v63  }
0x43: {  	s6 =	simm.s32 $0x80;
	s19 =	rddreg [dreg:$0xb]  }
0x44: {  	[tilespmem:s6], [sflag:$0x2] =	stream.linear.gather [hbm4b:s23+s4], $0x50, $0x38;
	[tilespmem:$0x1E800] =	vst v63  }
0x45: {  	s8 =	simm.s32 $0x480;
	s23 =	rddreg [dreg:$0x17]  }
0x46: {  	[tilespmem:s8], [sflag:$0xA] =	stream.linear.gather [hbm4b:s26+s4], $0x50, $0x38;
	[tilespmem:$0x1E800] =	vst v63  }
0x47: {  	s22 =	simm.s32 $0x100;
	s8 =	rddreg [dreg:$0x1c]  }
0x48: {  	[tilespmem:s22], [sflag:$0x3] =	stream.linear.gather [hbm4b:s19+s4], $0x50, $0x38;
	[tilespmem:$0x1E800] =	vst v63  }
0x49: {  	s26 =	simm.s32 $0x500;
	s19 =	rddreg [dreg:$0x18]  }
0x4a: {  	[tilespmem:s26], [sflag:$0xB] =	stream.linear.gather [hbm4b:s23+s4], $0x50, $0x38;
	[tilespmem:$0x1E800] =	vst v63  }
0x4b: {  	s22 =	simm.s32 $0x180;
	s23 =	rddreg [dreg:$0x19]  }
0x4c: {  	[tilespmem:s22], [sflag:$0x4] =	stream.linear.gather [hbm4b:s19+s4], $0x50, $0x38;
	[tilespmem:$0x1E800] =	vst v63  }
0x4d: {  	s26 =	simm.s32 $0x580;
	s19 =	rddreg [dreg:$0x1a]  }
0x4e: {  	[tilespmem:s26], [sflag:$0xC] =	stream.linear.gather [hbm4b:s23+s4], $0x50, $0x38;
	[tilespmem:$0x1E800] =	vst v63  }
0x4f: {  	s22 =	simm.s32 $0x200;
	s23 =	rddreg [dreg:$0x1b]  }
0x50: {  	[tilespmem:s22], [sflag:$0x5] =	stream.linear.gather [hbm4b:s19+s4], $0x50, $0x38;
	[tilespmem:$0x1E800] =	vst v63  }
0x51: {  	s26 =	simm.s32 $0x600;
	s22 =	rddreg [dreg:$0x1d]  }
0x52: {  	[tilespmem:s26], [sflag:$0xD] =	stream.linear.gather [hbm4b:s23+s4], $0x50, $0x38;
	[tilespmem:$0x1E800] =	vst v63  }
0x53: {  	s19 =	simm.s32 $0x280;
	s26 =	rddreg [dreg:$0xc]  }
0x54: {  	[tilespmem:s19], [sflag:$0x6] =	stream.linear.gather [hbm4b:s8+s4], $0x50, $0x38;
	[tilespmem:$0x1E800] =	vst v63  }
0x55: {  	s1 =	sshrl.u32 s26, $0x3;
	s19 =	rddreg [dreg:$0xd]  }
0x56: {  	s23 =	simm.s32 $0x680;
	[dreg:$0x1f] =	wrdreg s1  }
0x57: {  	[tilespmem:s23], [sflag:$0xE] =	stream.linear.gather [hbm4b:s22+s4], $0x50, $0x38;
	[tilespmem:$0x1E800] =	vst v63  }
0x58: {  	[spmem:s1], [sflag:s7] =	dma.local [hbm:s19], $0x2800  }
0x59: {  	_ =	swait.ge [sflag:s12], $0x2800  }
0x5a: {  	[sflag:s12] =	ssyncset.done $0x0  }
0x5b: {  	[sflag:s12] =	ssyncadd.s32 $0xFFFFD800  }
0x5c: {  	s22 =	simm.s32 $0x1;
	[bflag:$0x0] =	sbarrier.arrive $0xFFFF  }
0x5d: {  	_ =	swait.ge [sflag:s22], $0x50  }
0x5e: {  	[sflag:s22] =	ssyncset.done $0x0  }
0x5f: {  	s23 =	simm.s32 $0x2;
	[sflag:s22] =	ssyncadd.s32 $0xFFFFFFB0  }
0x60: {  	[tilespmem:s30], [sflag:$0x11] =	stream.indirect.gather [hbm4b:s5+s25], $0x80, s4, s25, $0xb8;
	[tilespmem:$0x1E800] =	vst v63  }
.Ltmp2:
0x61: {  	_ =	swait.ge [sflag:s23], $0x50;
	(pc) =	sbr.rel .LBB2_2-.Ltmp2, $4  }
0x62: {  	[sflag:s23] =	ssyncset.done $0x0  }
0x63: {  	s26 =	simm.s32 $0x3000;
	s1 =	simm.s32 $0x0;
	[sflag:s23] =	ssyncadd.s32 $0xFFFFFFB0  }
0x64: {  	[tilespmem:s26], [sflag:$0x12] =	stream.indirect.gather [hbm4b:s5+s25], $0x80, s6, s25, $0xb8;
	[tilespmem:$0x1E800] =	vst v63  }
0x65: {  	s12 =	simm.s32 $0x7;
	s26 =	rddreg [dreg:$0x16];
	s6 =	simm.s32 $0x0  }
.LBB2_9:
0x66: {  	s22 =	simm.s32 @!p2 $0x14  }
0x67: {  	_ =	swait.ge @!p2 [sflag:s22], $0x2800  }
0x68: {  	[sflag:s22] =	ssyncset.done @!p2 $0x0  }
0x69: {  	[sflag:s22] =	ssyncadd.s32 @!p2 $0xFFFFD800;
	s22 =	simm.s32 @!p2 $0x10  }
0x6a: {  	_ =	swait.ge @!p2 [sflag:s22], $0x50  }
0x6b: {  	[sflag:s22] =	ssyncset.done @!p2 $0x0  }
0x6c: {  	[sflag:s22] =	ssyncadd.s32 @!p2 $0xFFFFFFB0;
	s22 =	simm.s32 @!p2 $0x780  }
0x6d: {  	[spmem:s2] =	stream.indirect.scatter.add.f32 @!p2 [tilespmem:s19], [sflag:$0x18], $0x80, s22, s7, $0xb8;
	[tilespmem:$0x1E800] =	vst v63  }
0x6e: {  	s19 =	simm.s32 @!p2 $0x16  }
0x6f: {  	_ =	swait.ge @!p2 [sflag:s19], $0x2800  }
0x70: {  	p0 =	seq.s32 @!p2 s1, $0x460;
	[sflag:s19] =	ssyncset.done @!p2 $0x0  }
0x71: {  	p0 =	por p0, p2;
	[sflag:s19] =	ssyncadd.s32 @!p2 $0xFFFFD800;
	s19 =	rddreg [dreg:$0x11]  }
0x72: {  	s23 =	simm.s32 @!p0 $0x280;
	s22 =	simm.s32 @!p0 $0x0;
	s19 =	sadd.s32 @!p0 s1, s19  }
0x73: {  	[tilespmem:s23], [sflag:$0x6] =	stream.linear.gather @!p0 [hbm4b:s19+s22], $0x50, $0x38;
	[tilespmem:$0x1E800] =	vst v63  }
0x74: {  	s19 =	sadd.s32 @!p0 s1, s20  }
0x75: {  	s23 =	simm.s32 @!p0 $0x680;
	s1 =	sadd.s32 $0x50, s1;
	s19 =	sadd.s32 @!p0 $0x82, s19  }
0x76: {  	[tilespmem:s23], [sflag:$0xE] =	stream.linear.gather @!p0 [hbm4b:s19+s22], $0x50, $0x38;
	[tilespmem:$0x1E800] =	vst v63  }
0x77: {  	p0 =	sne.s32 s1, $0x500  }
.Ltmp3:
0x78: {  	s19 =	simm.s32 @!p2 $0x2;
	(pc) =	sbr.rel @!p0 .LBB2_10-.Ltmp3, $4  }
0x79: {  	_ =	swait.ge @!p2 [sflag:s19], $0x50  }
0x7a: {  	s6 =	sadd.s32 $0x1, s6;
	s26 =	sadd.s32 $0x280, s26;
	[sflag:s19] =	ssyncset.done @!p2 $0x0  }
0x7b: {  	s12 =	sadd.s32 $0x8, s12;
	[sflag:s19] =	ssyncadd.s32 @!p2 $0xFFFFFFB0;
	s19 =	simm.s32 @!p2 $0x80  }
0x7c: {  	[tilespmem:s8], [sflag:$0x12] =	stream.indirect.gather @!p2 [hbm4b:s5+s7], $0x80, s19, s7, $0xb8;
	[tilespmem:$0x1E800] =	vst v63  }
.LBB2_2:
0x7d: {  	_ =	swait.ge [sflag:s3], $0x2800  }
0x7e: {  	[sflag:s3] =	ssyncset.done $0x0  }
0x7f: {  	[sflag:s3] =	ssyncadd.s32 $0xFFFFD800  }
0x80: {  	_ =	swait.ge [sflag:s9], $0x50  }
0x81: {  	[sflag:s9] =	ssyncset.done $0x0  }
0x82: {  	s7 =	simm.s32 $0x400;
	p1 =	seq.s32 s1, $0x0;
	[sflag:s9] =	ssyncadd.s32 $0xFFFFFFB0  }
0x83: {  	[spmem:s2] =	stream.indirect.scatter.add.f32 [tilespmem:s30], [sflag:$0x15], $0x80, s7, s25, $0xb8;
	[tilespmem:$0x1E800] =	vst v63  }
0x84: {  	s7 =	sadd.s32 @!p1 $0xFFFFFFFF, s12  }
0x85: {  	p0 =	sgt.u32 @!p1 s7, $0x7C  }
0x86: {  	p2 =	por p1, !p0  }
.Ltmp4:
0x87: {  	_ = 	snop;
	(pc) =	sbr.rel @!p2 .LBB2_4-.Ltmp4, $4  }
0x88: {  	s8 =	simm.s32 @!p1 $0x17  }
0x89: {  	_ =	swait.ge @!p1 [sflag:s8], $0x2800  }
0x8a: {  	[sflag:s8] =	ssyncset.done @!p1 $0x0  }
0x8b: {  	p0 =	por @!p1 $0x0, $0x0;
	[sflag:s8] =	ssyncadd.s32 @!p1 $0xFFFFD800  }
0x8c: {  	s7 =	simm.s32 @p1 $0x6  }
0x8d: {  	s7 =	smul.u32 $0x50, s7  }
0x8e: {  	s8 =	rddreg [dreg:$0x5]  }
0x8f: {  	s8 =	sadd.s32 s8, s7  }
0x90: {  	s8 =	sshrl.u32 s8, $0x3  }
0x91: {  	s19 =	simm.s32 $0x300;
	s8 =	sadd.s32 s24, s8  }
0x92: {  	[tilespmem:s19], [sflag:$0x7] =	stream.linear.gather [hbm4b:s8+s4], $0x50, $0x38;
	[tilespmem:$0x1E800] =	vst v63  }
0x93: {  	s19 =	rddreg [dreg:$0x6]  }
0x94: {  	s7 =	sadd.s32 s19, s7  }
0x95: {  	s22 =	rddreg [dreg:$0x4];
	s7 =	sshrl.u32 s7, $0x3  }
0x96: {  	s23 =	simm.s32 $0x700;
	p0 =	por $0x1, $0x1;
	s7 =	sadd.s32 s22, s7  }
0x97: {  	[tilespmem:s23], [sflag:$0xF] =	stream.linear.gather [hbm4b:s7+s4], $0x50, $0x38;
	[tilespmem:$0x1E800] =	vst v63  }
.LBB2_4:
0x98: {  	_ =	swait.ge [sflag:s16], $0x50  }
0x99: {  	[sflag:s16] =	ssyncset.done $0x0  }
0x9a: {  	s7 =	simm.s32 $0x100;
	[sflag:s16] =	ssyncadd.s32 $0xFFFFFFB0  }
0x9b: {  	[tilespmem:s29], [sflag:$0x13] =	stream.indirect.gather [hbm4b:s5+s25], $0x80, s7, s25, $0xb8;
	[tilespmem:$0x1E800] =	vst v63  }
0x9c: {  	_ =	swait.ge [sflag:s10], $0x2800  }
0x9d: {  	[sflag:s10] =	ssyncset.done $0x0  }
0x9e: {  	[sflag:s10] =	ssyncadd.s32 $0xFFFFD800  }
0x9f: {  	s23 =	simm.s32 $0x480;
	p2 =	sgt.u32 @!p1 s12, $0x7C;
	_ =	swait.ge [sflag:s28], $0x50  }
0xa0: {  	s8 =	simm.s32 $0x3000;
	p2 =	por p1, !p2;
	[sflag:s28] =	ssyncset.done $0x0  }
.Ltmp5:
0xa1: {  	s7 =	simm.s32 @!p1 $0x18;
	[sflag:s28] =	ssyncadd.s32 $0xFFFFFFB0;
	(pc) =	sbr.rel @!p2 .LBB2_6-.Ltmp5, $4  }
0xa2: {  	[spmem:s2] =	stream.indirect.scatter.add.f32 [tilespmem:s8], [sflag:$0x16], $0x80, s23, s25, $0xb8;
	[tilespmem:$0x1E800] =	vst v63  }
0xa3: {  	_ =	swait.ge @!p1 [sflag:s7], $0x2800  }
0xa4: {  	[sflag:s7] =	ssyncset.done @!p1 $0x0  }
0xa5: {  	[sflag:s7] =	ssyncadd.s32 @!p1 $0xFFFFD800  }
0xa6: {  	s7 =	smov.u32 s12  }
0xa7: {  	s7 =	simm.s32 @p1 $0x7  }
0xa8: {  	s7 =	smul.u32 $0x50, s7  }
0xa9: {  	s8 =	rddreg [dreg:$0x5]  }
0xaa: {  	s8 =	sadd.s32 s8, s7  }
0xab: {  	s8 =	sshrl.u32 s8, $0x3  }
0xac: {  	s19 =	simm.s32 $0x380;
	s8 =	sadd.s32 s24, s8  }
0xad: {  	[tilespmem:s19], [sflag:$0x8] =	stream.linear.gather [hbm4b:s8+s4], $0x50, $0x38;
	[tilespmem:$0x1E800] =	vst v63  }
0xae: {  	s19 =	rddreg [dreg:$0x6]  }
0xaf: {  	s7 =	sadd.s32 s19, s7  }
0xb0: {  	s22 =	rddreg [dreg:$0x4];
	s7 =	sshrl.u32 s7, $0x3  }
0xb1: {  	s23 =	simm.s32 $0x780;
	s7 =	sadd.s32 s22, s7  }
0xb2: {  	[tilespmem:s23], [sflag:$0x10] =	stream.linear.gather [hbm4b:s7+s4], $0x50, $0x38;
	[tilespmem:$0x1E800] =	vst v63  }
.LBB2_6:
0xb3: {  	_ =	swait.ge [sflag:s21], $0x50  }
0xb4: {  	[sflag:s21] =	ssyncset.done $0x0  }
0xb5: {  	s7 =	simm.s32 $0x180;
	[sflag:s21] =	ssyncadd.s32 $0xFFFFFFB0  }
0xb6: {  	[tilespmem:s11], [sflag:$0x14] =	stream.indirect.gather [hbm4b:s5+s25], $0x80, s7, s25, $0xb8;
	[tilespmem:$0x1E800] =	vst v63  }
0xb7: {  	_ =	swait.ge [sflag:s13], $0x2800  }
0xb8: {  	[sflag:s13] =	ssyncset.done $0x0  }
0xb9: {  	[sflag:s13] =	ssyncadd.s32 $0xFFFFD800  }
0xba: {  	_ =	swait.ge [sflag:s14], $0x50  }
0xbb: {  	[sflag:s14] =	ssyncset.done $0x0  }
0xbc: {  	s19 =	simm.s32 $0x500;
	[sflag:s14] =	ssyncadd.s32 $0xFFFFFFB0  }
0xbd: {  	[spmem:s2] =	stream.indirect.scatter.add.f32 [tilespmem:s29], [sflag:$0x17], $0x80, s19, s25, $0xb8;
	[tilespmem:$0x1E800] =	vst v63  }
0xbe: {  	p1 =	seq.s32 s1, $0x4B0;
	_ =	swait.ge [sflag:s31], $0x2800  }
0xbf: {  	s7 =	sshrl.u32 @!p1 s26, $0x3;
	[sflag:s31] =	ssyncset.done $0x0  }
0xc0: {  	s8 =	sadd.s32 @!p1 s24, s7;
	s7 =	simm.s32 @!p1 $0x0;
	[sflag:s31] =	ssyncadd.s32 $0xFFFFD800  }
0xc1: {  	[tilespmem:s7], [sflag:$0x1] =	stream.linear.gather @!p1 [hbm4b:s8+s7], $0x50, $0x38;
	[tilespmem:$0x1E800] =	vst v63  }
0xc2: {  	s8 =	sadd.s32 @!p1 s1, s20  }
0xc3: {  	s22 =	simm.s32 @!p1 $0x400;
	s19 =	sadd.s32 @!p1 $0x50, s8  }
0xc4: {  	[tilespmem:s22], [sflag:$0x9] =	stream.linear.gather @!p1 [hbm4b:s19+s7], $0x50, $0x38;
	[tilespmem:$0x1E800] =	vst v63  }
0xc5: {  	_ =	swait.ge [sflag:s15], $0x50  }
0xc6: {  	[sflag:s15] =	ssyncset.done $0x0  }
0xc7: {  	s22 =	simm.s32 $0x200;
	[sflag:s15] =	ssyncadd.s32 $0xFFFFFFB0  }
0xc8: {  	[tilespmem:s30], [sflag:$0x11] =	stream.indirect.gather [hbm4b:s5+s25], $0x80, s22, s25, $0xb8;
	[tilespmem:$0x1E800] =	vst v63  }
0xc9: {  	_ =	swait.ge [sflag:s17], $0x2800  }
0xca: {  	[sflag:s17] =	ssyncset.done $0x0  }
0xcb: {  	[sflag:s17] =	ssyncadd.s32 $0xFFFFD800  }
0xcc: {  	_ =	swait.ge [sflag:s18], $0x50  }
0xcd: {  	[sflag:s18] =	ssyncset.done $0x0  }
0xce: {  	s23 =	simm.s32 $0x580;
	[sflag:s18] =	ssyncadd.s32 $0xFFFFFFB0  }
0xcf: {  	[spmem:s2] =	stream.indirect.scatter.add.f32 [tilespmem:s11], [sflag:$0x18], $0x80, s23, s25, $0xb8;
	[tilespmem:$0x1E800] =	vst v63  }
0xd0: {  	_ =	swait.ge [sflag:s0], $0x2800  }
0xd1: {  	[sflag:s0] =	ssyncset.done $0x0  }
0xd2: {  	s19 =	simm.s32 @p1 $0x11;
	[sflag:s0] =	ssyncadd.s32 $0xFFFFD800  }
0xd3: {  	_ =	swait.ge @p1 [sflag:s19], $0x2800  }
0xd4: {  	[sflag:s19] =	ssyncset.done @p1 $0x0  }
0xd5: {  	[sflag:s19] =	ssyncadd.s32 @p1 $0xFFFFD800;
	s19 =	simm.s32 @p1 $0xD  }
0xd6: {  	_ =	swait.ge @p1 [sflag:s19], $0x50  }
0xd7: {  	s22 =	simm.s32 @p1 $0x600;
	[sflag:s19] =	ssyncset.done @p1 $0x0  }
0xd8: {  	s23 =	simm.s32 @p1 $0x800;
	[sflag:s19] =	ssyncadd.s32 @p1 $0xFFFFFFB0;
	s19 =	simm.s32 @p1 $0x50  }
0xd9: {  	[spmem:s2] =	stream.indirect.scatter.add.f32 @p1 [tilespmem:s23], [sflag:$0x15], $0x80, s22, s19, $0xb8;
	[tilespmem:$0x1E800] =	vst v63  }
0xda: {  	s19 =	simm.s32 @p1 $0x17  }
0xdb: {  	_ =	swait.ge @p1 [sflag:s19], $0x2800  }
0xdc: {  	[sflag:s19] =	ssyncset.done @p1 $0x0  }
0xdd: {  	[sflag:s19] =	ssyncadd.s32 @p1 $0xFFFFD800;
	s19 =	rddreg [dreg:$0x15]  }
0xde: {  	s22 =	simm.s32 @!p1 $0x80;
	s19 =	sadd.s32 @!p1 s1, s19  }
0xdf: {  	[tilespmem:s22], [sflag:$0x2] =	stream.linear.gather @!p1 [hbm4b:s19+s7], $0x50, $0x38;
	[tilespmem:$0x1E800] =	vst v63  }
0xe0: {  	s19 =	sadd.s32 @!p1 $0x5A, s8;
	s22 =	simm.s32 @!p1 $0x480  }
0xe1: {  	[tilespmem:s22], [sflag:$0xA] =	stream.linear.gather @!p1 [hbm4b:s19+s7], $0x50, $0x38;
	[tilespmem:$0x1E800] =	vst v63  }
0xe2: {  	s19 =	simm.s32 @!p1 $0x6  }
0xe3: {  	_ =	swait.ge @!p1 [sflag:s19], $0x50  }
0xe4: {  	s23 =	simm.s32 @!p1 $0x3000;
	[sflag:s19] =	ssyncset.done @!p1 $0x0  }
0xe5: {  	s22 =	simm.s32 @!p1 $0x280;
	[sflag:s19] =	ssyncadd.s32 @!p1 $0xFFFFFFB0;
	s19 =	simm.s32 @!p1 $0x50  }
0xe6: {  	[tilespmem:s23], [sflag:$0x12] =	stream.indirect.gather @!p1 [hbm4b:s5+s19], $0x80, s22, s19, $0xb8;
	[tilespmem:$0x1E800] =	vst v63  }
0xe7: {  	s22 =	simm.s32 @!p1 $0x11  }
0xe8: {  	_ =	swait.ge @!p1 [sflag:s22], $0x2800  }
0xe9: {  	[sflag:s22] =	ssyncset.done @!p1 $0x0  }
0xea: {  	[sflag:s22] =	ssyncadd.s32 @!p1 $0xFFFFD800;
	s22 =	simm.s32 @!p1 $0xD  }
0xeb: {  	_ =	swait.ge @!p1 [sflag:s22], $0x50  }
0xec: {  	[sflag:s22] =	ssyncset.done @!p1 $0x0  }
0xed: {  	s23 =	simm.s32 @!p1 $0x800;
	[sflag:s22] =	ssyncadd.s32 @!p1 $0xFFFFFFB0;
	s22 =	simm.s32 @!p1 $0x600  }
0xee: {  	[spmem:s2] =	stream.indirect.scatter.add.f32 @!p1 [tilespmem:s23], [sflag:$0x15], $0x80, s22, s19, $0xb8;
	[tilespmem:$0x1E800] =	vst v63  }
0xef: {  	s19 =	simm.s32 @!p1 $0x17  }
0xf0: {  	_ =	swait.ge @!p1 [sflag:s19], $0x2800  }
0xf1: {  	[sflag:s19] =	ssyncset.done @!p1 $0x0  }
0xf2: {  	[sflag:s19] =	ssyncadd.s32 @!p1 $0xFFFFD800;
	s19 =	rddreg [dreg:$0x14]  }
0xf3: {  	s22 =	simm.s32 @!p1 $0x100;
	s19 =	sadd.s32 @!p1 s1, s19  }
0xf4: {  	[tilespmem:s22], [sflag:$0x3] =	stream.linear.gather @!p1 [hbm4b:s19+s7], $0x50, $0x38;
	[tilespmem:$0x1E800] =	vst v63  }
0xf5: {  	s8 =	sadd.s32 @!p1 $0x64, s8;
	s19 =	simm.s32 @!p1 $0x500  }
0xf6: {  	[tilespmem:s19], [sflag:$0xB] =	stream.linear.gather @!p1 [hbm4b:s8+s7], $0x50, $0x38;
	[tilespmem:$0x1E800] =	vst v63  }
0xf7: {  	s7 =	simm.s32 @p0 $0x7  }
0xf8: {  	_ =	swait.ge @p0 [sflag:s7], $0x50  }
0xf9: {  	p2 =	sgt.u32 s6, $0xE;
	s8 =	simm.s32 @p0 $0x300;
	[sflag:s7] =	ssyncset.done @p0 $0x0  }
0xfa: {  	s19 =	simm.s32 @p0 $0x5800;
	[sflag:s7] =	ssyncadd.s32 @p0 $0xFFFFFFB0;
	s7 =	simm.s32 @p0 $0x50  }
0xfb: {  	[tilespmem:s19], [sflag:$0x13] =	stream.indirect.gather @p0 [hbm4b:s5+s7], $0x80, s8, s7, $0xb8;
	[tilespmem:$0x1E800] =	vst v63  }
0xfc: {  	s7 =	simm.s32 @!p2 $0x12  }
0xfd: {  	_ =	swait.ge @!p2 [sflag:s7], $0x2800  }
0xfe: {  	[sflag:s7] =	ssyncset.done @!p2 $0x0  }
0xff: {  	[sflag:s7] =	ssyncadd.s32 @!p2 $0xFFFFD800;
	s7 =	simm.s32 @!p2 $0xE  }
0x100: {  	_ =	swait.ge @!p2 [sflag:s7], $0x50  }
0x101: {  	s19 =	simm.s32 @!p2 $0x680;
	[sflag:s7] =	ssyncset.done @!p2 $0x0  }
0x102: {  	s8 =	simm.s32 @!p2 $0x3000;
	[sflag:s7] =	ssyncadd.s32 @!p2 $0xFFFFFFB0;
	s7 =	simm.s32 @!p2 $0x50  }
0x103: {  	[spmem:s2] =	stream.indirect.scatter.add.f32 @!p2 [tilespmem:s8], [sflag:$0x16], $0x80, s19, s7, $0xb8;
	[tilespmem:$0x1E800] =	vst v63  }
0x104: {  	s19 =	simm.s32 @!p2 $0x18  }
0x105: {  	_ =	swait.ge @!p2 [sflag:s19], $0x2800  }
0x106: {  	[sflag:s19] =	ssyncset.done @!p2 $0x0  }
0x107: {  	[sflag:s19] =	ssyncadd.s32 @!p2 $0xFFFFD800;
	s19 =	rddreg [dreg:$0x13]  }
0x108: {  	s23 =	simm.s32 @!p2 $0x180;
	s22 =	simm.s32 @!p2 $0x0;
	s19 =	sadd.s32 @!p2 s1, s19  }
0x109: {  	[tilespmem:s23], [sflag:$0x4] =	stream.linear.gather @!p2 [hbm4b:s19+s22], $0x50, $0x38;
	[tilespmem:$0x1E800] =	vst v63  }
0x10a: {  	s19 =	sadd.s32 @!p2 s1, s20  }
0x10b: {  	s23 =	simm.s32 @!p2 $0x580;
	s19 =	sadd.s32 @!p2 $0x6E, s19  }
0x10c: {  	[tilespmem:s23], [sflag:$0xC] =	stream.linear.gather @!p2 [hbm4b:s19+s22], $0x50, $0x38;
	[tilespmem:$0x1E800] =	vst v63  }
.Ltmp6:
0x10d: {  	s19 =	simm.s32 @!p2 $0x8;
	(pc) =	sbr.rel @!p0 .LBB2_9-.Ltmp6, $4  }
0x10e: {  	_ =	swait.ge @!p2 [sflag:s19], $0x50  }
0x10f: {  	[sflag:s19] =	ssyncset.done @!p2 $0x0  }
0x110: {  	s22 =	simm.s32 @!p2 $0x380;
	[sflag:s19] =	ssyncadd.s32 @!p2 $0xFFFFFFB0;
	s19 =	simm.s32 @!p2 $0x8000  }
0x111: {  	[tilespmem:s19], [sflag:$0x14] =	stream.indirect.gather @!p2 [hbm4b:s5+s7], $0x80, s22, s7, $0xb8;
	[tilespmem:$0x1E800] =	vst v63  }
0x112: {  	_ =	swait.ge [sflag:s13], $0x2800  }
0x113: {  	[sflag:s13] =	ssyncset.done $0x0  }
0x114: {  	s22 =	simm.s32 $0xF;
	[sflag:s13] =	ssyncadd.s32 $0xFFFFD800  }
0x115: {  	_ =	swait.ge [sflag:s22], $0x50  }
0x116: {  	[sflag:s22] =	ssyncset.done $0x0  }
.Ltmp7:
0x117: {  	s23 =	simm.s32 $0x700;
	[sflag:s22] =	ssyncadd.s32 $0xFFFFFFB0;
	(pc) =	sbr.rel @p1 .LBB2_10-.Ltmp7, $4  }
0x118: {  	[spmem:s2] =	stream.indirect.scatter.add.f32 [tilespmem:s29], [sflag:$0x17], $0x80, s23, s25, $0xb8;
	[tilespmem:$0x1E800] =	vst v63  }
0x119: {  	_ =	swait.ge [sflag:s31], $0x2800  }
0x11a: {  	[sflag:s31] =	ssyncset.done $0x0  }
0x11b: {  	[sflag:s31] =	ssyncadd.s32 $0xFFFFD800  }
0x11c: {  	s22 =	rddreg [dreg:$0x12]  }
0x11d: {  	s23 =	simm.s32 $0x200;
	s22 =	sadd.s32 s1, s22  }
0x11e: {  	[tilespmem:s23], [sflag:$0x5] =	stream.linear.gather [hbm4b:s22+s4], $0x50, $0x38;
	[tilespmem:$0x1E800] =	vst v63  }
0x11f: {  	s23 =	sadd.s32 s1, s20  }
0x120: {  	s22 =	sadd.s32 $0x78, s23;
	s23 =	simm.s32 $0x600  }
0x121: {  	[tilespmem:s23], [sflag:$0xD] =	stream.linear.gather [hbm4b:s22+s4], $0x50, $0x38;
	[tilespmem:$0x1E800] =	vst v63  }
.Ltmp8:
0x122: {  	s23 =	simm.s32 $0x1;
	(pc) =	sbr.rel .LBB2_9-.Ltmp8, $4  }
0x123: {  	_ =	swait.ge [sflag:s23], $0x50  }
0x124: {  	[sflag:s23] =	ssyncset.done $0x0  }
0x125: {  	[sflag:s23] =	ssyncadd.s32 $0xFFFFFFB0  }
0x126: {  	[tilespmem:s30], [sflag:$0x11] =	stream.indirect.gather [hbm4b:s5+s25], $0x80, s4, s25, $0xb8;
	[tilespmem:$0x1E800] =	vst v63  }
.LBB2_11:
0x127: {  	_ =	sfence.sel $0x180000  }
0x128: {  	[bflag:$0x0] =	sbarrier.arrive $0xFFFF  }
0x129: {  	_ =	strace $0x9000004A  }
0x12a: {  	s0 =	stileid.u32;
	[bflag:$0x2] =	sbarrier.arrive $0xFFFF  }
0x12b: {  	p0 =	sne.s32 s0, $0x0;
	s0 =	rddreg [dreg:$0x3]  }
0x12c: {  	s0 =	sadd.s32 @!p0 $0x100000, s0  }
0x12d: {  	[sflag:s0] =	ssyncadd.tile.s32 @!p0 $0x1;
	_ =	shalt  }
.Lfunc_end2:
_tile_overlayer_lowered:
.L_overlay_start_2:
0x12e: {  	(tag) =	ssettag $0x2  }
0x12f: {  	s0 =	rddreg [dreg:$0x0];
	s2 =	stileid.u32  }
0x130: {  	s1 =	rddreg [dreg:$0x1];
	p0 =	sne.s32 s2, $0x0  }
0x131: {  	s3 =	rddreg [dreg:$0x2];
	[bflag:$0x3] =	sbarrier.arrive $0xFFFF;
	s2 =	simm.s32 @!p0 $0x1C19  }
0x132: {  	[timem:s3], [sflag:s2] =	dma.local @!p0 [hbm:s0], s1  }
0x133: {  	s0 =	simm.s32 @!p0 $0x19  }
0x134: {  	_ =	swait.ge @!p0 [sflag:s0], s1  }
0x135: {  	s1 =	ssub.s32 @!p0 $0x0, s1;
	[sflag:s0] =	ssyncset.done @!p0 $0x0  }
0x136: {  	[sflag:s0] =	ssyncadd.s32 @!p0 s1  }
0x137: {  	[bflag:$0x3] =	sbarrier.arrive $0xFFFF  }
0x138: {  	_ =	shalt  }

</sc_bundles>
